<compile_context>
chip_gen: v7x
topology: tpu7x:2x2x1
jax: 0.10.2.dev20260603
libtpu: 0.0.44.dev20260713+nightly
codegen_flags: <defaults>
</compile_context>

<pallas_src>
import functools

import jax
import jax.numpy as jnp
from jax import lax
from jax.experimental import pallas as pl
from jax.experimental.pallas import tpu as pltpu
from jax.experimental.pallas import tpu_sc as plsc

N = 10000
NP = 10240
E = 320000
G = 128
DIN = 128
DHID = 64
NCLS = 4
NC = 2
NS = 16
NW = NC * NS
CH = 128
NCH = 80
EP = NW * NCH * CH
NCHT = 2 * NCH
NCH0 = 80
NCH1 = NCHT - NCH0
PH = 40
NBUF = 4
DAG = 64
ZR = NP // NS
BN = 1024
NB = NP // BN


def _sc_mesh():
    return plsc.VectorSubcoreMesh(
        core_axis_name="c", subcore_axis_name="s",
        num_cores=NC, num_subcores=NS)



def _make_count_kernel():
    D = 16

    @functools.partial(
        pl.kernel,
        out_type=jax.ShapeDtypeStruct((NC, NP, D), jnp.float32),
        mesh=_sc_mesh(),
        scratch_types=[
            pltpu.VMEM((NCH, CH), jnp.int32),
            pltpu.VMEM((CH, D), jnp.float32),
            pltpu.VMEM_SHARED((NP, D), jnp.float32),
        ],
        compiler_params=pltpu.CompilerParams(use_tc_tiling_on_sc=False),
    )
    def cnt_kernel(dst_hbm, out_hbm, idx_dst, rowbuf, acc):
        c = lax.axis_index("c")
        s = lax.axis_index("s")
        w = c * NS + s
        pltpu.sync_copy(dst_hbm.at[w], idx_dst)

        def zrow(r, carry):
            rowbuf[r, :] = jnp.zeros((16,), jnp.float32)
            return carry
        lax.fori_loop(0, CH, zrow, 0)
        for k in range(ZR // CH):
            pltpu.sync_copy(rowbuf, acc.at[pl.ds(s * ZR + k * CH, CH)])

        def orow(r, carry):
            rowbuf[r, :] = jnp.full((16,), 1.0, jnp.float32)
            return carry
        lax.fori_loop(0, CH, orow, 0)
        plsc.subcore_barrier()

        def body(j, carry):
            pltpu.sync_copy(rowbuf, acc.at[idx_dst.at[j]], add=True)
            return carry
        lax.fori_loop(0, NCH, body, 0)
        plsc.subcore_barrier()
        pltpu.sync_copy(acc.at[pl.ds(s * ZR, ZR)],
                        out_hbm.at[c, pl.ds(s * ZR, ZR)])

    return cnt_kernel


def _make_agg_kernel(H):
    D = DAG

    @functools.partial(
        pl.kernel,
        out_type=jax.ShapeDtypeStruct((NC, NP, DIN), jnp.float32),
        mesh=_sc_mesh(),
        scratch_types=[
            pltpu.VMEM((PH, CH), jnp.int32),
            pltpu.VMEM((PH, CH), jnp.int32),
            pltpu.VMEM((NBUF, CH, D), jnp.float32),
            pltpu.VMEM_SHARED((NP, D), jnp.float32),
            pltpu.VMEM_SHARED((NP, D), jnp.float32),
            pltpu.SemaphoreType.DMA,
        ],
        compiler_params=pltpu.CompilerParams(use_tc_tiling_on_sc=False),
    )
    def agg_kernel(hs_hbm, src_hbm, dst_hbm, out_hbm,
                   idx_src, idx_dst, rows, acc, hs_sp, gsem):
        c = lax.axis_index("c")
        s = lax.axis_index("s")
        base = jnp.where(c == 0, 0, NCH0)
        nphase = jnp.where(c == 0, NCH0 // PH, NCH1 // PH)
        nz = D // 16

        for h in range(H):
            def zrow(r, carry):
                def zcol(cc, carry2):
                    rows[0, r, pl.ds(cc * 16, 16)] = (
                        jnp.zeros((16,), jnp.float32))
                    return carry2
                return lax.fori_loop(0, nz, zcol, carry)
            lax.fori_loop(0, CH, zrow, 0)
            for k in range(ZR // CH):
                pltpu.sync_copy(rows.at[0], acc.at[pl.ds(s * ZR + k * CH, CH)])

            pltpu.sync_copy(hs_hbm.at[pl.ds(s * ZR, ZR), pl.ds(h * D, D)],
                            hs_sp.at[pl.ds(s * ZR, ZR)])
            plsc.subcore_barrier()

            def run_loop(gsrc):
                def phase(ph, carry):
                    pltpu.sync_copy(src_hbm.at[s, pl.ds(base + ph * PH, PH)],
                                    idx_src)
                    pltpu.sync_copy(dst_hbm.at[s, pl.ds(base + ph * PH, PH)],
                                    idx_dst)
                    for q in range(NBUF - 1):
                        pltpu.async_copy(gsrc.at[idx_src.at[q]],
                                         rows.at[q], gsem)

                    def body(j, carry2):
                        jb = lax.rem(j, NBUF)
                        pltpu.make_async_copy(gsrc.at[idx_src.at[j]],
                                              rows.at[jb], gsem).wait()

                        @pl.when(j < PH - (NBUF - 1))
                        def _prefetch():
                            pltpu.async_copy(
                                gsrc.at[idx_src.at[j + NBUF - 1]],
                                rows.at[lax.rem(j + NBUF - 1, NBUF)], gsem)

                        pltpu.sync_copy(rows.at[jb], acc.at[idx_dst.at[j]],
                                        add=True)
                        return carry2
                    lax.fori_loop(0, PH, body, 0)
                    return carry
                lax.fori_loop(0, nphase, phase, 0)

            run_loop(hs_sp)
            plsc.subcore_barrier()
            pltpu.sync_copy(acc.at[pl.ds(s * ZR, ZR)],
                            out_hbm.at[c, pl.ds(s * ZR, ZR),
                                       pl.ds(h * D, D)])

    return agg_kernel


_count_edges = _make_count_kernel()
_agg_h2 = _make_agg_kernel(2)
_agg_h1 = _make_agg_kernel(1)



def _k1a_body(x_ref, w_ref, hw_ref):
    hw_ref[...] = jnp.dot(x_ref[...], w_ref[...],
                          preferred_element_type=jnp.float32)


_k1a = pl.pallas_call(
    _k1a_body,
    grid=(NB,),
    in_specs=[
        pl.BlockSpec((BN, DIN), lambda i: (i, 0)),
        pl.BlockSpec((DIN, DIN), lambda i: (0, 0)),
    ],
    out_specs=pl.BlockSpec((BN, DIN), lambda i: (i, 0)),
    out_shape=jax.ShapeDtypeStruct((NP, DIN), jnp.float32),
)


def _k1b_body(cnt_ref, hw_ref, hs_ref, dinv_ref):
    ct = cnt_ref[...]
    csum = ct[0] + ct[1]
    deg = jnp.sum(csum, axis=1) * (1.0 / 16.0) + 1.0
    dinv = lax.rsqrt(deg)
    hs_ref[...] = hw_ref[...] * dinv[:, None]
    dinv_ref[0, 0, :] = dinv


_k1b = pl.pallas_call(
    _k1b_body,
    grid=(NB,),
    in_specs=[
        pl.BlockSpec((NC, BN, 16), lambda i: (0, i, 0)),
        pl.BlockSpec((BN, DIN), lambda i: (i, 0)),
    ],
    out_specs=[
        pl.BlockSpec((BN, DIN), lambda i: (i, 0)),
        pl.BlockSpec((1, 1, BN), lambda i: (i, 0, 0)),
    ],
    out_shape=[
        jax.ShapeDtypeStruct((NP, DIN), jnp.float32),
        jax.ShapeDtypeStruct((NB, 1, BN), jnp.float32),
    ],
)


def _k3_body(agg_ref, hs1_ref, dinv_ref, b_ref, w_ref, hs2_ref):
    dinv = dinv_ref[0, 0, :]
    m = agg_ref[0] + agg_ref[1] + hs1_ref[...]
    h1 = jnp.maximum(dinv[:, None] * m + b_ref[...], 0.0)
    hw = jnp.dot(h1, w_ref[...], preferred_element_type=jnp.float32)
    hs2_ref[...] = jnp.concatenate(
        [hw * dinv[:, None], jnp.zeros((BN, DIN - DHID), jnp.float32)],
        axis=1)


_k3 = pl.pallas_call(
    _k3_body,
    grid=(NB,),
    in_specs=[
        pl.BlockSpec((NC, BN, DIN), lambda i: (0, i, 0)),
        pl.BlockSpec((BN, DIN), lambda i: (i, 0)),
        pl.BlockSpec((1, 1, BN), lambda i: (i, 0, 0)),
        pl.BlockSpec((1, DIN), lambda i: (0, 0)),
        pl.BlockSpec((DIN, DHID), lambda i: (0, 0)),
    ],
    out_specs=pl.BlockSpec((BN, DIN), lambda i: (i, 0)),
    out_shape=jax.ShapeDtypeStruct((NP, DIN), jnp.float32),
)


def _k5_body(agg_ref, hs2_ref, dinv_ref, bg_ref, batch_ref,
             w1_ref, b1_ref, w2_ref, b2_ref, out_ref, sums_scr, cnt_scr):
    i = pl.program_id(0)

    @pl.when(i == 0)
    def _init():
        sums_scr[...] = jnp.zeros_like(sums_scr)
        cnt_scr[...] = jnp.zeros_like(cnt_scr)

    dinv = dinv_ref[0, 0, :]
    m = (agg_ref[0] + agg_ref[1] + hs2_ref[...])[:, :DHID]
    h2 = jnp.maximum(dinv[:, None] * m + bg_ref[...], 0.0)
    b = batch_ref[0, 0, :]
    gids = lax.broadcasted_iota(jnp.int32, (G, BN), 0)
    oh = (gids == b[None, :]).astype(jnp.float32)
    sums_scr[...] += jnp.dot(oh, h2, preferred_element_type=jnp.float32)
    cnt_scr[...] += jnp.sum(oh, axis=1)[:, None]

    @pl.when(i == NB - 1)
    def _final():
        pooled = sums_scr[...] / jnp.maximum(cnt_scr[...], 1.0)
        z = jnp.maximum(
            jnp.dot(pooled, w1_ref[...], preferred_element_type=jnp.float32)
            + b1_ref[...], 0.0)
        out_ref[...] = (
            jnp.dot(z, w2_ref[...], preferred_element_type=jnp.float32)
            + b2_ref[...])


_k5 = pl.pallas_call(
    _k5_body,
    grid=(NB,),
    in_specs=[
        pl.BlockSpec((NC, BN, DIN), lambda i: (0, i, 0)),
        pl.BlockSpec((BN, DIN), lambda i: (i, 0)),
        pl.BlockSpec((1, 1, BN), lambda i: (i, 0, 0)),
        pl.BlockSpec((1, DHID), lambda i: (0, 0)),
        pl.BlockSpec((1, 1, BN), lambda i: (i, 0, 0)),
        pl.BlockSpec((DHID, 32), lambda i: (0, 0)),
        pl.BlockSpec((1, 32), lambda i: (0, 0)),
        pl.BlockSpec((32, NCLS), lambda i: (0, 0)),
        pl.BlockSpec((1, NCLS), lambda i: (0, 0)),
    ],
    out_specs=pl.BlockSpec((G, NCLS), lambda i: (0, 0)),
    out_shape=jax.ShapeDtypeStruct((G, NCLS), jnp.float32),
    scratch_shapes=[
        pltpu.VMEM((G, DHID), jnp.float32),
        pltpu.VMEM((G, DHID), jnp.float32),
    ],
)



def kernel(x, edge_index, batch, W_enc, b_enc, W_gcn, b_gcn, W1, b1, W2, b2):
    src = edge_index[0].astype(jnp.int32)
    dst = edge_index[1].astype(jnp.int32)
    pad = EP - E
    src_f = jnp.concatenate([src, jnp.zeros((pad,), jnp.int32)])
    trash = N + jnp.arange(pad, dtype=jnp.int32) % (NP - N)
    dst_f = jnp.concatenate([dst, trash])
    dst_p = dst_f.reshape(NW, NCH, CH)
    src_a = src_f.reshape(NS, NCHT, CH)
    dst_a = dst_f.reshape(NS, NCHT, CH)
    x_p = jnp.pad(x, ((0, NP - N), (0, 0)))
    batch_p = jnp.pad(batch.astype(jnp.int32), (0, NP - N),
                      constant_values=G).reshape(NB, 1, BN)

    counts = _count_edges(dst_p)
    hw1 = _k1a(x_p, W_enc)
    hs1, dinv3 = _k1b(counts, hw1)
    agg1 = _agg_h2(hs1, src_a, dst_a)
    hs2 = _k3(agg1, hs1, dinv3, b_enc.reshape(1, DIN), W_gcn)
    agg2 = _agg_h1(hs2, src_a, dst_a)
    logits = _k5(agg2, hs2, dinv3, b_gcn.reshape(1, DHID), batch_p,
                 W1, b1.reshape(1, 32), W2, b2.reshape(1, NCLS))
    return logits

# --- scband reference (transcript-rebuilt; emitter-appended) ---
"""Pipeline reference for scband-graph-classifier-49392123904592 (READ-ONLY COPY).

The authoritative reference and input builder live on the scoring server;
editing this copy changes nothing except your own understanding.
"""

import jax, jax.numpy as jnp
import numpy as np

N = 10000
E = 320000
G = 128
D_IN = 128
D_HID = 64
NUM_CLASSES = 4


def setup_inputs(seed: int = 0) -> dict:
    key = jax.random.key(seed)
    ks = jax.random.split(key, 12)
    x = jax.random.normal(ks[0], (N, D_IN), dtype=jnp.float32)
    edge_index = jax.random.randint(ks[1], (2, E), 0, N, dtype=jnp.int64)
    batch = jnp.sort(jax.random.randint(ks[2], (N,), 0, G, dtype=jnp.int64))
    W_enc = jax.random.normal(ks[3], (D_IN, D_IN), dtype=jnp.float32) * 0.05
    b_enc = jnp.zeros((D_IN,), dtype=jnp.float32)
    W_gcn = jax.random.normal(ks[4], (D_IN, D_HID), dtype=jnp.float32) * 0.05
    b_gcn = jnp.zeros((D_HID,), dtype=jnp.float32)
    W1 = jax.random.normal(ks[5], (D_HID, 32), dtype=jnp.float32) * 0.05
    b1 = jnp.zeros((32,), dtype=jnp.float32)
    W2 = jax.random.normal(ks[6], (32, NUM_CLASSES), dtype=jnp.float32) * 0.05
    b2 = jnp.zeros((NUM_CLASSES,), dtype=jnp.float32)
    return {"x": x, "edge_index": edge_index, "batch": batch,
            "W_enc": W_enc, "b_enc": b_enc, "W_gcn": W_gcn, "b_gcn": b_gcn,
            "W1": W1, "b1": b1, "W2": W2, "b2": b2}


def _gcn_conv(x, src, dst, W, b, n):
    # PyG GCNConv: x @ W, then D^{-1/2} (A+I) D^{-1/2} aggregation, then bias
    h = x @ W
    ones = jnp.ones(src.shape[0], dtype=h.dtype)
    deg = jax.ops.segment_sum(ones, dst, num_segments=n)
    dinv = jnp.where(deg > 0, jax.lax.rsqrt(deg), 0.0)
    norm = dinv[src] * dinv[dst]
    msg = h[src] * norm[:, None]
    out = jax.ops.segment_sum(msg, dst, num_segments=n)
    return out + b


def reference(x, edge_index, batch, W_enc, b_enc, W_gcn, b_gcn, W1, b1, W2, b2):
    src = edge_index[0]
    dst = edge_index[1]
    loop = jnp.arange(N, dtype=src.dtype)
    src_sl = jnp.concatenate([src, loop])
    dst_sl = jnp.concatenate([dst, loop])
    # node encoder: GCNConv(128 -> 128) + ReLU
    h = jax.nn.relu(_gcn_conv(x, src_sl, dst_sl, W_enc, b_enc, N))
    # second GCN layer: GCNConv(128 -> 64) + ReLU
    h = jax.nn.relu(_gcn_conv(h, src_sl, dst_sl, W_gcn, b_gcn, N))
    # global mean pool over graphs
    sums = jax.ops.segment_sum(h, batch, num_segments=G)
    cnts = jax.ops.segment_sum(jnp.ones((N,), dtype=h.dtype), batch, num_segments=G)
    pooled = sums / jnp.clip(cnts, 1.0)[:, None]
    # classifier MLP (dropout is identity in eval mode)
    z = jax.nn.relu(pooled @ W1 + b1)
    logits = z @ W2 + b2
    return logits

if __name__ == "__main__":
    import jax
    _d = setup_inputs()
    print(jax.jit(kernel)(*tuple(_d.values())))

</pallas_src>

<mosaic_0001>
#map = affine_map<(d0, d1) -> (0, 0)>
#map1 = affine_map<(d0, d1) -> (0, 0, 0)>
module attributes {stable_mosaic.version = 14 : i64} {
  func.func @agg_kernel(%arg0: i32, %arg1: i32, %arg2: memref<10240x128xf32, #tpu.memory_space<hbm>>, %arg3: memref<16x160x128xi32, #tpu.memory_space<hbm>>, %arg4: memref<16x160x128xi32, #tpu.memory_space<hbm>>, %arg5: memref<2x10240x128xf32, #tpu.memory_space<hbm>>, %arg6: memref<40x128xi32, #tpu.memory_space<vmem>>, %arg7: memref<40x128xi32, #tpu.memory_space<vmem>>, %arg8: memref<4x128x64xf32, #tpu.memory_space<vmem>>, %arg9: memref<10240x64xf32, #tpu.memory_space<vmem_shared>>, %arg10: memref<10240x64xf32, #tpu.memory_space<vmem_shared>>, %arg11: memref<!tpu.dma_semaphore, #tpu.memory_space<semaphore_mem>>) attributes {dimension_semantics = [#tpu.dimension_semantics<core_parallel>, #tpu.dimension_semantics<subcore_parallel>], iteration_bounds = array<i64: 2, 16>, scalar_prefetch = 0 : i64, scratch_operands = 6 : i64, tpu.core_type = #tpu.core_type<sc_vector_subcore>, window_params = [{transform_indices = #map}, {transform_indices = #map1}, {transform_indices = #map1}, {transform_indices = #map1}]} {
    %eq3A = arith.constant 0 : i32
    %eq3A_0 = arith.cmpi eq, %arg0, %eq3A : i32
    %jit3A = arith.constant 0 : i32
    %jit3A_1 = arith.constant 80 : i32
    %select_n3A = arith.select %eq3A_0, %jit3A, %jit3A_1 : i32
    %eq3A_2 = arith.constant 0 : i32
    %eq3A_3 = arith.cmpi eq, %arg0, %eq3A_2 : i32
    %jit3A_4 = arith.constant 2 : i32
    %jit3A_5 = arith.constant 2 : i32
    %select_n3A_6 = arith.select %eq3A_3, %jit3A_4, %jit3A_5 : i32
    %scan3A = arith.constant 0 : i32
    %scan3A_7 = arith.constant 0 : i32
    %scan3A_8 = arith.constant 128 : i32
    %scan3A_9 = arith.addi %scan3A_7, %scan3A_8 : i32
    %scan3A_10 = arith.constant 1 : i32
    scf.for %scan3A_103 = %scan3A_7 to %scan3A_9 step %scan3A_10  : i32 {
      %scan3A_104 = arith.constant 0 : i32
      %scan3A_105 = arith.constant 4 : i32
      %scan3A_106 = arith.addi %scan3A_104, %scan3A_105 : i32
      %scan3A_107 = arith.constant 1 : i32
      scf.for %scan3A_109 = %scan3A_104 to %scan3A_106 step %scan3A_107  : i32 {
        %broadcast_in_dim3A = arith.constant 0.000000e+00 : f32
        %broadcast_in_dim3A_110 = vector.broadcast %broadcast_in_dim3A : f32 to vector<16xf32>
        %mul3A_111 = arith.constant 16 : i32
        %mul3A_112 = arith.muli %scan3A_109, %mul3A_111 : i32
        %swap3A = arith.constant 0 : i32
        %swap3A_113 = arith.index_cast %swap3A : i32 to index
        %swap3A_114 = arith.index_cast %scan3A_103 : i32 to index
        %swap3A_115 = arith.index_cast %mul3A_112 : i32 to index
        %swap3A_116 = tpu.vector_load %arg8[%swap3A_113, %swap3A_114, %swap3A_115] {strides = array<i32>} : memref<4x128x64xf32, #tpu.memory_space<vmem>>, vector<1x1x16xf32>,
        %swap3A_117 = vector.shape_cast %swap3A_116 : vector<1x1x16xf32> to vector<16xf32>
        %swap3A_118 = vector.shape_cast %broadcast_in_dim3A_110 : vector<16xf32> to vector<1x1x16xf32>
        tpu.vector_store %arg8[%swap3A_113, %swap3A_114, %swap3A_115], %swap3A_118 {strides = array<i32>} : memref<4x128x64xf32, #tpu.memory_space<vmem>>, vector<1x1x16xf32>,
      }
      %scan3A_108 = arith.constant 4 : i32
    }
    %scan3A_11 = arith.constant 128 : i32
    %mul3A = arith.constant 640 : i32
    %mul3A_12 = arith.muli %arg1, %mul3A : i32
    %add3A = arith.constant 0 : i32
    %add3A_13 = arith.addi %mul3A_12, %add3A : i32
    %run_scoped3A = arith.constant 0 : i32
    "tpu.region"() ({
      %run_scoped3A_103 = tpu.sem_alloc : memref<!tpu.dma_semaphore, #tpu.memory_space<semaphore_mem>>
      %dma_start3A = arith.constant 0 : i32
      %dma_start3A_104 = arith.constant 0 : i32
      %dma_start3A_105 = tpu.memref_slice %arg8[%run_scoped3A, %dma_start3A, %dma_start3A_104] : memref<4x128x64xf32, #tpu.memory_space<vmem>> -> memref<1x128x64xf32, #tpu.memory_space<vmem>>
      %dma_start3A_106 = tpu.memref_squeeze %dma_start3A_105 : memref<1x128x64xf32, #tpu.memory_space<vmem>> -> memref<128x64xf32, #tpu.memory_space<vmem>>
      %dma_start3A_107 = arith.constant 0 : i32
      %dma_start3A_108 = tpu.memref_slice %arg9[%add3A_13, %dma_start3A_107] : memref<10240x64xf32, #tpu.memory_space<vmem_shared>> -> memref<128x64xf32, #tpu.memory_space<vmem_shared>>
      %dma_start3A_109 = arith.constant 0 : i32
      %dma_start3A_110 = tpu.memref_slice %arg9[%add3A_13, %dma_start3A_109] : memref<10240x64xf32, #tpu.memory_space<vmem_shared>> -> memref<128x64xf32, #tpu.memory_space<vmem_shared>>
      %dma_start3A_111 = arith.constant 0 : i32
      %dma_start3A_112 = arith.constant 0 : i32
      %dma_start3A_113 = tpu.memref_slice %arg8[%run_scoped3A, %dma_start3A_111, %dma_start3A_112] : memref<4x128x64xf32, #tpu.memory_space<vmem>> -> memref<1x128x64xf32, #tpu.memory_space<vmem>>
      %dma_start3A_114 = tpu.memref_squeeze %dma_start3A_113 : memref<1x128x64xf32, #tpu.memory_space<vmem>> -> memref<128x64xf32, #tpu.memory_space<vmem>>
      tpu.enqueue_dma source(%dma_start3A_114 : memref<128x64xf32, #tpu.memory_space<vmem>>) target(%dma_start3A_110 : memref<128x64xf32, #tpu.memory_space<vmem_shared>>) target_semaphore(%run_scoped3A_103 : memref<!tpu.dma_semaphore, #tpu.memory_space<semaphore_mem>>)
      %dma_wait3A = arith.constant 0 : i32
      %dma_wait3A_115 = arith.constant 0 : i32
      %dma_wait3A_116 = tpu.memref_slice %arg8[%run_scoped3A, %dma_wait3A, %dma_wait3A_115] : memref<4x128x64xf32, #tpu.memory_space<vmem>> -> memref<1x128x64xf32, #tpu.memory_space<vmem>>
      %dma_wait3A_117 = tpu.memref_squeeze %dma_wait3A_116 : memref<1x128x64xf32, #tpu.memory_space<vmem>> -> memref<128x64xf32, #tpu.memory_space<vmem>>
      %dma_wait3A_118 = arith.constant 0 : i32
      %dma_wait3A_119 = tpu.memref_slice %arg9[%add3A_13, %dma_wait3A_118] : memref<10240x64xf32, #tpu.memory_space<vmem_shared>> -> memref<128x64xf32, #tpu.memory_space<vmem_shared>>
      %dma_wait3A_120 = arith.constant 0 : i32
      %dma_wait3A_121 = tpu.memref_slice %arg9[%add3A_13, %dma_wait3A_120] : memref<10240x64xf32, #tpu.memory_space<vmem_shared>> -> memref<128x64xf32, #tpu.memory_space<vmem_shared>>
      %dma_wait3A_122 = arith.constant 0 : i32
      %dma_wait3A_123 = arith.constant 0 : i32
      %dma_wait3A_124 = tpu.memref_slice %arg8[%run_scoped3A, %dma_wait3A_122, %dma_wait3A_123] : memref<4x128x64xf32, #tpu.memory_space<vmem>> -> memref<1x128x64xf32, #tpu.memory_space<vmem>>
      %dma_wait3A_125 = tpu.memref_squeeze %dma_wait3A_124 : memref<1x128x64xf32, #tpu.memory_space<vmem>> -> memref<128x64xf32, #tpu.memory_space<vmem>>
      tpu.wait_dma2 semaphore(%run_scoped3A_103 : memref<!tpu.dma_semaphore, #tpu.memory_space<semaphore_mem>>) src(%dma_wait3A_125 : memref<128x64xf32, #tpu.memory_space<vmem>>) dst(%dma_wait3A_121 : memref<128x64xf32, #tpu.memory_space<vmem_shared>>)
      tpu.yield
    }) : () -> ()
    %mul3A_14 = arith.constant 640 : i32
    %mul3A_15 = arith.muli %arg1, %mul3A_14 : i32
    %add3A_16 = arith.constant 128 : i32
    %add3A_17 = arith.addi %mul3A_15, %add3A_16 : i32
    %run_scoped3A_18 = arith.constant 0 : i32
    "tpu.region"() ({
      %run_scoped3A_103 = tpu.sem_alloc : memref<!tpu.dma_semaphore, #tpu.memory_space<semaphore_mem>>
      %dma_start3A = arith.constant 0 : i32
      %dma_start3A_104 = arith.constant 0 : i32
      %dma_start3A_105 = tpu.memref_slice %arg8[%run_scoped3A_18, %dma_start3A, %dma_start3A_104] : memref<4x128x64xf32, #tpu.memory_space<vmem>> -> memref<1x128x64xf32, #tpu.memory_space<vmem>>
      %dma_start3A_106 = tpu.memref_squeeze %dma_start3A_105 : memref<1x128x64xf32, #tpu.memory_space<vmem>> -> memref<128x64xf32, #tpu.memory_space<vmem>>
      %dma_start3A_107 = arith.constant 0 : i32
      %dma_start3A_108 = tpu.memref_slice %arg9[%add3A_17, %dma_start3A_107] : memref<10240x64xf32, #tpu.memory_space<vmem_shared>> -> memref<128x64xf32, #tpu.memory_space<vmem_shared>>
      %dma_start3A_109 = arith.constant 0 : i32
      %dma_start3A_110 = tpu.memref_slice %arg9[%add3A_17, %dma_start3A_109] : memref<10240x64xf32, #tpu.memory_space<vmem_shared>> -> memref<128x64xf32, #tpu.memory_space<vmem_shared>>
      %dma_start3A_111 = arith.constant 0 : i32
      %dma_start3A_112 = arith.constant 0 : i32
      %dma_start3A_113 = tpu.memref_slice %arg8[%run_scoped3A_18, %dma_start3A_111, %dma_start3A_112] : memref<4x128x64xf32, #tpu.memory_space<vmem>> -> memref<1x128x64xf32, #tpu.memory_space<vmem>>
      %dma_start3A_114 = tpu.memref_squeeze %dma_start3A_113 : memref<1x128x64xf32, #tpu.memory_space<vmem>> -> memref<128x64xf32, #tpu.memory_space<vmem>>
      tpu.enqueue_dma source(%dma_start3A_114 : memref<128x64xf32, #tpu.memory_space<vmem>>) target(%dma_start3A_110 : memref<128x64xf32, #tpu.memory_space<vmem_shared>>) target_semaphore(%run_scoped3A_103 : memref<!tpu.dma_semaphore, #tpu.memory_space<semaphore_mem>>)
      %dma_wait3A = arith.constant 0 : i32
      %dma_wait3A_115 = arith.constant 0 : i32
      %dma_wait3A_116 = tpu.memref_slice %arg8[%run_scoped3A_18, %dma_wait3A, %dma_wait3A_115] : memref<4x128x64xf32, #tpu.memory_space<vmem>> -> memref<1x128x64xf32, #tpu.memory_space<vmem>>
      %dma_wait3A_117 = tpu.memref_squeeze %dma_wait3A_116 : memref<1x128x64xf32, #tpu.memory_space<vmem>> -> memref<128x64xf32, #tpu.memory_space<vmem>>
      %dma_wait3A_118 = arith.constant 0 : i32
      %dma_wait3A_119 = tpu.memref_slice %arg9[%add3A_17, %dma_wait3A_118] : memref<10240x64xf32, #tpu.memory_space<vmem_shared>> -> memref<128x64xf32, #tpu.memory_space<vmem_shared>>
      %dma_wait3A_120 = arith.constant 0 : i32
      %dma_wait3A_121 = tpu.memref_slice %arg9[%add3A_17, %dma_wait3A_120] : memref<10240x64xf32, #tpu.memory_space<vmem_shared>> -> memref<128x64xf32, #tpu.memory_space<vmem_shared>>
      %dma_wait3A_122 = arith.constant 0 : i32
      %dma_wait3A_123 = arith.constant 0 : i32
      %dma_wait3A_124 = tpu.memref_slice %arg8[%run_scoped3A_18, %dma_wait3A_122, %dma_wait3A_123] : memref<4x128x64xf32, #tpu.memory_space<vmem>> -> memref<1x128x64xf32, #tpu.memory_space<vmem>>
      %dma_wait3A_125 = tpu.memref_squeeze %dma_wait3A_124 : memref<1x128x64xf32, #tpu.memory_space<vmem>> -> memref<128x64xf32, #tpu.memory_space<vmem>>
      tpu.wait_dma2 semaphore(%run_scoped3A_103 : memref<!tpu.dma_semaphore, #tpu.memory_space<semaphore_mem>>) src(%dma_wait3A_125 : memref<128x64xf32, #tpu.memory_space<vmem>>) dst(%dma_wait3A_121 : memref<128x64xf32, #tpu.memory_space<vmem_shared>>)
      tpu.yield
    }) : () -> ()
    %mul3A_19 = arith.constant 640 : i32
    %mul3A_20 = arith.muli %arg1, %mul3A_19 : i32
    %add3A_21 = arith.constant 256 : i32
    %add3A_22 = arith.addi %mul3A_20, %add3A_21 : i32
    %run_scoped3A_23 = arith.constant 0 : i32
    "tpu.region"() ({
      %run_scoped3A_103 = tpu.sem_alloc : memref<!tpu.dma_semaphore, #tpu.memory_space<semaphore_mem>>
      %dma_start3A = arith.constant 0 : i32
      %dma_start3A_104 = arith.constant 0 : i32
      %dma_start3A_105 = tpu.memref_slice %arg8[%run_scoped3A_23, %dma_start3A, %dma_start3A_104] : memref<4x128x64xf32, #tpu.memory_space<vmem>> -> memref<1x128x64xf32, #tpu.memory_space<vmem>>
      %dma_start3A_106 = tpu.memref_squeeze %dma_start3A_105 : memref<1x128x64xf32, #tpu.memory_space<vmem>> -> memref<128x64xf32, #tpu.memory_space<vmem>>
      %dma_start3A_107 = arith.constant 0 : i32
      %dma_start3A_108 = tpu.memref_slice %arg9[%add3A_22, %dma_start3A_107] : memref<10240x64xf32, #tpu.memory_space<vmem_shared>> -> memref<128x64xf32, #tpu.memory_space<vmem_shared>>
      %dma_start3A_109 = arith.constant 0 : i32
      %dma_start3A_110 = tpu.memref_slice %arg9[%add3A_22, %dma_start3A_109] : memref<10240x64xf32, #tpu.memory_space<vmem_shared>> -> memref<128x64xf32, #tpu.memory_space<vmem_shared>>
      %dma_start3A_111 = arith.constant 0 : i32
      %dma_start3A_112 = arith.constant 0 : i32
      %dma_start3A_113 = tpu.memref_slice %arg8[%run_scoped3A_23, %dma_start3A_111, %dma_start3A_112] : memref<4x128x64xf32, #tpu.memory_space<vmem>> -> memref<1x128x64xf32, #tpu.memory_space<vmem>>
      %dma_start3A_114 = tpu.memref_squeeze %dma_start3A_113 : memref<1x128x64xf32, #tpu.memory_space<vmem>> -> memref<128x64xf32, #tpu.memory_space<vmem>>
      tpu.enqueue_dma source(%dma_start3A_114 : memref<128x64xf32, #tpu.memory_space<vmem>>) target(%dma_start3A_110 : memref<128x64xf32, #tpu.memory_space<vmem_shared>>) target_semaphore(%run_scoped3A_103 : memref<!tpu.dma_semaphore, #tpu.memory_space<semaphore_mem>>)
      %dma_wait3A = arith.constant 0 : i32
      %dma_wait3A_115 = arith.constant 0 : i32
      %dma_wait3A_116 = tpu.memref_slice %arg8[%run_scoped3A_23, %dma_wait3A, %dma_wait3A_115] : memref<4x128x64xf32, #tpu.memory_space<vmem>> -> memref<1x128x64xf32, #tpu.memory_space<vmem>>
      %dma_wait3A_117 = tpu.memref_squeeze %dma_wait3A_116 : memref<1x128x64xf32, #tpu.memory_space<vmem>> -> memref<128x64xf32, #tpu.memory_space<vmem>>
      %dma_wait3A_118 = arith.constant 0 : i32
      %dma_wait3A_119 = tpu.memref_slice %arg9[%add3A_22, %dma_wait3A_118] : memref<10240x64xf32, #tpu.memory_space<vmem_shared>> -> memref<128x64xf32, #tpu.memory_space<vmem_shared>>
      %dma_wait3A_120 = arith.constant 0 : i32
      %dma_wait3A_121 = tpu.memref_slice %arg9[%add3A_22, %dma_wait3A_120] : memref<10240x64xf32, #tpu.memory_space<vmem_shared>> -> memref<128x64xf32, #tpu.memory_space<vmem_shared>>
      %dma_wait3A_122 = arith.constant 0 : i32
      %dma_wait3A_123 = arith.constant 0 : i32
      %dma_wait3A_124 = tpu.memref_slice %arg8[%run_scoped3A_23, %dma_wait3A_122, %dma_wait3A_123] : memref<4x128x64xf32, #tpu.memory_space<vmem>> -> memref<1x128x64xf32, #tpu.memory_space<vmem>>
      %dma_wait3A_125 = tpu.memref_squeeze %dma_wait3A_124 : memref<1x128x64xf32, #tpu.memory_space<vmem>> -> memref<128x64xf32, #tpu.memory_space<vmem>>
      tpu.wait_dma2 semaphore(%run_scoped3A_103 : memref<!tpu.dma_semaphore, #tpu.memory_space<semaphore_mem>>) src(%dma_wait3A_125 : memref<128x64xf32, #tpu.memory_space<vmem>>) dst(%dma_wait3A_121 : memref<128x64xf32, #tpu.memory_space<vmem_shared>>)
      tpu.yield
    }) : () -> ()
    %mul3A_24 = arith.constant 640 : i32
    %mul3A_25 = arith.muli %arg1, %mul3A_24 : i32
    %add3A_26 = arith.constant 384 : i32
    %add3A_27 = arith.addi %mul3A_25, %add3A_26 : i32
    %run_scoped3A_28 = arith.constant 0 : i32
    "tpu.region"() ({
      %run_scoped3A_103 = tpu.sem_alloc : memref<!tpu.dma_semaphore, #tpu.memory_space<semaphore_mem>>
      %dma_start3A = arith.constant 0 : i32
      %dma_start3A_104 = arith.constant 0 : i32
      %dma_start3A_105 = tpu.memref_slice %arg8[%run_scoped3A_28, %dma_start3A, %dma_start3A_104] : memref<4x128x64xf32, #tpu.memory_space<vmem>> -> memref<1x128x64xf32, #tpu.memory_space<vmem>>
      %dma_start3A_106 = tpu.memref_squeeze %dma_start3A_105 : memref<1x128x64xf32, #tpu.memory_space<vmem>> -> memref<128x64xf32, #tpu.memory_space<vmem>>
      %dma_start3A_107 = arith.constant 0 : i32
      %dma_start3A_108 = tpu.memref_slice %arg9[%add3A_27, %dma_start3A_107] : memref<10240x64xf32, #tpu.memory_space<vmem_shared>> -> memref<128x64xf32, #tpu.memory_space<vmem_shared>>
      %dma_start3A_109 = arith.constant 0 : i32
      %dma_start3A_110 = tpu.memref_slice %arg9[%add3A_27, %dma_start3A_109] : memref<10240x64xf32, #tpu.memory_space<vmem_shared>> -> memref<128x64xf32, #tpu.memory_space<vmem_shared>>
      %dma_start3A_111 = arith.constant 0 : i32
      %dma_start3A_112 = arith.constant 0 : i32
      %dma_start3A_113 = tpu.memref_slice %arg8[%run_scoped3A_28, %dma_start3A_111, %dma_start3A_112] : memref<4x128x64xf32, #tpu.memory_space<vmem>> -> memref<1x128x64xf32, #tpu.memory_space<vmem>>
      %dma_start3A_114 = tpu.memref_squeeze %dma_start3A_113 : memref<1x128x64xf32, #tpu.memory_space<vmem>> -> memref<128x64xf32, #tpu.memory_space<vmem>>
      tpu.enqueue_dma source(%dma_start3A_114 : memref<128x64xf32, #tpu.memory_space<vmem>>) target(%dma_start3A_110 : memref<128x64xf32, #tpu.memory_space<vmem_shared>>) target_semaphore(%run_scoped3A_103 : memref<!tpu.dma_semaphore, #tpu.memory_space<semaphore_mem>>)
      %dma_wait3A = arith.constant 0 : i32
      %dma_wait3A_115 = arith.constant 0 : i32
      %dma_wait3A_116 = tpu.memref_slice %arg8[%run_scoped3A_28, %dma_wait3A, %dma_wait3A_115] : memref<4x128x64xf32, #tpu.memory_space<vmem>> -> memref<1x128x64xf32, #tpu.memory_space<vmem>>
      %dma_wait3A_117 = tpu.memref_squeeze %dma_wait3A_116 : memref<1x128x64xf32, #tpu.memory_space<vmem>> -> memref<128x64xf32, #tpu.memory_space<vmem>>
      %dma_wait3A_118 = arith.constant 0 : i32
      %dma_wait3A_119 = tpu.memref_slice %arg9[%add3A_27, %dma_wait3A_118] : memref<10240x64xf32, #tpu.memory_space<vmem_shared>> -> memref<128x64xf32, #tpu.memory_space<vmem_shared>>
      %dma_wait3A_120 = arith.constant 0 : i32
      %dma_wait3A_121 = tpu.memref_slice %arg9[%add3A_27, %dma_wait3A_120] : memref<10240x64xf32, #tpu.memory_space<vmem_shared>> -> memref<128x64xf32, #tpu.memory_space<vmem_shared>>
      %dma_wait3A_122 = arith.constant 0 : i32
      %dma_wait3A_123 = arith.constant 0 : i32
      %dma_wait3A_124 = tpu.memref_slice %arg8[%run_scoped3A_28, %dma_wait3A_122, %dma_wait3A_123] : memref<4x128x64xf32, #tpu.memory_space<vmem>> -> memref<1x128x64xf32, #tpu.memory_space<vmem>>
      %dma_wait3A_125 = tpu.memref_squeeze %dma_wait3A_124 : memref<1x128x64xf32, #tpu.memory_space<vmem>> -> memref<128x64xf32, #tpu.memory_space<vmem>>
      tpu.wait_dma2 semaphore(%run_scoped3A_103 : memref<!tpu.dma_semaphore, #tpu.memory_space<semaphore_mem>>) src(%dma_wait3A_125 : memref<128x64xf32, #tpu.memory_space<vmem>>) dst(%dma_wait3A_121 : memref<128x64xf32, #tpu.memory_space<vmem_shared>>)
      tpu.yield
    }) : () -> ()
    %mul3A_29 = arith.constant 640 : i32
    %mul3A_30 = arith.muli %arg1, %mul3A_29 : i32
    %add3A_31 = arith.constant 512 : i32
    %add3A_32 = arith.addi %mul3A_30, %add3A_31 : i32
    %run_scoped3A_33 = arith.constant 0 : i32
    "tpu.region"() ({
      %run_scoped3A_103 = tpu.sem_alloc : memref<!tpu.dma_semaphore, #tpu.memory_space<semaphore_mem>>
      %dma_start3A = arith.constant 0 : i32
      %dma_start3A_104 = arith.constant 0 : i32
      %dma_start3A_105 = tpu.memref_slice %arg8[%run_scoped3A_33, %dma_start3A, %dma_start3A_104] : memref<4x128x64xf32, #tpu.memory_space<vmem>> -> memref<1x128x64xf32, #tpu.memory_space<vmem>>
      %dma_start3A_106 = tpu.memref_squeeze %dma_start3A_105 : memref<1x128x64xf32, #tpu.memory_space<vmem>> -> memref<128x64xf32, #tpu.memory_space<vmem>>
      %dma_start3A_107 = arith.constant 0 : i32
      %dma_start3A_108 = tpu.memref_slice %arg9[%add3A_32, %dma_start3A_107] : memref<10240x64xf32, #tpu.memory_space<vmem_shared>> -> memref<128x64xf32, #tpu.memory_space<vmem_shared>>
      %dma_start3A_109 = arith.constant 0 : i32
      %dma_start3A_110 = tpu.memref_slice %arg9[%add3A_32, %dma_start3A_109] : memref<10240x64xf32, #tpu.memory_space<vmem_shared>> -> memref<128x64xf32, #tpu.memory_space<vmem_shared>>
      %dma_start3A_111 = arith.constant 0 : i32
      %dma_start3A_112 = arith.constant 0 : i32
      %dma_start3A_113 = tpu.memref_slice %arg8[%run_scoped3A_33, %dma_start3A_111, %dma_start3A_112] : memref<4x128x64xf32, #tpu.memory_space<vmem>> -> memref<1x128x64xf32, #tpu.memory_space<vmem>>
      %dma_start3A_114 = tpu.memref_squeeze %dma_start3A_113 : memref<1x128x64xf32, #tpu.memory_space<vmem>> -> memref<128x64xf32, #tpu.memory_space<vmem>>
      tpu.enqueue_dma source(%dma_start3A_114 : memref<128x64xf32, #tpu.memory_space<vmem>>) target(%dma_start3A_110 : memref<128x64xf32, #tpu.memory_space<vmem_shared>>) target_semaphore(%run_scoped3A_103 : memref<!tpu.dma_semaphore, #tpu.memory_space<semaphore_mem>>)
      %dma_wait3A = arith.constant 0 : i32
      %dma_wait3A_115 = arith.constant 0 : i32
      %dma_wait3A_116 = tpu.memref_slice %arg8[%run_scoped3A_33, %dma_wait3A, %dma_wait3A_115] : memref<4x128x64xf32, #tpu.memory_space<vmem>> -> memref<1x128x64xf32, #tpu.memory_space<vmem>>
      %dma_wait3A_117 = tpu.memref_squeeze %dma_wait3A_116 : memref<1x128x64xf32, #tpu.memory_space<vmem>> -> memref<128x64xf32, #tpu.memory_space<vmem>>
      %dma_wait3A_118 = arith.constant 0 : i32
      %dma_wait3A_119 = tpu.memref_slice %arg9[%add3A_32, %dma_wait3A_118] : memref<10240x64xf32, #tpu.memory_space<vmem_shared>> -> memref<128x64xf32, #tpu.memory_space<vmem_shared>>
      %dma_wait3A_120 = arith.constant 0 : i32
      %dma_wait3A_121 = tpu.memref_slice %arg9[%add3A_32, %dma_wait3A_120] : memref<10240x64xf32, #tpu.memory_space<vmem_shared>> -> memref<128x64xf32, #tpu.memory_space<vmem_shared>>
      %dma_wait3A_122 = arith.constant 0 : i32
      %dma_wait3A_123 = arith.constant 0 : i32
      %dma_wait3A_124 = tpu.memref_slice %arg8[%run_scoped3A_33, %dma_wait3A_122, %dma_wait3A_123] : memref<4x128x64xf32, #tpu.memory_space<vmem>> -> memref<1x128x64xf32, #tpu.memory_space<vmem>>
      %dma_wait3A_125 = tpu.memref_squeeze %dma_wait3A_124 : memref<1x128x64xf32, #tpu.memory_space<vmem>> -> memref<128x64xf32, #tpu.memory_space<vmem>>
      tpu.wait_dma2 semaphore(%run_scoped3A_103 : memref<!tpu.dma_semaphore, #tpu.memory_space<semaphore_mem>>) src(%dma_wait3A_125 : memref<128x64xf32, #tpu.memory_space<vmem>>) dst(%dma_wait3A_121 : memref<128x64xf32, #tpu.memory_space<vmem_shared>>)
      tpu.yield
    }) : () -> ()
    %mul3A_34 = arith.constant 640 : i32
    %mul3A_35 = arith.muli %arg1, %mul3A_34 : i32
    %mul3A_36 = arith.constant 640 : i32
    %mul3A_37 = arith.muli %arg1, %mul3A_36 : i32
    "tpu.region"() ({
      %run_scoped3A_103 = tpu.sem_alloc : memref<!tpu.dma_semaphore, #tpu.memory_space<semaphore_mem>>
      %dma_start3A = arith.constant 0 : i32
      %dma_start3A_104 = tpu.memref_slice %arg10[%mul3A_37, %dma_start3A] : memref<10240x64xf32, #tpu.memory_space<vmem_shared>> -> memref<640x64xf32, #tpu.memory_space<vmem_shared>>
      %dma_start3A_105 = arith.constant 0 : i32
      %dma_start3A_106 = tpu.memref_slice %arg2[%mul3A_35, %dma_start3A_105] : memref<10240x128xf32, #tpu.memory_space<hbm>> -> memref<640x64xf32, #tpu.memory_space<hbm>>
      tpu.enqueue_dma source(%dma_start3A_106 : memref<640x64xf32, #tpu.memory_space<hbm>>) target(%dma_start3A_104 : memref<640x64xf32, #tpu.memory_space<vmem_shared>>) target_semaphore(%run_scoped3A_103 : memref<!tpu.dma_semaphore, #tpu.memory_space<semaphore_mem>>)
      %dma_wait3A = arith.constant 0 : i32
      %dma_wait3A_107 = tpu.memref_slice %arg10[%mul3A_37, %dma_wait3A] : memref<10240x64xf32, #tpu.memory_space<vmem_shared>> -> memref<640x64xf32, #tpu.memory_space<vmem_shared>>
      %dma_wait3A_108 = arith.constant 0 : i32
      %dma_wait3A_109 = tpu.memref_slice %arg2[%mul3A_35, %dma_wait3A_108] : memref<10240x128xf32, #tpu.memory_space<hbm>> -> memref<640x64xf32, #tpu.memory_space<hbm>>
      tpu.wait_dma2 semaphore(%run_scoped3A_103 : memref<!tpu.dma_semaphore, #tpu.memory_space<semaphore_mem>>) src(%dma_wait3A_109 : memref<640x64xf32, #tpu.memory_space<hbm>>) dst(%dma_wait3A_107 : memref<640x64xf32, #tpu.memory_space<vmem_shared>>)
      tpu.yield
    }) : () -> ()
    %barrier3A = arith.constant 0 : index
    tpu.barrier barrier_id(%barrier3A)
    %while3A = arith.constant 0 : i32
    %while3A_38 = arith.constant 0 : i32
    %while3A_39 = arith.subi %select_n3A_6, %while3A_38 : i32
    %while3A_40 = arith.addi %while3A_38, %while3A_39 : i32
    %while3A_41 = arith.constant 1 : i32
    %while3A_42 = arith.divsi %while3A_39, %while3A_41 : i32
    %while3A_43 = arith.muli %while3A_42, %while3A_41 : i32
    %while3A_44 = arith.addi %while3A_38, %while3A_43 : i32
    %while3A_45 = arith.constant 1 : i32
    scf.for %while3A_103 = %while3A_38 to %while3A_44 step %while3A_45  : i32 {
      %mul3A_104 = arith.constant 40 : i32
      %mul3A_105 = arith.muli %while3A_103, %mul3A_104 : i32
      %add3A_106 = arith.addi %select_n3A, %mul3A_105 : i32
      "tpu.region"() ({
        %run_scoped3A_151 = tpu.sem_alloc : memref<!tpu.dma_semaphore, #tpu.memory_space<semaphore_mem>>
        %dma_start3A_152 = arith.constant 0 : i32
        %dma_start3A_153 = tpu.memref_slice %arg3[%arg1, %add3A_106, %dma_start3A_152] : memref<16x160x128xi32, #tpu.memory_space<hbm>> -> memref<1x40x128xi32, #tpu.memory_space<hbm>>
        %dma_start3A_154 = tpu.memref_squeeze %dma_start3A_153 : memref<1x40x128xi32, #tpu.memory_space<hbm>> -> memref<40x128xi32, #tpu.memory_space<hbm>>
        %dma_start3A_155 = arith.constant 0 : i32
        %dma_start3A_156 = tpu.memref_slice %arg3[%arg1, %add3A_106, %dma_start3A_155] : memref<16x160x128xi32, #tpu.memory_space<hbm>> -> memref<1x40x128xi32, #tpu.memory_space<hbm>>
        %dma_start3A_157 = tpu.memref_squeeze %dma_start3A_156 : memref<1x40x128xi32, #tpu.memory_space<hbm>> -> memref<40x128xi32, #tpu.memory_space<hbm>>
        tpu.enqueue_dma source(%dma_start3A_157 : memref<40x128xi32, #tpu.memory_space<hbm>>) target(%arg6 : memref<40x128xi32, #tpu.memory_space<vmem>>) target_semaphore(%run_scoped3A_151 : memref<!tpu.dma_semaphore, #tpu.memory_space<semaphore_mem>>)
        %dma_wait3A = arith.constant 0 : i32
        %dma_wait3A_158 = tpu.memref_slice %arg3[%arg1, %add3A_106, %dma_wait3A] : memref<16x160x128xi32, #tpu.memory_space<hbm>> -> memref<1x40x128xi32, #tpu.memory_space<hbm>>
        %dma_wait3A_159 = tpu.memref_squeeze %dma_wait3A_158 : memref<1x40x128xi32, #tpu.memory_space<hbm>> -> memref<40x128xi32, #tpu.memory_space<hbm>>
        %dma_wait3A_160 = arith.constant 0 : i32
        %dma_wait3A_161 = tpu.memref_slice %arg3[%arg1, %add3A_106, %dma_wait3A_160] : memref<16x160x128xi32, #tpu.memory_space<hbm>> -> memref<1x40x128xi32, #tpu.memory_space<hbm>>
        %dma_wait3A_162 = tpu.memref_squeeze %dma_wait3A_161 : memref<1x40x128xi32, #tpu.memory_space<hbm>> -> memref<40x128xi32, #tpu.memory_space<hbm>>
        tpu.wait_dma2 semaphore(%run_scoped3A_151 : memref<!tpu.dma_semaphore, #tpu.memory_space<semaphore_mem>>) src(%dma_wait3A_162 : memref<40x128xi32, #tpu.memory_space<hbm>>) dst(%arg6 : memref<40x128xi32, #tpu.memory_space<vmem>>)
        tpu.yield
      }) : () -> ()
      %mul3A_107 = arith.constant 40 : i32
      %mul3A_108 = arith.muli %while3A_103, %mul3A_107 : i32
      %add3A_109 = arith.addi %select_n3A, %mul3A_108 : i32
      "tpu.region"() ({
        %run_scoped3A_151 = tpu.sem_alloc : memref<!tpu.dma_semaphore, #tpu.memory_space<semaphore_mem>>
        %dma_start3A_152 = arith.constant 0 : i32
        %dma_start3A_153 = tpu.memref_slice %arg4[%arg1, %add3A_109, %dma_start3A_152] : memref<16x160x128xi32, #tpu.memory_space<hbm>> -> memref<1x40x128xi32, #tpu.memory_space<hbm>>
        %dma_start3A_154 = tpu.memref_squeeze %dma_start3A_153 : memref<1x40x128xi32, #tpu.memory_space<hbm>> -> memref<40x128xi32, #tpu.memory_space<hbm>>
        %dma_start3A_155 = arith.constant 0 : i32
        %dma_start3A_156 = tpu.memref_slice %arg4[%arg1, %add3A_109, %dma_start3A_155] : memref<16x160x128xi32, #tpu.memory_space<hbm>> -> memref<1x40x128xi32, #tpu.memory_space<hbm>>
        %dma_start3A_157 = tpu.memref_squeeze %dma_start3A_156 : memref<1x40x128xi32, #tpu.memory_space<hbm>> -> memref<40x128xi32, #tpu.memory_space<hbm>>
        tpu.enqueue_dma source(%dma_start3A_157 : memref<40x128xi32, #tpu.memory_space<hbm>>) target(%arg7 : memref<40x128xi32, #tpu.memory_space<vmem>>) target_semaphore(%run_scoped3A_151 : memref<!tpu.dma_semaphore, #tpu.memory_space<semaphore_mem>>)
        %dma_wait3A = arith.constant 0 : i32
        %dma_wait3A_158 = tpu.memref_slice %arg4[%arg1, %add3A_109, %dma_wait3A] : memref<16x160x128xi32, #tpu.memory_space<hbm>> -> memref<1x40x128xi32, #tpu.memory_space<hbm>>
        %dma_wait3A_159 = tpu.memref_squeeze %dma_wait3A_158 : memref<1x40x128xi32, #tpu.memory_space<hbm>> -> memref<40x128xi32, #tpu.memory_space<hbm>>
        %dma_wait3A_160 = arith.constant 0 : i32
        %dma_wait3A_161 = tpu.memref_slice %arg4[%arg1, %add3A_109, %dma_wait3A_160] : memref<16x160x128xi32, #tpu.memory_space<hbm>> -> memref<1x40x128xi32, #tpu.memory_space<hbm>>
        %dma_wait3A_162 = tpu.memref_squeeze %dma_wait3A_161 : memref<1x40x128xi32, #tpu.memory_space<hbm>> -> memref<40x128xi32, #tpu.memory_space<hbm>>
        tpu.wait_dma2 semaphore(%run_scoped3A_151 : memref<!tpu.dma_semaphore, #tpu.memory_space<semaphore_mem>>) src(%dma_wait3A_162 : memref<40x128xi32, #tpu.memory_space<hbm>>) dst(%arg7 : memref<40x128xi32, #tpu.memory_space<vmem>>)
        tpu.yield
      }) : () -> ()
      %dma_start3A = arith.constant 0 : i32
      %dma_start3A_110 = arith.constant 0 : i32
      %dma_start3A_111 = arith.constant 0 : i32
      %dma_start3A_112 = arith.constant 0 : i32
      %dma_start3A_113 = tpu.memref_slice %arg8[%dma_start3A_110, %dma_start3A_111, %dma_start3A_112] : memref<4x128x64xf32, #tpu.memory_space<vmem>> -> memref<1x128x64xf32, #tpu.memory_space<vmem>>
      %dma_start3A_114 = tpu.memref_squeeze %dma_start3A_113 : memref<1x128x64xf32, #tpu.memory_space<vmem>> -> memref<128x64xf32, #tpu.memory_space<vmem>>
      %dma_start3A_115 = arith.constant 0 : i32
      %dma_start3A_116 = tpu.memref_slice %arg6[%dma_start3A, %dma_start3A_115] : memref<40x128xi32, #tpu.memory_space<vmem>> -> memref<1x128xi32, #tpu.memory_space<vmem>>
      %dma_start3A_117 = tpu.memref_squeeze %dma_start3A_116 : memref<1x128xi32, #tpu.memory_space<vmem>> -> memref<128xi32, #tpu.memory_space<vmem>>
      %dma_start3A_118 = arith.constant 0 : i32
      %dma_start3A_119 = arith.constant 0 : i32
      %dma_start3A_120 = tpu.memref_slice %arg10[%dma_start3A_118, %dma_start3A_119] : memref<10240x64xf32, #tpu.memory_space<vmem_shared>> -> memref<10240x64xf32, #tpu.memory_space<vmem_shared>>
      tpu.enqueue_indirect_dma source(%dma_start3A_120 : memref<10240x64xf32, #tpu.memory_space<vmem_shared>>) target(%dma_start3A_114 : memref<128x64xf32, #tpu.memory_space<vmem>>) offsets(%dma_start3A_117 : memref<128xi32, #tpu.memory_space<vmem>>) semaphore(%arg11 : memref<!tpu.dma_semaphore, #tpu.memory_space<semaphore_mem>>)
      %dma_start3A_121 = arith.constant 1 : i32
      %dma_start3A_122 = arith.constant 1 : i32
      %dma_start3A_123 = arith.constant 0 : i32
      %dma_start3A_124 = arith.constant 0 : i32
      %dma_start3A_125 = tpu.memref_slice %arg8[%dma_start3A_122, %dma_start3A_123, %dma_start3A_124] : memref<4x128x64xf32, #tpu.memory_space<vmem>> -> memref<1x128x64xf32, #tpu.memory_space<vmem>>
      %dma_start3A_126 = tpu.memref_squeeze %dma_start3A_125 : memref<1x128x64xf32, #tpu.memory_space<vmem>> -> memref<128x64xf32, #tpu.memory_space<vmem>>
      %dma_start3A_127 = arith.constant 0 : i32
      %dma_start3A_128 = tpu.memref_slice %arg6[%dma_start3A_121, %dma_start3A_127] : memref<40x128xi32, #tpu.memory_space<vmem>> -> memref<1x128xi32, #tpu.memory_space<vmem>>
      %dma_start3A_129 = tpu.memref_squeeze %dma_start3A_128 : memref<1x128xi32, #tpu.memory_space<vmem>> -> memref<128xi32, #tpu.memory_space<vmem>>
      %dma_start3A_130 = arith.constant 0 : i32
      %dma_start3A_131 = arith.constant 0 : i32
      %dma_start3A_132 = tpu.memref_slice %arg10[%dma_start3A_130, %dma_start3A_131] : memref<10240x64xf32, #tpu.memory_space<vmem_shared>> -> memref<10240x64xf32, #tpu.memory_space<vmem_shared>>
      tpu.enqueue_indirect_dma source(%dma_start3A_132 : memref<10240x64xf32, #tpu.memory_space<vmem_shared>>) target(%dma_start3A_126 : memref<128x64xf32, #tpu.memory_space<vmem>>) offsets(%dma_start3A_129 : memref<128xi32, #tpu.memory_space<vmem>>) semaphore(%arg11 : memref<!tpu.dma_semaphore, #tpu.memory_space<semaphore_mem>>)
      %dma_start3A_133 = arith.constant 2 : i32
      %dma_start3A_134 = arith.constant 2 : i32
      %dma_start3A_135 = arith.constant 0 : i32
      %dma_start3A_136 = arith.constant 0 : i32
      %dma_start3A_137 = tpu.memref_slice %arg8[%dma_start3A_134, %dma_start3A_135, %dma_start3A_136] : memref<4x128x64xf32, #tpu.memory_space<vmem>> -> memref<1x128x64xf32, #tpu.memory_space<vmem>>
      %dma_start3A_138 = tpu.memref_squeeze %dma_start3A_137 : memref<1x128x64xf32, #tpu.memory_space<vmem>> -> memref<128x64xf32, #tpu.memory_space<vmem>>
      %dma_start3A_139 = arith.constant 0 : i32
      %dma_start3A_140 = tpu.memref_slice %arg6[%dma_start3A_133, %dma_start3A_139] : memref<40x128xi32, #tpu.memory_space<vmem>> -> memref<1x128xi32, #tpu.memory_space<vmem>>
      %dma_start3A_141 = tpu.memref_squeeze %dma_start3A_140 : memref<1x128xi32, #tpu.memory_space<vmem>> -> memref<128xi32, #tpu.memory_space<vmem>>
      %dma_start3A_142 = arith.constant 0 : i32
      %dma_start3A_143 = arith.constant 0 : i32
      %dma_start3A_144 = tpu.memref_slice %arg10[%dma_start3A_142, %dma_start3A_143] : memref<10240x64xf32, #tpu.memory_space<vmem_shared>> -> memref<10240x64xf32, #tpu.memory_space<vmem_shared>>
      tpu.enqueue_indirect_dma source(%dma_start3A_144 : memref<10240x64xf32, #tpu.memory_space<vmem_shared>>) target(%dma_start3A_138 : memref<128x64xf32, #tpu.memory_space<vmem>>) offsets(%dma_start3A_141 : memref<128xi32, #tpu.memory_space<vmem>>) semaphore(%arg11 : memref<!tpu.dma_semaphore, #tpu.memory_space<semaphore_mem>>)
      %scan3A_145 = arith.constant 0 : i32
      %scan3A_146 = arith.constant 0 : i32
      %scan3A_147 = arith.constant 40 : i32
      %scan3A_148 = arith.addi %scan3A_146, %scan3A_147 : i32
      %scan3A_149 = arith.constant 1 : i32
      scf.for %scan3A_151 = %scan3A_146 to %scan3A_148 step %scan3A_149  : i32 {
        %rem3A = arith.constant 4 : i32
        %rem3A_152 = arith.remsi %scan3A_151, %rem3A : i32
        %dma_wait3A = arith.constant 0 : i32
        %dma_wait3A_153 = arith.constant 0 : i32
        %dma_wait3A_154 = tpu.memref_slice %arg8[%rem3A_152, %dma_wait3A, %dma_wait3A_153] : memref<4x128x64xf32, #tpu.memory_space<vmem>> -> memref<1x128x64xf32, #tpu.memory_space<vmem>>
        %dma_wait3A_155 = tpu.memref_squeeze %dma_wait3A_154 : memref<1x128x64xf32, #tpu.memory_space<vmem>> -> memref<128x64xf32, #tpu.memory_space<vmem>>
        %dma_wait3A_156 = arith.constant 0 : i32
        %dma_wait3A_157 = tpu.memref_slice %arg6[%scan3A_151, %dma_wait3A_156] : memref<40x128xi32, #tpu.memory_space<vmem>> -> memref<1x128xi32, #tpu.memory_space<vmem>>
        %dma_wait3A_158 = tpu.memref_squeeze %dma_wait3A_157 : memref<1x128xi32, #tpu.memory_space<vmem>> -> memref<128xi32, #tpu.memory_space<vmem>>
        %dma_wait3A_159 = arith.constant 0 : i32
        %dma_wait3A_160 = arith.constant 0 : i32
        %dma_wait3A_161 = tpu.memref_slice %arg10[%dma_wait3A_159, %dma_wait3A_160] : memref<10240x64xf32, #tpu.memory_space<vmem_shared>> -> memref<10240x64xf32, #tpu.memory_space<vmem_shared>>
        tpu.wait_indirect_dma semaphore(%arg11 : memref<!tpu.dma_semaphore, #tpu.memory_space<semaphore_mem>>) src(%dma_wait3A_161 : memref<10240x64xf32, #tpu.memory_space<vmem_shared>>) dst(%dma_wait3A_155 : memref<128x64xf32, #tpu.memory_space<vmem>>)
        %lt3A = arith.constant 37 : i32
        %lt3A_162 = arith.cmpi slt, %scan3A_151, %lt3A : i32
        %convert_element_type3A = arith.extui %lt3A_162 : i1 to i32
        %cond3A = arith.constant 0 : i32
        %cond3A_163 = arith.cmpi ne, %convert_element_type3A, %cond3A : i32
        scf.if %cond3A_163 {
          %add3A_164 = arith.constant 4 : i32
          %add3A_165 = arith.addi %scan3A_151, %add3A_164 : i32
          %sub3A = arith.constant 1 : i32
          %sub3A_166 = arith.subi %add3A_165, %sub3A : i32
          %add3A_167 = arith.constant 4 : i32
          %add3A_168 = arith.addi %scan3A_151, %add3A_167 : i32
          %sub3A_169 = arith.constant 1 : i32
          %sub3A_170 = arith.subi %add3A_168, %sub3A_169 : i32
          %rem3A_171 = arith.constant 4 : i32
          %rem3A_172 = arith.remsi %sub3A_170, %rem3A_171 : i32
          %dma_start3A_173 = arith.constant 0 : i32
          %dma_start3A_174 = arith.constant 0 : i32
          %dma_start3A_175 = tpu.memref_slice %arg8[%rem3A_172, %dma_start3A_173, %dma_start3A_174] : memref<4x128x64xf32, #tpu.memory_space<vmem>> -> memref<1x128x64xf32, #tpu.memory_space<vmem>>
          %dma_start3A_176 = tpu.memref_squeeze %dma_start3A_175 : memref<1x128x64xf32, #tpu.memory_space<vmem>> -> memref<128x64xf32, #tpu.memory_space<vmem>>
          %dma_start3A_177 = arith.constant 0 : i32
          %dma_start3A_178 = tpu.memref_slice %arg6[%sub3A_166, %dma_start3A_177] : memref<40x128xi32, #tpu.memory_space<vmem>> -> memref<1x128xi32, #tpu.memory_space<vmem>>
          %dma_start3A_179 = tpu.memref_squeeze %dma_start3A_178 : memref<1x128xi32, #tpu.memory_space<vmem>> -> memref<128xi32, #tpu.memory_space<vmem>>
          %dma_start3A_180 = arith.constant 0 : i32
          %dma_start3A_181 = arith.constant 0 : i32
          %dma_start3A_182 = tpu.memref_slice %arg10[%dma_start3A_180, %dma_start3A_181] : memref<10240x64xf32, #tpu.memory_space<vmem_shared>> -> memref<10240x64xf32, #tpu.memory_space<vmem_shared>>
          tpu.enqueue_indirect_dma source(%dma_start3A_182 : memref<10240x64xf32, #tpu.memory_space<vmem_shared>>) target(%dma_start3A_176 : memref<128x64xf32, #tpu.memory_space<vmem>>) offsets(%dma_start3A_179 : memref<128xi32, #tpu.memory_space<vmem>>) semaphore(%arg11 : memref<!tpu.dma_semaphore, #tpu.memory_space<semaphore_mem>>)
        } else {
        }
        "tpu.region"() ({
          %run_scoped3A_164 = tpu.sem_alloc : memref<!tpu.dma_semaphore, #tpu.memory_space<semaphore_mem>>
          %dma_start3A_165 = arith.constant 0 : i32
          %dma_start3A_166 = arith.constant 0 : i32
          %dma_start3A_167 = tpu.memref_slice %arg8[%rem3A_152, %dma_start3A_165, %dma_start3A_166] : memref<4x128x64xf32, #tpu.memory_space<vmem>> -> memref<1x128x64xf32, #tpu.memory_space<vmem>>
          %dma_start3A_168 = tpu.memref_squeeze %dma_start3A_167 : memref<1x128x64xf32, #tpu.memory_space<vmem>> -> memref<128x64xf32, #tpu.memory_space<vmem>>
          %dma_start3A_169 = arith.constant 0 : i32
          %dma_start3A_170 = tpu.memref_slice %arg7[%scan3A_151, %dma_start3A_169] : memref<40x128xi32, #tpu.memory_space<vmem>> -> memref<1x128xi32, #tpu.memory_space<vmem>>
          %dma_start3A_171 = tpu.memref_squeeze %dma_start3A_170 : memref<1x128xi32, #tpu.memory_space<vmem>> -> memref<128xi32, #tpu.memory_space<vmem>>
          %dma_start3A_172 = arith.constant 0 : i32
          %dma_start3A_173 = arith.constant 0 : i32
          %dma_start3A_174 = tpu.memref_slice %arg9[%dma_start3A_172, %dma_start3A_173] : memref<10240x64xf32, #tpu.memory_space<vmem_shared>> -> memref<10240x64xf32, #tpu.memory_space<vmem_shared>>
          tpu.enqueue_indirect_dma source(%dma_start3A_168 : memref<128x64xf32, #tpu.memory_space<vmem>>) target(%dma_start3A_174 : memref<10240x64xf32, #tpu.memory_space<vmem_shared>>) offsets(%dma_start3A_171 : memref<128xi32, #tpu.memory_space<vmem>>) semaphore(%run_scoped3A_164 : memref<!tpu.dma_semaphore, #tpu.memory_space<semaphore_mem>>) {add = true}
          %dma_wait3A_175 = arith.constant 0 : i32
          %dma_wait3A_176 = arith.constant 0 : i32
          %dma_wait3A_177 = tpu.memref_slice %arg8[%rem3A_152, %dma_wait3A_175, %dma_wait3A_176] : memref<4x128x64xf32, #tpu.memory_space<vmem>> -> memref<1x128x64xf32, #tpu.memory_space<vmem>>
          %dma_wait3A_178 = tpu.memref_squeeze %dma_wait3A_177 : memref<1x128x64xf32, #tpu.memory_space<vmem>> -> memref<128x64xf32, #tpu.memory_space<vmem>>
          %dma_wait3A_179 = arith.constant 0 : i32
          %dma_wait3A_180 = tpu.memref_slice %arg7[%scan3A_151, %dma_wait3A_179] : memref<40x128xi32, #tpu.memory_space<vmem>> -> memref<1x128xi32, #tpu.memory_space<vmem>>
          %dma_wait3A_181 = tpu.memref_squeeze %dma_wait3A_180 : memref<1x128xi32, #tpu.memory_space<vmem>> -> memref<128xi32, #tpu.memory_space<vmem>>
          %dma_wait3A_182 = arith.constant 0 : i32
          %dma_wait3A_183 = arith.constant 0 : i32
          %dma_wait3A_184 = tpu.memref_slice %arg9[%dma_wait3A_182, %dma_wait3A_183] : memref<10240x64xf32, #tpu.memory_space<vmem_shared>> -> memref<10240x64xf32, #tpu.memory_space<vmem_shared>>
          tpu.wait_indirect_dma semaphore(%run_scoped3A_164 : memref<!tpu.dma_semaphore, #tpu.memory_space<semaphore_mem>>) src(%dma_wait3A_178 : memref<128x64xf32, #tpu.memory_space<vmem>>) dst(%dma_wait3A_184 : memref<10240x64xf32, #tpu.memory_space<vmem_shared>>)
          tpu.yield
        }) : () -> ()
      }
      %scan3A_150 = arith.constant 40 : i32
    }
    %while3A_46 = arith.constant 1 : i32
    scf.for %while3A_103 = %while3A_44 to %while3A_40 step %while3A_46  : i32 {
      %mul3A_104 = arith.constant 40 : i32
      %mul3A_105 = arith.muli %while3A_103, %mul3A_104 : i32
      %add3A_106 = arith.addi %select_n3A, %mul3A_105 : i32
      "tpu.region"() ({
        %run_scoped3A_151 = tpu.sem_alloc : memref<!tpu.dma_semaphore, #tpu.memory_space<semaphore_mem>>
        %dma_start3A_152 = arith.constant 0 : i32
        %dma_start3A_153 = tpu.memref_slice %arg3[%arg1, %add3A_106, %dma_start3A_152] : memref<16x160x128xi32, #tpu.memory_space<hbm>> -> memref<1x40x128xi32, #tpu.memory_space<hbm>>
        %dma_start3A_154 = tpu.memref_squeeze %dma_start3A_153 : memref<1x40x128xi32, #tpu.memory_space<hbm>> -> memref<40x128xi32, #tpu.memory_space<hbm>>
        %dma_start3A_155 = arith.constant 0 : i32
        %dma_start3A_156 = tpu.memref_slice %arg3[%arg1, %add3A_106, %dma_start3A_155] : memref<16x160x128xi32, #tpu.memory_space<hbm>> -> memref<1x40x128xi32, #tpu.memory_space<hbm>>
        %dma_start3A_157 = tpu.memref_squeeze %dma_start3A_156 : memref<1x40x128xi32, #tpu.memory_space<hbm>> -> memref<40x128xi32, #tpu.memory_space<hbm>>
        tpu.enqueue_dma source(%dma_start3A_157 : memref<40x128xi32, #tpu.memory_space<hbm>>) target(%arg6 : memref<40x128xi32, #tpu.memory_space<vmem>>) target_semaphore(%run_scoped3A_151 : memref<!tpu.dma_semaphore, #tpu.memory_space<semaphore_mem>>)
        %dma_wait3A = arith.constant 0 : i32
        %dma_wait3A_158 = tpu.memref_slice %arg3[%arg1, %add3A_106, %dma_wait3A] : memref<16x160x128xi32, #tpu.memory_space<hbm>> -> memref<1x40x128xi32, #tpu.memory_space<hbm>>
        %dma_wait3A_159 = tpu.memref_squeeze %dma_wait3A_158 : memref<1x40x128xi32, #tpu.memory_space<hbm>> -> memref<40x128xi32, #tpu.memory_space<hbm>>
        %dma_wait3A_160 = arith.constant 0 : i32
        %dma_wait3A_161 = tpu.memref_slice %arg3[%arg1, %add3A_106, %dma_wait3A_160] : memref<16x160x128xi32, #tpu.memory_space<hbm>> -> memref<1x40x128xi32, #tpu.memory_space<hbm>>
        %dma_wait3A_162 = tpu.memref_squeeze %dma_wait3A_161 : memref<1x40x128xi32, #tpu.memory_space<hbm>> -> memref<40x128xi32, #tpu.memory_space<hbm>>
        tpu.wait_dma2 semaphore(%run_scoped3A_151 : memref<!tpu.dma_semaphore, #tpu.memory_space<semaphore_mem>>) src(%dma_wait3A_162 : memref<40x128xi32, #tpu.memory_space<hbm>>) dst(%arg6 : memref<40x128xi32, #tpu.memory_space<vmem>>)
        tpu.yield
      }) : () -> ()
      %mul3A_107 = arith.constant 40 : i32
      %mul3A_108 = arith.muli %while3A_103, %mul3A_107 : i32
      %add3A_109 = arith.addi %select_n3A, %mul3A_108 : i32
      "tpu.region"() ({
        %run_scoped3A_151 = tpu.sem_alloc : memref<!tpu.dma_semaphore, #tpu.memory_space<semaphore_mem>>
        %dma_start3A_152 = arith.constant 0 : i32
        %dma_start3A_153 = tpu.memref_slice %arg4[%arg1, %add3A_109, %dma_start3A_152] : memref<16x160x128xi32, #tpu.memory_space<hbm>> -> memref<1x40x128xi32, #tpu.memory_space<hbm>>
        %dma_start3A_154 = tpu.memref_squeeze %dma_start3A_153 : memref<1x40x128xi32, #tpu.memory_space<hbm>> -> memref<40x128xi32, #tpu.memory_space<hbm>>
        %dma_start3A_155 = arith.constant 0 : i32
        %dma_start3A_156 = tpu.memref_slice %arg4[%arg1, %add3A_109, %dma_start3A_155] : memref<16x160x128xi32, #tpu.memory_space<hbm>> -> memref<1x40x128xi32, #tpu.memory_space<hbm>>
        %dma_start3A_157 = tpu.memref_squeeze %dma_start3A_156 : memref<1x40x128xi32, #tpu.memory_space<hbm>> -> memref<40x128xi32, #tpu.memory_space<hbm>>
        tpu.enqueue_dma source(%dma_start3A_157 : memref<40x128xi32, #tpu.memory_space<hbm>>) target(%arg7 : memref<40x128xi32, #tpu.memory_space<vmem>>) target_semaphore(%run_scoped3A_151 : memref<!tpu.dma_semaphore, #tpu.memory_space<semaphore_mem>>)
        %dma_wait3A = arith.constant 0 : i32
        %dma_wait3A_158 = tpu.memref_slice %arg4[%arg1, %add3A_109, %dma_wait3A] : memref<16x160x128xi32, #tpu.memory_space<hbm>> -> memref<1x40x128xi32, #tpu.memory_space<hbm>>
        %dma_wait3A_159 = tpu.memref_squeeze %dma_wait3A_158 : memref<1x40x128xi32, #tpu.memory_space<hbm>> -> memref<40x128xi32, #tpu.memory_space<hbm>>
        %dma_wait3A_160 = arith.constant 0 : i32
        %dma_wait3A_161 = tpu.memref_slice %arg4[%arg1, %add3A_109, %dma_wait3A_160] : memref<16x160x128xi32, #tpu.memory_space<hbm>> -> memref<1x40x128xi32, #tpu.memory_space<hbm>>
        %dma_wait3A_162 = tpu.memref_squeeze %dma_wait3A_161 : memref<1x40x128xi32, #tpu.memory_space<hbm>> -> memref<40x128xi32, #tpu.memory_space<hbm>>
        tpu.wait_dma2 semaphore(%run_scoped3A_151 : memref<!tpu.dma_semaphore, #tpu.memory_space<semaphore_mem>>) src(%dma_wait3A_162 : memref<40x128xi32, #tpu.memory_space<hbm>>) dst(%arg7 : memref<40x128xi32, #tpu.memory_space<vmem>>)
        tpu.yield
      }) : () -> ()
      %dma_start3A = arith.constant 0 : i32
      %dma_start3A_110 = arith.constant 0 : i32
      %dma_start3A_111 = arith.constant 0 : i32
      %dma_start3A_112 = arith.constant 0 : i32
      %dma_start3A_113 = tpu.memref_slice %arg8[%dma_start3A_110, %dma_start3A_111, %dma_start3A_112] : memref<4x128x64xf32, #tpu.memory_space<vmem>> -> memref<1x128x64xf32, #tpu.memory_space<vmem>>
      %dma_start3A_114 = tpu.memref_squeeze %dma_start3A_113 : memref<1x128x64xf32, #tpu.memory_space<vmem>> -> memref<128x64xf32, #tpu.memory_space<vmem>>
      %dma_start3A_115 = arith.constant 0 : i32
      %dma_start3A_116 = tpu.memref_slice %arg6[%dma_start3A, %dma_start3A_115] : memref<40x128xi32, #tpu.memory_space<vmem>> -> memref<1x128xi32, #tpu.memory_space<vmem>>
      %dma_start3A_117 = tpu.memref_squeeze %dma_start3A_116 : memref<1x128xi32, #tpu.memory_space<vmem>> -> memref<128xi32, #tpu.memory_space<vmem>>
      %dma_start3A_118 = arith.constant 0 : i32
      %dma_start3A_119 = arith.constant 0 : i32
      %dma_start3A_120 = tpu.memref_slice %arg10[%dma_start3A_118, %dma_start3A_119] : memref<10240x64xf32, #tpu.memory_space<vmem_shared>> -> memref<10240x64xf32, #tpu.memory_space<vmem_shared>>
      tpu.enqueue_indirect_dma source(%dma_start3A_120 : memref<10240x64xf32, #tpu.memory_space<vmem_shared>>) target(%dma_start3A_114 : memref<128x64xf32, #tpu.memory_space<vmem>>) offsets(%dma_start3A_117 : memref<128xi32, #tpu.memory_space<vmem>>) semaphore(%arg11 : memref<!tpu.dma_semaphore, #tpu.memory_space<semaphore_mem>>)
      %dma_start3A_121 = arith.constant 1 : i32
      %dma_start3A_122 = arith.constant 1 : i32
      %dma_start3A_123 = arith.constant 0 : i32
      %dma_start3A_124 = arith.constant 0 : i32
      %dma_start3A_125 = tpu.memref_slice %arg8[%dma_start3A_122, %dma_start3A_123, %dma_start3A_124] : memref<4x128x64xf32, #tpu.memory_space<vmem>> -> memref<1x128x64xf32, #tpu.memory_space<vmem>>
      %dma_start3A_126 = tpu.memref_squeeze %dma_start3A_125 : memref<1x128x64xf32, #tpu.memory_space<vmem>> -> memref<128x64xf32, #tpu.memory_space<vmem>>
      %dma_start3A_127 = arith.constant 0 : i32
      %dma_start3A_128 = tpu.memref_slice %arg6[%dma_start3A_121, %dma_start3A_127] : memref<40x128xi32, #tpu.memory_space<vmem>> -> memref<1x128xi32, #tpu.memory_space<vmem>>
      %dma_start3A_129 = tpu.memref_squeeze %dma_start3A_128 : memref<1x128xi32, #tpu.memory_space<vmem>> -> memref<128xi32, #tpu.memory_space<vmem>>
      %dma_start3A_130 = arith.constant 0 : i32
      %dma_start3A_131 = arith.constant 0 : i32
      %dma_start3A_132 = tpu.memref_slice %arg10[%dma_start3A_130, %dma_start3A_131] : memref<10240x64xf32, #tpu.memory_space<vmem_shared>> -> memref<10240x64xf32, #tpu.memory_space<vmem_shared>>
      tpu.enqueue_indirect_dma source(%dma_start3A_132 : memref<10240x64xf32, #tpu.memory_space<vmem_shared>>) target(%dma_start3A_126 : memref<128x64xf32, #tpu.memory_space<vmem>>) offsets(%dma_start3A_129 : memref<128xi32, #tpu.memory_space<vmem>>) semaphore(%arg11 : memref<!tpu.dma_semaphore, #tpu.memory_space<semaphore_mem>>)
      %dma_start3A_133 = arith.constant 2 : i32
      %dma_start3A_134 = arith.constant 2 : i32
      %dma_start3A_135 = arith.constant 0 : i32
      %dma_start3A_136 = arith.constant 0 : i32
      %dma_start3A_137 = tpu.memref_slice %arg8[%dma_start3A_134, %dma_start3A_135, %dma_start3A_136] : memref<4x128x64xf32, #tpu.memory_space<vmem>> -> memref<1x128x64xf32, #tpu.memory_space<vmem>>
      %dma_start3A_138 = tpu.memref_squeeze %dma_start3A_137 : memref<1x128x64xf32, #tpu.memory_space<vmem>> -> memref<128x64xf32, #tpu.memory_space<vmem>>
      %dma_start3A_139 = arith.constant 0 : i32
      %dma_start3A_140 = tpu.memref_slice %arg6[%dma_start3A_133, %dma_start3A_139] : memref<40x128xi32, #tpu.memory_space<vmem>> -> memref<1x128xi32, #tpu.memory_space<vmem>>
      %dma_start3A_141 = tpu.memref_squeeze %dma_start3A_140 : memref<1x128xi32, #tpu.memory_space<vmem>> -> memref<128xi32, #tpu.memory_space<vmem>>
      %dma_start3A_142 = arith.constant 0 : i32
      %dma_start3A_143 = arith.constant 0 : i32
      %dma_start3A_144 = tpu.memref_slice %arg10[%dma_start3A_142, %dma_start3A_143] : memref<10240x64xf32, #tpu.memory_space<vmem_shared>> -> memref<10240x64xf32, #tpu.memory_space<vmem_shared>>
      tpu.enqueue_indirect_dma source(%dma_start3A_144 : memref<10240x64xf32, #tpu.memory_space<vmem_shared>>) target(%dma_start3A_138 : memref<128x64xf32, #tpu.memory_space<vmem>>) offsets(%dma_start3A_141 : memref<128xi32, #tpu.memory_space<vmem>>) semaphore(%arg11 : memref<!tpu.dma_semaphore, #tpu.memory_space<semaphore_mem>>)
      %scan3A_145 = arith.constant 0 : i32
      %scan3A_146 = arith.constant 0 : i32
      %scan3A_147 = arith.constant 40 : i32
      %scan3A_148 = arith.addi %scan3A_146, %scan3A_147 : i32
      %scan3A_149 = arith.constant 1 : i32
      scf.for %scan3A_151 = %scan3A_146 to %scan3A_148 step %scan3A_149  : i32 {
        %rem3A = arith.constant 4 : i32
        %rem3A_152 = arith.remsi %scan3A_151, %rem3A : i32
        %dma_wait3A = arith.constant 0 : i32
        %dma_wait3A_153 = arith.constant 0 : i32
        %dma_wait3A_154 = tpu.memref_slice %arg8[%rem3A_152, %dma_wait3A, %dma_wait3A_153] : memref<4x128x64xf32, #tpu.memory_space<vmem>> -> memref<1x128x64xf32, #tpu.memory_space<vmem>>
        %dma_wait3A_155 = tpu.memref_squeeze %dma_wait3A_154 : memref<1x128x64xf32, #tpu.memory_space<vmem>> -> memref<128x64xf32, #tpu.memory_space<vmem>>
        %dma_wait3A_156 = arith.constant 0 : i32
        %dma_wait3A_157 = tpu.memref_slice %arg6[%scan3A_151, %dma_wait3A_156] : memref<40x128xi32, #tpu.memory_space<vmem>> -> memref<1x128xi32, #tpu.memory_space<vmem>>
        %dma_wait3A_158 = tpu.memref_squeeze %dma_wait3A_157 : memref<1x128xi32, #tpu.memory_space<vmem>> -> memref<128xi32, #tpu.memory_space<vmem>>
        %dma_wait3A_159 = arith.constant 0 : i32
        %dma_wait3A_160 = arith.constant 0 : i32
        %dma_wait3A_161 = tpu.memref_slice %arg10[%dma_wait3A_159, %dma_wait3A_160] : memref<10240x64xf32, #tpu.memory_space<vmem_shared>> -> memref<10240x64xf32, #tpu.memory_space<vmem_shared>>
        tpu.wait_indirect_dma semaphore(%arg11 : memref<!tpu.dma_semaphore, #tpu.memory_space<semaphore_mem>>) src(%dma_wait3A_161 : memref<10240x64xf32, #tpu.memory_space<vmem_shared>>) dst(%dma_wait3A_155 : memref<128x64xf32, #tpu.memory_space<vmem>>)
        %lt3A = arith.constant 37 : i32
        %lt3A_162 = arith.cmpi slt, %scan3A_151, %lt3A : i32
        %convert_element_type3A = arith.extui %lt3A_162 : i1 to i32
        %cond3A = arith.constant 0 : i32
        %cond3A_163 = arith.cmpi ne, %convert_element_type3A, %cond3A : i32
        scf.if %cond3A_163 {
          %add3A_164 = arith.constant 4 : i32
          %add3A_165 = arith.addi %scan3A_151, %add3A_164 : i32
          %sub3A = arith.constant 1 : i32
          %sub3A_166 = arith.subi %add3A_165, %sub3A : i32
          %add3A_167 = arith.constant 4 : i32
          %add3A_168 = arith.addi %scan3A_151, %add3A_167 : i32
          %sub3A_169 = arith.constant 1 : i32
          %sub3A_170 = arith.subi %add3A_168, %sub3A_169 : i32
          %rem3A_171 = arith.constant 4 : i32
          %rem3A_172 = arith.remsi %sub3A_170, %rem3A_171 : i32
          %dma_start3A_173 = arith.constant 0 : i32
          %dma_start3A_174 = arith.constant 0 : i32
          %dma_start3A_175 = tpu.memref_slice %arg8[%rem3A_172, %dma_start3A_173, %dma_start3A_174] : memref<4x128x64xf32, #tpu.memory_space<vmem>> -> memref<1x128x64xf32, #tpu.memory_space<vmem>>
          %dma_start3A_176 = tpu.memref_squeeze %dma_start3A_175 : memref<1x128x64xf32, #tpu.memory_space<vmem>> -> memref<128x64xf32, #tpu.memory_space<vmem>>
          %dma_start3A_177 = arith.constant 0 : i32
          %dma_start3A_178 = tpu.memref_slice %arg6[%sub3A_166, %dma_start3A_177] : memref<40x128xi32, #tpu.memory_space<vmem>> -> memref<1x128xi32, #tpu.memory_space<vmem>>
          %dma_start3A_179 = tpu.memref_squeeze %dma_start3A_178 : memref<1x128xi32, #tpu.memory_space<vmem>> -> memref<128xi32, #tpu.memory_space<vmem>>
          %dma_start3A_180 = arith.constant 0 : i32
          %dma_start3A_181 = arith.constant 0 : i32
          %dma_start3A_182 = tpu.memref_slice %arg10[%dma_start3A_180, %dma_start3A_181] : memref<10240x64xf32, #tpu.memory_space<vmem_shared>> -> memref<10240x64xf32, #tpu.memory_space<vmem_shared>>
          tpu.enqueue_indirect_dma source(%dma_start3A_182 : memref<10240x64xf32, #tpu.memory_space<vmem_shared>>) target(%dma_start3A_176 : memref<128x64xf32, #tpu.memory_space<vmem>>) offsets(%dma_start3A_179 : memref<128xi32, #tpu.memory_space<vmem>>) semaphore(%arg11 : memref<!tpu.dma_semaphore, #tpu.memory_space<semaphore_mem>>)
        } else {
        }
        "tpu.region"() ({
          %run_scoped3A_164 = tpu.sem_alloc : memref<!tpu.dma_semaphore, #tpu.memory_space<semaphore_mem>>
          %dma_start3A_165 = arith.constant 0 : i32
          %dma_start3A_166 = arith.constant 0 : i32
          %dma_start3A_167 = tpu.memref_slice %arg8[%rem3A_152, %dma_start3A_165, %dma_start3A_166] : memref<4x128x64xf32, #tpu.memory_space<vmem>> -> memref<1x128x64xf32, #tpu.memory_space<vmem>>
          %dma_start3A_168 = tpu.memref_squeeze %dma_start3A_167 : memref<1x128x64xf32, #tpu.memory_space<vmem>> -> memref<128x64xf32, #tpu.memory_space<vmem>>
          %dma_start3A_169 = arith.constant 0 : i32
          %dma_start3A_170 = tpu.memref_slice %arg7[%scan3A_151, %dma_start3A_169] : memref<40x128xi32, #tpu.memory_space<vmem>> -> memref<1x128xi32, #tpu.memory_space<vmem>>
          %dma_start3A_171 = tpu.memref_squeeze %dma_start3A_170 : memref<1x128xi32, #tpu.memory_space<vmem>> -> memref<128xi32, #tpu.memory_space<vmem>>
          %dma_start3A_172 = arith.constant 0 : i32
          %dma_start3A_173 = arith.constant 0 : i32
          %dma_start3A_174 = tpu.memref_slice %arg9[%dma_start3A_172, %dma_start3A_173] : memref<10240x64xf32, #tpu.memory_space<vmem_shared>> -> memref<10240x64xf32, #tpu.memory_space<vmem_shared>>
          tpu.enqueue_indirect_dma source(%dma_start3A_168 : memref<128x64xf32, #tpu.memory_space<vmem>>) target(%dma_start3A_174 : memref<10240x64xf32, #tpu.memory_space<vmem_shared>>) offsets(%dma_start3A_171 : memref<128xi32, #tpu.memory_space<vmem>>) semaphore(%run_scoped3A_164 : memref<!tpu.dma_semaphore, #tpu.memory_space<semaphore_mem>>) {add = true}
          %dma_wait3A_175 = arith.constant 0 : i32
          %dma_wait3A_176 = arith.constant 0 : i32
          %dma_wait3A_177 = tpu.memref_slice %arg8[%rem3A_152, %dma_wait3A_175, %dma_wait3A_176] : memref<4x128x64xf32, #tpu.memory_space<vmem>> -> memref<1x128x64xf32, #tpu.memory_space<vmem>>
          %dma_wait3A_178 = tpu.memref_squeeze %dma_wait3A_177 : memref<1x128x64xf32, #tpu.memory_space<vmem>> -> memref<128x64xf32, #tpu.memory_space<vmem>>
          %dma_wait3A_179 = arith.constant 0 : i32
          %dma_wait3A_180 = tpu.memref_slice %arg7[%scan3A_151, %dma_wait3A_179] : memref<40x128xi32, #tpu.memory_space<vmem>> -> memref<1x128xi32, #tpu.memory_space<vmem>>
          %dma_wait3A_181 = tpu.memref_squeeze %dma_wait3A_180 : memref<1x128xi32, #tpu.memory_space<vmem>> -> memref<128xi32, #tpu.memory_space<vmem>>
          %dma_wait3A_182 = arith.constant 0 : i32
          %dma_wait3A_183 = arith.constant 0 : i32
          %dma_wait3A_184 = tpu.memref_slice %arg9[%dma_wait3A_182, %dma_wait3A_183] : memref<10240x64xf32, #tpu.memory_space<vmem_shared>> -> memref<10240x64xf32, #tpu.memory_space<vmem_shared>>
          tpu.wait_indirect_dma semaphore(%run_scoped3A_164 : memref<!tpu.dma_semaphore, #tpu.memory_space<semaphore_mem>>) src(%dma_wait3A_178 : memref<128x64xf32, #tpu.memory_space<vmem>>) dst(%dma_wait3A_184 : memref<10240x64xf32, #tpu.memory_space<vmem_shared>>)
          tpu.yield
        }) : () -> ()
      }
      %scan3A_150 = arith.constant 40 : i32
    }
    %barrier3A_47 = arith.constant 0 : index
    tpu.barrier barrier_id(%barrier3A_47)
    %mul3A_48 = arith.constant 640 : i32
    %mul3A_49 = arith.muli %arg1, %mul3A_48 : i32
    %mul3A_50 = arith.constant 640 : i32
    %mul3A_51 = arith.muli %arg1, %mul3A_50 : i32
    "tpu.region"() ({
      %run_scoped3A_103 = tpu.sem_alloc : memref<!tpu.dma_semaphore, #tpu.memory_space<semaphore_mem>>
      %dma_start3A = arith.constant 0 : i32
      %dma_start3A_104 = tpu.memref_slice %arg5[%arg0, %mul3A_51, %dma_start3A] : memref<2x10240x128xf32, #tpu.memory_space<hbm>> -> memref<1x640x64xf32, #tpu.memory_space<hbm>>
      %dma_start3A_105 = tpu.memref_squeeze %dma_start3A_104 : memref<1x640x64xf32, #tpu.memory_space<hbm>> -> memref<640x64xf32, #tpu.memory_space<hbm>>
      %dma_start3A_106 = arith.constant 0 : i32
      %dma_start3A_107 = tpu.memref_slice %arg9[%mul3A_49, %dma_start3A_106] : memref<10240x64xf32, #tpu.memory_space<vmem_shared>> -> memref<640x64xf32, #tpu.memory_space<vmem_shared>>
      tpu.enqueue_dma source(%dma_start3A_107 : memref<640x64xf32, #tpu.memory_space<vmem_shared>>) target(%dma_start3A_105 : memref<640x64xf32, #tpu.memory_space<hbm>>) target_semaphore(%run_scoped3A_103 : memref<!tpu.dma_semaphore, #tpu.memory_space<semaphore_mem>>)
      %dma_wait3A = arith.constant 0 : i32
      %dma_wait3A_108 = tpu.memref_slice %arg5[%arg0, %mul3A_51, %dma_wait3A] : memref<2x10240x128xf32, #tpu.memory_space<hbm>> -> memref<1x640x64xf32, #tpu.memory_space<hbm>>
      %dma_wait3A_109 = tpu.memref_squeeze %dma_wait3A_108 : memref<1x640x64xf32, #tpu.memory_space<hbm>> -> memref<640x64xf32, #tpu.memory_space<hbm>>
      %dma_wait3A_110 = arith.constant 0 : i32
      %dma_wait3A_111 = tpu.memref_slice %arg9[%mul3A_49, %dma_wait3A_110] : memref<10240x64xf32, #tpu.memory_space<vmem_shared>> -> memref<640x64xf32, #tpu.memory_space<vmem_shared>>
      tpu.wait_dma2 semaphore(%run_scoped3A_103 : memref<!tpu.dma_semaphore, #tpu.memory_space<semaphore_mem>>) src(%dma_wait3A_111 : memref<640x64xf32, #tpu.memory_space<vmem_shared>>) dst(%dma_wait3A_109 : memref<640x64xf32, #tpu.memory_space<hbm>>)
      tpu.yield
    }) : () -> ()
    %scan3A_52 = arith.constant 0 : i32
    %scan3A_53 = arith.constant 0 : i32
    %scan3A_54 = arith.constant 128 : i32
    %scan3A_55 = arith.addi %scan3A_53, %scan3A_54 : i32
    %scan3A_56 = arith.constant 1 : i32
    scf.for %scan3A_103 = %scan3A_53 to %scan3A_55 step %scan3A_56  : i32 {
      %scan3A_104 = arith.constant 0 : i32
      %scan3A_105 = arith.constant 4 : i32
      %scan3A_106 = arith.addi %scan3A_104, %scan3A_105 : i32
      %scan3A_107 = arith.constant 1 : i32
      scf.for %scan3A_109 = %scan3A_104 to %scan3A_106 step %scan3A_107  : i32 {
        %broadcast_in_dim3A = arith.constant 0.000000e+00 : f32
        %broadcast_in_dim3A_110 = vector.broadcast %broadcast_in_dim3A : f32 to vector<16xf32>
        %mul3A_111 = arith.constant 16 : i32
        %mul3A_112 = arith.muli %scan3A_109, %mul3A_111 : i32
        %swap3A = arith.constant 0 : i32
        %swap3A_113 = arith.index_cast %swap3A : i32 to index
        %swap3A_114 = arith.index_cast %scan3A_103 : i32 to index
        %swap3A_115 = arith.index_cast %mul3A_112 : i32 to index
        %swap3A_116 = tpu.vector_load %arg8[%swap3A_113, %swap3A_114, %swap3A_115] {strides = array<i32>} : memref<4x128x64xf32, #tpu.memory_space<vmem>>, vector<1x1x16xf32>,
        %swap3A_117 = vector.shape_cast %swap3A_116 : vector<1x1x16xf32> to vector<16xf32>
        %swap3A_118 = vector.shape_cast %broadcast_in_dim3A_110 : vector<16xf32> to vector<1x1x16xf32>
        tpu.vector_store %arg8[%swap3A_113, %swap3A_114, %swap3A_115], %swap3A_118 {strides = array<i32>} : memref<4x128x64xf32, #tpu.memory_space<vmem>>, vector<1x1x16xf32>,
      }
      %scan3A_108 = arith.constant 4 : i32
    }
    %scan3A_57 = arith.constant 128 : i32
    %mul3A_58 = arith.constant 640 : i32
    %mul3A_59 = arith.muli %arg1, %mul3A_58 : i32
    %add3A_60 = arith.constant 0 : i32
    %add3A_61 = arith.addi %mul3A_59, %add3A_60 : i32
    %run_scoped3A_62 = arith.constant 0 : i32
    "tpu.region"() ({
      %run_scoped3A_103 = tpu.sem_alloc : memref<!tpu.dma_semaphore, #tpu.memory_space<semaphore_mem>>
      %dma_start3A = arith.constant 0 : i32
      %dma_start3A_104 = arith.constant 0 : i32
      %dma_start3A_105 = tpu.memref_slice %arg8[%run_scoped3A_62, %dma_start3A, %dma_start3A_104] : memref<4x128x64xf32, #tpu.memory_space<vmem>> -> memref<1x128x64xf32, #tpu.memory_space<vmem>>
      %dma_start3A_106 = tpu.memref_squeeze %dma_start3A_105 : memref<1x128x64xf32, #tpu.memory_space<vmem>> -> memref<128x64xf32, #tpu.memory_space<vmem>>
      %dma_start3A_107 = arith.constant 0 : i32
      %dma_start3A_108 = tpu.memref_slice %arg9[%add3A_61, %dma_start3A_107] : memref<10240x64xf32, #tpu.memory_space<vmem_shared>> -> memref<128x64xf32, #tpu.memory_space<vmem_shared>>
      %dma_start3A_109 = arith.constant 0 : i32
      %dma_start3A_110 = tpu.memref_slice %arg9[%add3A_61, %dma_start3A_109] : memref<10240x64xf32, #tpu.memory_space<vmem_shared>> -> memref<128x64xf32, #tpu.memory_space<vmem_shared>>
      %dma_start3A_111 = arith.constant 0 : i32
      %dma_start3A_112 = arith.constant 0 : i32
      %dma_start3A_113 = tpu.memref_slice %arg8[%run_scoped3A_62, %dma_start3A_111, %dma_start3A_112] : memref<4x128x64xf32, #tpu.memory_space<vmem>> -> memref<1x128x64xf32, #tpu.memory_space<vmem>>
      %dma_start3A_114 = tpu.memref_squeeze %dma_start3A_113 : memref<1x128x64xf32, #tpu.memory_space<vmem>> -> memref<128x64xf32, #tpu.memory_space<vmem>>
      tpu.enqueue_dma source(%dma_start3A_114 : memref<128x64xf32, #tpu.memory_space<vmem>>) target(%dma_start3A_110 : memref<128x64xf32, #tpu.memory_space<vmem_shared>>) target_semaphore(%run_scoped3A_103 : memref<!tpu.dma_semaphore, #tpu.memory_space<semaphore_mem>>)
      %dma_wait3A = arith.constant 0 : i32
      %dma_wait3A_115 = arith.constant 0 : i32
      %dma_wait3A_116 = tpu.memref_slice %arg8[%run_scoped3A_62, %dma_wait3A, %dma_wait3A_115] : memref<4x128x64xf32, #tpu.memory_space<vmem>> -> memref<1x128x64xf32, #tpu.memory_space<vmem>>
      %dma_wait3A_117 = tpu.memref_squeeze %dma_wait3A_116 : memref<1x128x64xf32, #tpu.memory_space<vmem>> -> memref<128x64xf32, #tpu.memory_space<vmem>>
      %dma_wait3A_118 = arith.constant 0 : i32
      %dma_wait3A_119 = tpu.memref_slice %arg9[%add3A_61, %dma_wait3A_118] : memref<10240x64xf32, #tpu.memory_space<vmem_shared>> -> memref<128x64xf32, #tpu.memory_space<vmem_shared>>
      %dma_wait3A_120 = arith.constant 0 : i32
      %dma_wait3A_121 = tpu.memref_slice %arg9[%add3A_61, %dma_wait3A_120] : memref<10240x64xf32, #tpu.memory_space<vmem_shared>> -> memref<128x64xf32, #tpu.memory_space<vmem_shared>>
      %dma_wait3A_122 = arith.constant 0 : i32
      %dma_wait3A_123 = arith.constant 0 : i32
      %dma_wait3A_124 = tpu.memref_slice %arg8[%run_scoped3A_62, %dma_wait3A_122, %dma_wait3A_123] : memref<4x128x64xf32, #tpu.memory_space<vmem>> -> memref<1x128x64xf32, #tpu.memory_space<vmem>>
      %dma_wait3A_125 = tpu.memref_squeeze %dma_wait3A_124 : memref<1x128x64xf32, #tpu.memory_space<vmem>> -> memref<128x64xf32, #tpu.memory_space<vmem>>
      tpu.wait_dma2 semaphore(%run_scoped3A_103 : memref<!tpu.dma_semaphore, #tpu.memory_space<semaphore_mem>>) src(%dma_wait3A_125 : memref<128x64xf32, #tpu.memory_space<vmem>>) dst(%dma_wait3A_121 : memref<128x64xf32, #tpu.memory_space<vmem_shared>>)
      tpu.yield
    }) : () -> ()
    %mul3A_63 = arith.constant 640 : i32
    %mul3A_64 = arith.muli %arg1, %mul3A_63 : i32
    %add3A_65 = arith.constant 128 : i32
    %add3A_66 = arith.addi %mul3A_64, %add3A_65 : i32
    %run_scoped3A_67 = arith.constant 0 : i32
    "tpu.region"() ({
      %run_scoped3A_103 = tpu.sem_alloc : memref<!tpu.dma_semaphore, #tpu.memory_space<semaphore_mem>>
      %dma_start3A = arith.constant 0 : i32
      %dma_start3A_104 = arith.constant 0 : i32
      %dma_start3A_105 = tpu.memref_slice %arg8[%run_scoped3A_67, %dma_start3A, %dma_start3A_104] : memref<4x128x64xf32, #tpu.memory_space<vmem>> -> memref<1x128x64xf32, #tpu.memory_space<vmem>>
      %dma_start3A_106 = tpu.memref_squeeze %dma_start3A_105 : memref<1x128x64xf32, #tpu.memory_space<vmem>> -> memref<128x64xf32, #tpu.memory_space<vmem>>
      %dma_start3A_107 = arith.constant 0 : i32
      %dma_start3A_108 = tpu.memref_slice %arg9[%add3A_66, %dma_start3A_107] : memref<10240x64xf32, #tpu.memory_space<vmem_shared>> -> memref<128x64xf32, #tpu.memory_space<vmem_shared>>
      %dma_start3A_109 = arith.constant 0 : i32
      %dma_start3A_110 = tpu.memref_slice %arg9[%add3A_66, %dma_start3A_109] : memref<10240x64xf32, #tpu.memory_space<vmem_shared>> -> memref<128x64xf32, #tpu.memory_space<vmem_shared>>
      %dma_start3A_111 = arith.constant 0 : i32
      %dma_start3A_112 = arith.constant 0 : i32
      %dma_start3A_113 = tpu.memref_slice %arg8[%run_scoped3A_67, %dma_start3A_111, %dma_start3A_112] : memref<4x128x64xf32, #tpu.memory_space<vmem>> -> memref<1x128x64xf32, #tpu.memory_space<vmem>>
      %dma_start3A_114 = tpu.memref_squeeze %dma_start3A_113 : memref<1x128x64xf32, #tpu.memory_space<vmem>> -> memref<128x64xf32, #tpu.memory_space<vmem>>
      tpu.enqueue_dma source(%dma_start3A_114 : memref<128x64xf32, #tpu.memory_space<vmem>>) target(%dma_start3A_110 : memref<128x64xf32, #tpu.memory_space<vmem_shared>>) target_semaphore(%run_scoped3A_103 : memref<!tpu.dma_semaphore, #tpu.memory_space<semaphore_mem>>)
      %dma_wait3A = arith.constant 0 : i32
      %dma_wait3A_115 = arith.constant 0 : i32
      %dma_wait3A_116 = tpu.memref_slice %arg8[%run_scoped3A_67, %dma_wait3A, %dma_wait3A_115] : memref<4x128x64xf32, #tpu.memory_space<vmem>> -> memref<1x128x64xf32, #tpu.memory_space<vmem>>
      %dma_wait3A_117 = tpu.memref_squeeze %dma_wait3A_116 : memref<1x128x64xf32, #tpu.memory_space<vmem>> -> memref<128x64xf32, #tpu.memory_space<vmem>>
      %dma_wait3A_118 = arith.constant 0 : i32
      %dma_wait3A_119 = tpu.memref_slice %arg9[%add3A_66, %dma_wait3A_118] : memref<10240x64xf32, #tpu.memory_space<vmem_shared>> -> memref<128x64xf32, #tpu.memory_space<vmem_shared>>
      %dma_wait3A_120 = arith.constant 0 : i32
      %dma_wait3A_121 = tpu.memref_slice %arg9[%add3A_66, %dma_wait3A_120] : memref<10240x64xf32, #tpu.memory_space<vmem_shared>> -> memref<128x64xf32, #tpu.memory_space<vmem_shared>>
      %dma_wait3A_122 = arith.constant 0 : i32
      %dma_wait3A_123 = arith.constant 0 : i32
      %dma_wait3A_124 = tpu.memref_slice %arg8[%run_scoped3A_67, %dma_wait3A_122, %dma_wait3A_123] : memref<4x128x64xf32, #tpu.memory_space<vmem>> -> memref<1x128x64xf32, #tpu.memory_space<vmem>>
      %dma_wait3A_125 = tpu.memref_squeeze %dma_wait3A_124 : memref<1x128x64xf32, #tpu.memory_space<vmem>> -> memref<128x64xf32, #tpu.memory_space<vmem>>
      tpu.wait_dma2 semaphore(%run_scoped3A_103 : memref<!tpu.dma_semaphore, #tpu.memory_space<semaphore_mem>>) src(%dma_wait3A_125 : memref<128x64xf32, #tpu.memory_space<vmem>>) dst(%dma_wait3A_121 : memref<128x64xf32, #tpu.memory_space<vmem_shared>>)
      tpu.yield
    }) : () -> ()
    %mul3A_68 = arith.constant 640 : i32
    %mul3A_69 = arith.muli %arg1, %mul3A_68 : i32
    %add3A_70 = arith.constant 256 : i32
    %add3A_71 = arith.addi %mul3A_69, %add3A_70 : i32
    %run_scoped3A_72 = arith.constant 0 : i32
    "tpu.region"() ({
      %run_scoped3A_103 = tpu.sem_alloc : memref<!tpu.dma_semaphore, #tpu.memory_space<semaphore_mem>>
      %dma_start3A = arith.constant 0 : i32
      %dma_start3A_104 = arith.constant 0 : i32
      %dma_start3A_105 = tpu.memref_slice %arg8[%run_scoped3A_72, %dma_start3A, %dma_start3A_104] : memref<4x128x64xf32, #tpu.memory_space<vmem>> -> memref<1x128x64xf32, #tpu.memory_space<vmem>>
      %dma_start3A_106 = tpu.memref_squeeze %dma_start3A_105 : memref<1x128x64xf32, #tpu.memory_space<vmem>> -> memref<128x64xf32, #tpu.memory_space<vmem>>
      %dma_start3A_107 = arith.constant 0 : i32
      %dma_start3A_108 = tpu.memref_slice %arg9[%add3A_71, %dma_start3A_107] : memref<10240x64xf32, #tpu.memory_space<vmem_shared>> -> memref<128x64xf32, #tpu.memory_space<vmem_shared>>
      %dma_start3A_109 = arith.constant 0 : i32
      %dma_start3A_110 = tpu.memref_slice %arg9[%add3A_71, %dma_start3A_109] : memref<10240x64xf32, #tpu.memory_space<vmem_shared>> -> memref<128x64xf32, #tpu.memory_space<vmem_shared>>
      %dma_start3A_111 = arith.constant 0 : i32
      %dma_start3A_112 = arith.constant 0 : i32
      %dma_start3A_113 = tpu.memref_slice %arg8[%run_scoped3A_72, %dma_start3A_111, %dma_start3A_112] : memref<4x128x64xf32, #tpu.memory_space<vmem>> -> memref<1x128x64xf32, #tpu.memory_space<vmem>>
      %dma_start3A_114 = tpu.memref_squeeze %dma_start3A_113 : memref<1x128x64xf32, #tpu.memory_space<vmem>> -> memref<128x64xf32, #tpu.memory_space<vmem>>
      tpu.enqueue_dma source(%dma_start3A_114 : memref<128x64xf32, #tpu.memory_space<vmem>>) target(%dma_start3A_110 : memref<128x64xf32, #tpu.memory_space<vmem_shared>>) target_semaphore(%run_scoped3A_103 : memref<!tpu.dma_semaphore, #tpu.memory_space<semaphore_mem>>)
      %dma_wait3A = arith.constant 0 : i32
      %dma_wait3A_115 = arith.constant 0 : i32
      %dma_wait3A_116 = tpu.memref_slice %arg8[%run_scoped3A_72, %dma_wait3A, %dma_wait3A_115] : memref<4x128x64xf32, #tpu.memory_space<vmem>> -> memref<1x128x64xf32, #tpu.memory_space<vmem>>
      %dma_wait3A_117 = tpu.memref_squeeze %dma_wait3A_116 : memref<1x128x64xf32, #tpu.memory_space<vmem>> -> memref<128x64xf32, #tpu.memory_space<vmem>>
      %dma_wait3A_118 = arith.constant 0 : i32
      %dma_wait3A_119 = tpu.memref_slice %arg9[%add3A_71, %dma_wait3A_118] : memref<10240x64xf32, #tpu.memory_space<vmem_shared>> -> memref<128x64xf32, #tpu.memory_space<vmem_shared>>
      %dma_wait3A_120 = arith.constant 0 : i32
      %dma_wait3A_121 = tpu.memref_slice %arg9[%add3A_71, %dma_wait3A_120] : memref<10240x64xf32, #tpu.memory_space<vmem_shared>> -> memref<128x64xf32, #tpu.memory_space<vmem_shared>>
      %dma_wait3A_122 = arith.constant 0 : i32
      %dma_wait3A_123 = arith.constant 0 : i32
      %dma_wait3A_124 = tpu.memref_slice %arg8[%run_scoped3A_72, %dma_wait3A_122, %dma_wait3A_123] : memref<4x128x64xf32, #tpu.memory_space<vmem>> -> memref<1x128x64xf32, #tpu.memory_space<vmem>>
      %dma_wait3A_125 = tpu.memref_squeeze %dma_wait3A_124 : memref<1x128x64xf32, #tpu.memory_space<vmem>> -> memref<128x64xf32, #tpu.memory_space<vmem>>
      tpu.wait_dma2 semaphore(%run_scoped3A_103 : memref<!tpu.dma_semaphore, #tpu.memory_space<semaphore_mem>>) src(%dma_wait3A_125 : memref<128x64xf32, #tpu.memory_space<vmem>>) dst(%dma_wait3A_121 : memref<128x64xf32, #tpu.memory_space<vmem_shared>>)
      tpu.yield
    }) : () -> ()
    %mul3A_73 = arith.constant 640 : i32
    %mul3A_74 = arith.muli %arg1, %mul3A_73 : i32
    %add3A_75 = arith.constant 384 : i32
    %add3A_76 = arith.addi %mul3A_74, %add3A_75 : i32
    %run_scoped3A_77 = arith.constant 0 : i32
    "tpu.region"() ({
      %run_scoped3A_103 = tpu.sem_alloc : memref<!tpu.dma_semaphore, #tpu.memory_space<semaphore_mem>>
      %dma_start3A = arith.constant 0 : i32
      %dma_start3A_104 = arith.constant 0 : i32
      %dma_start3A_105 = tpu.memref_slice %arg8[%run_scoped3A_77, %dma_start3A, %dma_start3A_104] : memref<4x128x64xf32, #tpu.memory_space<vmem>> -> memref<1x128x64xf32, #tpu.memory_space<vmem>>
      %dma_start3A_106 = tpu.memref_squeeze %dma_start3A_105 : memref<1x128x64xf32, #tpu.memory_space<vmem>> -> memref<128x64xf32, #tpu.memory_space<vmem>>
      %dma_start3A_107 = arith.constant 0 : i32
      %dma_start3A_108 = tpu.memref_slice %arg9[%add3A_76, %dma_start3A_107] : memref<10240x64xf32, #tpu.memory_space<vmem_shared>> -> memref<128x64xf32, #tpu.memory_space<vmem_shared>>
      %dma_start3A_109 = arith.constant 0 : i32
      %dma_start3A_110 = tpu.memref_slice %arg9[%add3A_76, %dma_start3A_109] : memref<10240x64xf32, #tpu.memory_space<vmem_shared>> -> memref<128x64xf32, #tpu.memory_space<vmem_shared>>
      %dma_start3A_111 = arith.constant 0 : i32
      %dma_start3A_112 = arith.constant 0 : i32
      %dma_start3A_113 = tpu.memref_slice %arg8[%run_scoped3A_77, %dma_start3A_111, %dma_start3A_112] : memref<4x128x64xf32, #tpu.memory_space<vmem>> -> memref<1x128x64xf32, #tpu.memory_space<vmem>>
      %dma_start3A_114 = tpu.memref_squeeze %dma_start3A_113 : memref<1x128x64xf32, #tpu.memory_space<vmem>> -> memref<128x64xf32, #tpu.memory_space<vmem>>
      tpu.enqueue_dma source(%dma_start3A_114 : memref<128x64xf32, #tpu.memory_space<vmem>>) target(%dma_start3A_110 : memref<128x64xf32, #tpu.memory_space<vmem_shared>>) target_semaphore(%run_scoped3A_103 : memref<!tpu.dma_semaphore, #tpu.memory_space<semaphore_mem>>)
      %dma_wait3A = arith.constant 0 : i32
      %dma_wait3A_115 = arith.constant 0 : i32
      %dma_wait3A_116 = tpu.memref_slice %arg8[%run_scoped3A_77, %dma_wait3A, %dma_wait3A_115] : memref<4x128x64xf32, #tpu.memory_space<vmem>> -> memref<1x128x64xf32, #tpu.memory_space<vmem>>
      %dma_wait3A_117 = tpu.memref_squeeze %dma_wait3A_116 : memref<1x128x64xf32, #tpu.memory_space<vmem>> -> memref<128x64xf32, #tpu.memory_space<vmem>>
      %dma_wait3A_118 = arith.constant 0 : i32
      %dma_wait3A_119 = tpu.memref_slice %arg9[%add3A_76, %dma_wait3A_118] : memref<10240x64xf32, #tpu.memory_space<vmem_shared>> -> memref<128x64xf32, #tpu.memory_space<vmem_shared>>
      %dma_wait3A_120 = arith.constant 0 : i32
      %dma_wait3A_121 = tpu.memref_slice %arg9[%add3A_76, %dma_wait3A_120] : memref<10240x64xf32, #tpu.memory_space<vmem_shared>> -> memref<128x64xf32, #tpu.memory_space<vmem_shared>>
      %dma_wait3A_122 = arith.constant 0 : i32
      %dma_wait3A_123 = arith.constant 0 : i32
      %dma_wait3A_124 = tpu.memref_slice %arg8[%run_scoped3A_77, %dma_wait3A_122, %dma_wait3A_123] : memref<4x128x64xf32, #tpu.memory_space<vmem>> -> memref<1x128x64xf32, #tpu.memory_space<vmem>>
      %dma_wait3A_125 = tpu.memref_squeeze %dma_wait3A_124 : memref<1x128x64xf32, #tpu.memory_space<vmem>> -> memref<128x64xf32, #tpu.memory_space<vmem>>
      tpu.wait_dma2 semaphore(%run_scoped3A_103 : memref<!tpu.dma_semaphore, #tpu.memory_space<semaphore_mem>>) src(%dma_wait3A_125 : memref<128x64xf32, #tpu.memory_space<vmem>>) dst(%dma_wait3A_121 : memref<128x64xf32, #tpu.memory_space<vmem_shared>>)
      tpu.yield
    }) : () -> ()
    %mul3A_78 = arith.constant 640 : i32
    %mul3A_79 = arith.muli %arg1, %mul3A_78 : i32
    %add3A_80 = arith.constant 512 : i32
    %add3A_81 = arith.addi %mul3A_79, %add3A_80 : i32
    %run_scoped3A_82 = arith.constant 0 : i32
    "tpu.region"() ({
      %run_scoped3A_103 = tpu.sem_alloc : memref<!tpu.dma_semaphore, #tpu.memory_space<semaphore_mem>>
      %dma_start3A = arith.constant 0 : i32
      %dma_start3A_104 = arith.constant 0 : i32
      %dma_start3A_105 = tpu.memref_slice %arg8[%run_scoped3A_82, %dma_start3A, %dma_start3A_104] : memref<4x128x64xf32, #tpu.memory_space<vmem>> -> memref<1x128x64xf32, #tpu.memory_space<vmem>>
      %dma_start3A_106 = tpu.memref_squeeze %dma_start3A_105 : memref<1x128x64xf32, #tpu.memory_space<vmem>> -> memref<128x64xf32, #tpu.memory_space<vmem>>
      %dma_start3A_107 = arith.constant 0 : i32
      %dma_start3A_108 = tpu.memref_slice %arg9[%add3A_81, %dma_start3A_107] : memref<10240x64xf32, #tpu.memory_space<vmem_shared>> -> memref<128x64xf32, #tpu.memory_space<vmem_shared>>
      %dma_start3A_109 = arith.constant 0 : i32
      %dma_start3A_110 = tpu.memref_slice %arg9[%add3A_81, %dma_start3A_109] : memref<10240x64xf32, #tpu.memory_space<vmem_shared>> -> memref<128x64xf32, #tpu.memory_space<vmem_shared>>
      %dma_start3A_111 = arith.constant 0 : i32
      %dma_start3A_112 = arith.constant 0 : i32
      %dma_start3A_113 = tpu.memref_slice %arg8[%run_scoped3A_82, %dma_start3A_111, %dma_start3A_112] : memref<4x128x64xf32, #tpu.memory_space<vmem>> -> memref<1x128x64xf32, #tpu.memory_space<vmem>>
      %dma_start3A_114 = tpu.memref_squeeze %dma_start3A_113 : memref<1x128x64xf32, #tpu.memory_space<vmem>> -> memref<128x64xf32, #tpu.memory_space<vmem>>
      tpu.enqueue_dma source(%dma_start3A_114 : memref<128x64xf32, #tpu.memory_space<vmem>>) target(%dma_start3A_110 : memref<128x64xf32, #tpu.memory_space<vmem_shared>>) target_semaphore(%run_scoped3A_103 : memref<!tpu.dma_semaphore, #tpu.memory_space<semaphore_mem>>)
      %dma_wait3A = arith.constant 0 : i32
      %dma_wait3A_115 = arith.constant 0 : i32
      %dma_wait3A_116 = tpu.memref_slice %arg8[%run_scoped3A_82, %dma_wait3A, %dma_wait3A_115] : memref<4x128x64xf32, #tpu.memory_space<vmem>> -> memref<1x128x64xf32, #tpu.memory_space<vmem>>
      %dma_wait3A_117 = tpu.memref_squeeze %dma_wait3A_116 : memref<1x128x64xf32, #tpu.memory_space<vmem>> -> memref<128x64xf32, #tpu.memory_space<vmem>>
      %dma_wait3A_118 = arith.constant 0 : i32
      %dma_wait3A_119 = tpu.memref_slice %arg9[%add3A_81, %dma_wait3A_118] : memref<10240x64xf32, #tpu.memory_space<vmem_shared>> -> memref<128x64xf32, #tpu.memory_space<vmem_shared>>
      %dma_wait3A_120 = arith.constant 0 : i32
      %dma_wait3A_121 = tpu.memref_slice %arg9[%add3A_81, %dma_wait3A_120] : memref<10240x64xf32, #tpu.memory_space<vmem_shared>> -> memref<128x64xf32, #tpu.memory_space<vmem_shared>>
      %dma_wait3A_122 = arith.constant 0 : i32
      %dma_wait3A_123 = arith.constant 0 : i32
      %dma_wait3A_124 = tpu.memref_slice %arg8[%run_scoped3A_82, %dma_wait3A_122, %dma_wait3A_123] : memref<4x128x64xf32, #tpu.memory_space<vmem>> -> memref<1x128x64xf32, #tpu.memory_space<vmem>>
      %dma_wait3A_125 = tpu.memref_squeeze %dma_wait3A_124 : memref<1x128x64xf32, #tpu.memory_space<vmem>> -> memref<128x64xf32, #tpu.memory_space<vmem>>
      tpu.wait_dma2 semaphore(%run_scoped3A_103 : memref<!tpu.dma_semaphore, #tpu.memory_space<semaphore_mem>>) src(%dma_wait3A_125 : memref<128x64xf32, #tpu.memory_space<vmem>>) dst(%dma_wait3A_121 : memref<128x64xf32, #tpu.memory_space<vmem_shared>>)
      tpu.yield
    }) : () -> ()
    %mul3A_83 = arith.constant 640 : i32
    %mul3A_84 = arith.muli %arg1, %mul3A_83 : i32
    %mul3A_85 = arith.constant 640 : i32
    %mul3A_86 = arith.muli %arg1, %mul3A_85 : i32
    "tpu.region"() ({
      %run_scoped3A_103 = tpu.sem_alloc : memref<!tpu.dma_semaphore, #tpu.memory_space<semaphore_mem>>
      %dma_start3A = arith.constant 0 : i32
      %dma_start3A_104 = tpu.memref_slice %arg10[%mul3A_86, %dma_start3A] : memref<10240x64xf32, #tpu.memory_space<vmem_shared>> -> memref<640x64xf32, #tpu.memory_space<vmem_shared>>
      %dma_start3A_105 = arith.constant 64 : i32
      %dma_start3A_106 = tpu.memref_slice %arg2[%mul3A_84, %dma_start3A_105] : memref<10240x128xf32, #tpu.memory_space<hbm>> -> memref<640x64xf32, #tpu.memory_space<hbm>>
      tpu.enqueue_dma source(%dma_start3A_106 : memref<640x64xf32, #tpu.memory_space<hbm>>) target(%dma_start3A_104 : memref<640x64xf32, #tpu.memory_space<vmem_shared>>) target_semaphore(%run_scoped3A_103 : memref<!tpu.dma_semaphore, #tpu.memory_space<semaphore_mem>>)
      %dma_wait3A = arith.constant 0 : i32
      %dma_wait3A_107 = tpu.memref_slice %arg10[%mul3A_86, %dma_wait3A] : memref<10240x64xf32, #tpu.memory_space<vmem_shared>> -> memref<640x64xf32, #tpu.memory_space<vmem_shared>>
      %dma_wait3A_108 = arith.constant 64 : i32
      %dma_wait3A_109 = tpu.memref_slice %arg2[%mul3A_84, %dma_wait3A_108] : memref<10240x128xf32, #tpu.memory_space<hbm>> -> memref<640x64xf32, #tpu.memory_space<hbm>>
      tpu.wait_dma2 semaphore(%run_scoped3A_103 : memref<!tpu.dma_semaphore, #tpu.memory_space<semaphore_mem>>) src(%dma_wait3A_109 : memref<640x64xf32, #tpu.memory_space<hbm>>) dst(%dma_wait3A_107 : memref<640x64xf32, #tpu.memory_space<vmem_shared>>)
      tpu.yield
    }) : () -> ()
    %barrier3A_87 = arith.constant 0 : index
    tpu.barrier barrier_id(%barrier3A_87)
    %while3A_88 = arith.constant 0 : i32
    %while3A_89 = arith.constant 0 : i32
    %while3A_90 = arith.subi %select_n3A_6, %while3A_89 : i32
    %while3A_91 = arith.addi %while3A_89, %while3A_90 : i32
    %while3A_92 = arith.constant 1 : i32
    %while3A_93 = arith.divsi %while3A_90, %while3A_92 : i32
    %while3A_94 = arith.muli %while3A_93, %while3A_92 : i32
    %while3A_95 = arith.addi %while3A_89, %while3A_94 : i32
    %while3A_96 = arith.constant 1 : i32
    scf.for %while3A_103 = %while3A_89 to %while3A_95 step %while3A_96  : i32 {
      %mul3A_104 = arith.constant 40 : i32
      %mul3A_105 = arith.muli %while3A_103, %mul3A_104 : i32
      %add3A_106 = arith.addi %select_n3A, %mul3A_105 : i32
      "tpu.region"() ({
        %run_scoped3A_151 = tpu.sem_alloc : memref<!tpu.dma_semaphore, #tpu.memory_space<semaphore_mem>>
        %dma_start3A_152 = arith.constant 0 : i32
        %dma_start3A_153 = tpu.memref_slice %arg3[%arg1, %add3A_106, %dma_start3A_152] : memref<16x160x128xi32, #tpu.memory_space<hbm>> -> memref<1x40x128xi32, #tpu.memory_space<hbm>>
        %dma_start3A_154 = tpu.memref_squeeze %dma_start3A_153 : memref<1x40x128xi32, #tpu.memory_space<hbm>> -> memref<40x128xi32, #tpu.memory_space<hbm>>
        %dma_start3A_155 = arith.constant 0 : i32
        %dma_start3A_156 = tpu.memref_slice %arg3[%arg1, %add3A_106, %dma_start3A_155] : memref<16x160x128xi32, #tpu.memory_space<hbm>> -> memref<1x40x128xi32, #tpu.memory_space<hbm>>
        %dma_start3A_157 = tpu.memref_squeeze %dma_start3A_156 : memref<1x40x128xi32, #tpu.memory_space<hbm>> -> memref<40x128xi32, #tpu.memory_space<hbm>>
        tpu.enqueue_dma source(%dma_start3A_157 : memref<40x128xi32, #tpu.memory_space<hbm>>) target(%arg6 : memref<40x128xi32, #tpu.memory_space<vmem>>) target_semaphore(%run_scoped3A_151 : memref<!tpu.dma_semaphore, #tpu.memory_space<semaphore_mem>>)
        %dma_wait3A = arith.constant 0 : i32
        %dma_wait3A_158 = tpu.memref_slice %arg3[%arg1, %add3A_106, %dma_wait3A] : memref<16x160x128xi32, #tpu.memory_space<hbm>> -> memref<1x40x128xi32, #tpu.memory_space<hbm>>
        %dma_wait3A_159 = tpu.memref_squeeze %dma_wait3A_158 : memref<1x40x128xi32, #tpu.memory_space<hbm>> -> memref<40x128xi32, #tpu.memory_space<hbm>>
        %dma_wait3A_160 = arith.constant 0 : i32
        %dma_wait3A_161 = tpu.memref_slice %arg3[%arg1, %add3A_106, %dma_wait3A_160] : memref<16x160x128xi32, #tpu.memory_space<hbm>> -> memref<1x40x128xi32, #tpu.memory_space<hbm>>
        %dma_wait3A_162 = tpu.memref_squeeze %dma_wait3A_161 : memref<1x40x128xi32, #tpu.memory_space<hbm>> -> memref<40x128xi32, #tpu.memory_space<hbm>>
        tpu.wait_dma2 semaphore(%run_scoped3A_151 : memref<!tpu.dma_semaphore, #tpu.memory_space<semaphore_mem>>) src(%dma_wait3A_162 : memref<40x128xi32, #tpu.memory_space<hbm>>) dst(%arg6 : memref<40x128xi32, #tpu.memory_space<vmem>>)
        tpu.yield
      }) : () -> ()
      %mul3A_107 = arith.constant 40 : i32
      %mul3A_108 = arith.muli %while3A_103, %mul3A_107 : i32
      %add3A_109 = arith.addi %select_n3A, %mul3A_108 : i32
      "tpu.region"() ({
        %run_scoped3A_151 = tpu.sem_alloc : memref<!tpu.dma_semaphore, #tpu.memory_space<semaphore_mem>>
        %dma_start3A_152 = arith.constant 0 : i32
        %dma_start3A_153 = tpu.memref_slice %arg4[%arg1, %add3A_109, %dma_start3A_152] : memref<16x160x128xi32, #tpu.memory_space<hbm>> -> memref<1x40x128xi32, #tpu.memory_space<hbm>>
        %dma_start3A_154 = tpu.memref_squeeze %dma_start3A_153 : memref<1x40x128xi32, #tpu.memory_space<hbm>> -> memref<40x128xi32, #tpu.memory_space<hbm>>
        %dma_start3A_155 = arith.constant 0 : i32
        %dma_start3A_156 = tpu.memref_slice %arg4[%arg1, %add3A_109, %dma_start3A_155] : memref<16x160x128xi32, #tpu.memory_space<hbm>> -> memref<1x40x128xi32, #tpu.memory_space<hbm>>
        %dma_start3A_157 = tpu.memref_squeeze %dma_start3A_156 : memref<1x40x128xi32, #tpu.memory_space<hbm>> -> memref<40x128xi32, #tpu.memory_space<hbm>>
        tpu.enqueue_dma source(%dma_start3A_157 : memref<40x128xi32, #tpu.memory_space<hbm>>) target(%arg7 : memref<40x128xi32, #tpu.memory_space<vmem>>) target_semaphore(%run_scoped3A_151 : memref<!tpu.dma_semaphore, #tpu.memory_space<semaphore_mem>>)
        %dma_wait3A = arith.constant 0 : i32
        %dma_wait3A_158 = tpu.memref_slice %arg4[%arg1, %add3A_109, %dma_wait3A] : memref<16x160x128xi32, #tpu.memory_space<hbm>> -> memref<1x40x128xi32, #tpu.memory_space<hbm>>
        %dma_wait3A_159 = tpu.memref_squeeze %dma_wait3A_158 : memref<1x40x128xi32, #tpu.memory_space<hbm>> -> memref<40x128xi32, #tpu.memory_space<hbm>>
        %dma_wait3A_160 = arith.constant 0 : i32
        %dma_wait3A_161 = tpu.memref_slice %arg4[%arg1, %add3A_109, %dma_wait3A_160] : memref<16x160x128xi32, #tpu.memory_space<hbm>> -> memref<1x40x128xi32, #tpu.memory_space<hbm>>
        %dma_wait3A_162 = tpu.memref_squeeze %dma_wait3A_161 : memref<1x40x128xi32, #tpu.memory_space<hbm>> -> memref<40x128xi32, #tpu.memory_space<hbm>>
        tpu.wait_dma2 semaphore(%run_scoped3A_151 : memref<!tpu.dma_semaphore, #tpu.memory_space<semaphore_mem>>) src(%dma_wait3A_162 : memref<40x128xi32, #tpu.memory_space<hbm>>) dst(%arg7 : memref<40x128xi32, #tpu.memory_space<vmem>>)
        tpu.yield
      }) : () -> ()
      %dma_start3A = arith.constant 0 : i32
      %dma_start3A_110 = arith.constant 0 : i32
      %dma_start3A_111 = arith.constant 0 : i32
      %dma_start3A_112 = arith.constant 0 : i32
      %dma_start3A_113 = tpu.memref_slice %arg8[%dma_start3A_110, %dma_start3A_111, %dma_start3A_112] : memref<4x128x64xf32, #tpu.memory_space<vmem>> -> memref<1x128x64xf32, #tpu.memory_space<vmem>>
      %dma_start3A_114 = tpu.memref_squeeze %dma_start3A_113 : memref<1x128x64xf32, #tpu.memory_space<vmem>> -> memref<128x64xf32, #tpu.memory_space<vmem>>
      %dma_start3A_115 = arith.constant 0 : i32
      %dma_start3A_116 = tpu.memref_slice %arg6[%dma_start3A, %dma_start3A_115] : memref<40x128xi32, #tpu.memory_space<vmem>> -> memref<1x128xi32, #tpu.memory_space<vmem>>
      %dma_start3A_117 = tpu.memref_squeeze %dma_start3A_116 : memref<1x128xi32, #tpu.memory_space<vmem>> -> memref<128xi32, #tpu.memory_space<vmem>>
      %dma_start3A_118 = arith.constant 0 : i32
      %dma_start3A_119 = arith.constant 0 : i32
      %dma_start3A_120 = tpu.memref_slice %arg10[%dma_start3A_118, %dma_start3A_119] : memref<10240x64xf32, #tpu.memory_space<vmem_shared>> -> memref<10240x64xf32, #tpu.memory_space<vmem_shared>>
      tpu.enqueue_indirect_dma source(%dma_start3A_120 : memref<10240x64xf32, #tpu.memory_space<vmem_shared>>) target(%dma_start3A_114 : memref<128x64xf32, #tpu.memory_space<vmem>>) offsets(%dma_start3A_117 : memref<128xi32, #tpu.memory_space<vmem>>) semaphore(%arg11 : memref<!tpu.dma_semaphore, #tpu.memory_space<semaphore_mem>>)
      %dma_start3A_121 = arith.constant 1 : i32
      %dma_start3A_122 = arith.constant 1 : i32
      %dma_start3A_123 = arith.constant 0 : i32
      %dma_start3A_124 = arith.constant 0 : i32
      %dma_start3A_125 = tpu.memref_slice %arg8[%dma_start3A_122, %dma_start3A_123, %dma_start3A_124] : memref<4x128x64xf32, #tpu.memory_space<vmem>> -> memref<1x128x64xf32, #tpu.memory_space<vmem>>
      %dma_start3A_126 = tpu.memref_squeeze %dma_start3A_125 : memref<1x128x64xf32, #tpu.memory_space<vmem>> -> memref<128x64xf32, #tpu.memory_space<vmem>>
      %dma_start3A_127 = arith.constant 0 : i32
      %dma_start3A_128 = tpu.memref_slice %arg6[%dma_start3A_121, %dma_start3A_127] : memref<40x128xi32, #tpu.memory_space<vmem>> -> memref<1x128xi32, #tpu.memory_space<vmem>>
      %dma_start3A_129 = tpu.memref_squeeze %dma_start3A_128 : memref<1x128xi32, #tpu.memory_space<vmem>> -> memref<128xi32, #tpu.memory_space<vmem>>
      %dma_start3A_130 = arith.constant 0 : i32
      %dma_start3A_131 = arith.constant 0 : i32
      %dma_start3A_132 = tpu.memref_slice %arg10[%dma_start3A_130, %dma_start3A_131] : memref<10240x64xf32, #tpu.memory_space<vmem_shared>> -> memref<10240x64xf32, #tpu.memory_space<vmem_shared>>
      tpu.enqueue_indirect_dma source(%dma_start3A_132 : memref<10240x64xf32, #tpu.memory_space<vmem_shared>>) target(%dma_start3A_126 : memref<128x64xf32, #tpu.memory_space<vmem>>) offsets(%dma_start3A_129 : memref<128xi32, #tpu.memory_space<vmem>>) semaphore(%arg11 : memref<!tpu.dma_semaphore, #tpu.memory_space<semaphore_mem>>)
      %dma_start3A_133 = arith.constant 2 : i32
      %dma_start3A_134 = arith.constant 2 : i32
      %dma_start3A_135 = arith.constant 0 : i32
      %dma_start3A_136 = arith.constant 0 : i32
      %dma_start3A_137 = tpu.memref_slice %arg8[%dma_start3A_134, %dma_start3A_135, %dma_start3A_136] : memref<4x128x64xf32, #tpu.memory_space<vmem>> -> memref<1x128x64xf32, #tpu.memory_space<vmem>>
      %dma_start3A_138 = tpu.memref_squeeze %dma_start3A_137 : memref<1x128x64xf32, #tpu.memory_space<vmem>> -> memref<128x64xf32, #tpu.memory_space<vmem>>
      %dma_start3A_139 = arith.constant 0 : i32
      %dma_start3A_140 = tpu.memref_slice %arg6[%dma_start3A_133, %dma_start3A_139] : memref<40x128xi32, #tpu.memory_space<vmem>> -> memref<1x128xi32, #tpu.memory_space<vmem>>
      %dma_start3A_141 = tpu.memref_squeeze %dma_start3A_140 : memref<1x128xi32, #tpu.memory_space<vmem>> -> memref<128xi32, #tpu.memory_space<vmem>>
      %dma_start3A_142 = arith.constant 0 : i32
      %dma_start3A_143 = arith.constant 0 : i32
      %dma_start3A_144 = tpu.memref_slice %arg10[%dma_start3A_142, %dma_start3A_143] : memref<10240x64xf32, #tpu.memory_space<vmem_shared>> -> memref<10240x64xf32, #tpu.memory_space<vmem_shared>>
      tpu.enqueue_indirect_dma source(%dma_start3A_144 : memref<10240x64xf32, #tpu.memory_space<vmem_shared>>) target(%dma_start3A_138 : memref<128x64xf32, #tpu.memory_space<vmem>>) offsets(%dma_start3A_141 : memref<128xi32, #tpu.memory_space<vmem>>) semaphore(%arg11 : memref<!tpu.dma_semaphore, #tpu.memory_space<semaphore_mem>>)
      %scan3A_145 = arith.constant 0 : i32
      %scan3A_146 = arith.constant 0 : i32
      %scan3A_147 = arith.constant 40 : i32
      %scan3A_148 = arith.addi %scan3A_146, %scan3A_147 : i32
      %scan3A_149 = arith.constant 1 : i32
      scf.for %scan3A_151 = %scan3A_146 to %scan3A_148 step %scan3A_149  : i32 {
        %rem3A = arith.constant 4 : i32
        %rem3A_152 = arith.remsi %scan3A_151, %rem3A : i32
        %dma_wait3A = arith.constant 0 : i32
        %dma_wait3A_153 = arith.constant 0 : i32
        %dma_wait3A_154 = tpu.memref_slice %arg8[%rem3A_152, %dma_wait3A, %dma_wait3A_153] : memref<4x128x64xf32, #tpu.memory_space<vmem>> -> memref<1x128x64xf32, #tpu.memory_space<vmem>>
        %dma_wait3A_155 = tpu.memref_squeeze %dma_wait3A_154 : memref<1x128x64xf32, #tpu.memory_space<vmem>> -> memref<128x64xf32, #tpu.memory_space<vmem>>
        %dma_wait3A_156 = arith.constant 0 : i32
        %dma_wait3A_157 = tpu.memref_slice %arg6[%scan3A_151, %dma_wait3A_156] : memref<40x128xi32, #tpu.memory_space<vmem>> -> memref<1x128xi32, #tpu.memory_space<vmem>>
        %dma_wait3A_158 = tpu.memref_squeeze %dma_wait3A_157 : memref<1x128xi32, #tpu.memory_space<vmem>> -> memref<128xi32, #tpu.memory_space<vmem>>
        %dma_wait3A_159 = arith.constant 0 : i32
        %dma_wait3A_160 = arith.constant 0 : i32
        %dma_wait3A_161 = tpu.memref_slice %arg10[%dma_wait3A_159, %dma_wait3A_160] : memref<10240x64xf32, #tpu.memory_space<vmem_shared>> -> memref<10240x64xf32, #tpu.memory_space<vmem_shared>>
        tpu.wait_indirect_dma semaphore(%arg11 : memref<!tpu.dma_semaphore, #tpu.memory_space<semaphore_mem>>) src(%dma_wait3A_161 : memref<10240x64xf32, #tpu.memory_space<vmem_shared>>) dst(%dma_wait3A_155 : memref<128x64xf32, #tpu.memory_space<vmem>>)
        %lt3A = arith.constant 37 : i32
        %lt3A_162 = arith.cmpi slt, %scan3A_151, %lt3A : i32
        %convert_element_type3A = arith.extui %lt3A_162 : i1 to i32
        %cond3A = arith.constant 0 : i32
        %cond3A_163 = arith.cmpi ne, %convert_element_type3A, %cond3A : i32
        scf.if %cond3A_163 {
          %add3A_164 = arith.constant 4 : i32
          %add3A_165 = arith.addi %scan3A_151, %add3A_164 : i32
          %sub3A = arith.constant 1 : i32
          %sub3A_166 = arith.subi %add3A_165, %sub3A : i32
          %add3A_167 = arith.constant 4 : i32
          %add3A_168 = arith.addi %scan3A_151, %add3A_167 : i32
          %sub3A_169 = arith.constant 1 : i32
          %sub3A_170 = arith.subi %add3A_168, %sub3A_169 : i32
          %rem3A_171 = arith.constant 4 : i32
          %rem3A_172 = arith.remsi %sub3A_170, %rem3A_171 : i32
          %dma_start3A_173 = arith.constant 0 : i32
          %dma_start3A_174 = arith.constant 0 : i32
          %dma_start3A_175 = tpu.memref_slice %arg8[%rem3A_172, %dma_start3A_173, %dma_start3A_174] : memref<4x128x64xf32, #tpu.memory_space<vmem>> -> memref<1x128x64xf32, #tpu.memory_space<vmem>>
          %dma_start3A_176 = tpu.memref_squeeze %dma_start3A_175 : memref<1x128x64xf32, #tpu.memory_space<vmem>> -> memref<128x64xf32, #tpu.memory_space<vmem>>
          %dma_start3A_177 = arith.constant 0 : i32
          %dma_start3A_178 = tpu.memref_slice %arg6[%sub3A_166, %dma_start3A_177] : memref<40x128xi32, #tpu.memory_space<vmem>> -> memref<1x128xi32, #tpu.memory_space<vmem>>
          %dma_start3A_179 = tpu.memref_squeeze %dma_start3A_178 : memref<1x128xi32, #tpu.memory_space<vmem>> -> memref<128xi32, #tpu.memory_space<vmem>>
          %dma_start3A_180 = arith.constant 0 : i32
          %dma_start3A_181 = arith.constant 0 : i32
          %dma_start3A_182 = tpu.memref_slice %arg10[%dma_start3A_180, %dma_start3A_181] : memref<10240x64xf32, #tpu.memory_space<vmem_shared>> -> memref<10240x64xf32, #tpu.memory_space<vmem_shared>>
          tpu.enqueue_indirect_dma source(%dma_start3A_182 : memref<10240x64xf32, #tpu.memory_space<vmem_shared>>) target(%dma_start3A_176 : memref<128x64xf32, #tpu.memory_space<vmem>>) offsets(%dma_start3A_179 : memref<128xi32, #tpu.memory_space<vmem>>) semaphore(%arg11 : memref<!tpu.dma_semaphore, #tpu.memory_space<semaphore_mem>>)
        } else {
        }
        "tpu.region"() ({
          %run_scoped3A_164 = tpu.sem_alloc : memref<!tpu.dma_semaphore, #tpu.memory_space<semaphore_mem>>
          %dma_start3A_165 = arith.constant 0 : i32
          %dma_start3A_166 = arith.constant 0 : i32
          %dma_start3A_167 = tpu.memref_slice %arg8[%rem3A_152, %dma_start3A_165, %dma_start3A_166] : memref<4x128x64xf32, #tpu.memory_space<vmem>> -> memref<1x128x64xf32, #tpu.memory_space<vmem>>
          %dma_start3A_168 = tpu.memref_squeeze %dma_start3A_167 : memref<1x128x64xf32, #tpu.memory_space<vmem>> -> memref<128x64xf32, #tpu.memory_space<vmem>>
          %dma_start3A_169 = arith.constant 0 : i32
          %dma_start3A_170 = tpu.memref_slice %arg7[%scan3A_151, %dma_start3A_169] : memref<40x128xi32, #tpu.memory_space<vmem>> -> memref<1x128xi32, #tpu.memory_space<vmem>>
          %dma_start3A_171 = tpu.memref_squeeze %dma_start3A_170 : memref<1x128xi32, #tpu.memory_space<vmem>> -> memref<128xi32, #tpu.memory_space<vmem>>
          %dma_start3A_172 = arith.constant 0 : i32
          %dma_start3A_173 = arith.constant 0 : i32
          %dma_start3A_174 = tpu.memref_slice %arg9[%dma_start3A_172, %dma_start3A_173] : memref<10240x64xf32, #tpu.memory_space<vmem_shared>> -> memref<10240x64xf32, #tpu.memory_space<vmem_shared>>
          tpu.enqueue_indirect_dma source(%dma_start3A_168 : memref<128x64xf32, #tpu.memory_space<vmem>>) target(%dma_start3A_174 : memref<10240x64xf32, #tpu.memory_space<vmem_shared>>) offsets(%dma_start3A_171 : memref<128xi32, #tpu.memory_space<vmem>>) semaphore(%run_scoped3A_164 : memref<!tpu.dma_semaphore, #tpu.memory_space<semaphore_mem>>) {add = true}
          %dma_wait3A_175 = arith.constant 0 : i32
          %dma_wait3A_176 = arith.constant 0 : i32
          %dma_wait3A_177 = tpu.memref_slice %arg8[%rem3A_152, %dma_wait3A_175, %dma_wait3A_176] : memref<4x128x64xf32, #tpu.memory_space<vmem>> -> memref<1x128x64xf32, #tpu.memory_space<vmem>>
          %dma_wait3A_178 = tpu.memref_squeeze %dma_wait3A_177 : memref<1x128x64xf32, #tpu.memory_space<vmem>> -> memref<128x64xf32, #tpu.memory_space<vmem>>
          %dma_wait3A_179 = arith.constant 0 : i32
          %dma_wait3A_180 = tpu.memref_slice %arg7[%scan3A_151, %dma_wait3A_179] : memref<40x128xi32, #tpu.memory_space<vmem>> -> memref<1x128xi32, #tpu.memory_space<vmem>>
          %dma_wait3A_181 = tpu.memref_squeeze %dma_wait3A_180 : memref<1x128xi32, #tpu.memory_space<vmem>> -> memref<128xi32, #tpu.memory_space<vmem>>
          %dma_wait3A_182 = arith.constant 0 : i32
          %dma_wait3A_183 = arith.constant 0 : i32
          %dma_wait3A_184 = tpu.memref_slice %arg9[%dma_wait3A_182, %dma_wait3A_183] : memref<10240x64xf32, #tpu.memory_space<vmem_shared>> -> memref<10240x64xf32, #tpu.memory_space<vmem_shared>>
          tpu.wait_indirect_dma semaphore(%run_scoped3A_164 : memref<!tpu.dma_semaphore, #tpu.memory_space<semaphore_mem>>) src(%dma_wait3A_178 : memref<128x64xf32, #tpu.memory_space<vmem>>) dst(%dma_wait3A_184 : memref<10240x64xf32, #tpu.memory_space<vmem_shared>>)
          tpu.yield
        }) : () -> ()
      }
      %scan3A_150 = arith.constant 40 : i32
    }
    %while3A_97 = arith.constant 1 : i32
    scf.for %while3A_103 = %while3A_95 to %while3A_91 step %while3A_97  : i32 {
      %mul3A_104 = arith.constant 40 : i32
      %mul3A_105 = arith.muli %while3A_103, %mul3A_104 : i32
      %add3A_106 = arith.addi %select_n3A, %mul3A_105 : i32
      "tpu.region"() ({
        %run_scoped3A_151 = tpu.sem_alloc : memref<!tpu.dma_semaphore, #tpu.memory_space<semaphore_mem>>
        %dma_start3A_152 = arith.constant 0 : i32
        %dma_start3A_153 = tpu.memref_slice %arg3[%arg1, %add3A_106, %dma_start3A_152] : memref<16x160x128xi32, #tpu.memory_space<hbm>> -> memref<1x40x128xi32, #tpu.memory_space<hbm>>
        %dma_start3A_154 = tpu.memref_squeeze %dma_start3A_153 : memref<1x40x128xi32, #tpu.memory_space<hbm>> -> memref<40x128xi32, #tpu.memory_space<hbm>>
        %dma_start3A_155 = arith.constant 0 : i32
        %dma_start3A_156 = tpu.memref_slice %arg3[%arg1, %add3A_106, %dma_start3A_155] : memref<16x160x128xi32, #tpu.memory_space<hbm>> -> memref<1x40x128xi32, #tpu.memory_space<hbm>>
        %dma_start3A_157 = tpu.memref_squeeze %dma_start3A_156 : memref<1x40x128xi32, #tpu.memory_space<hbm>> -> memref<40x128xi32, #tpu.memory_space<hbm>>
        tpu.enqueue_dma source(%dma_start3A_157 : memref<40x128xi32, #tpu.memory_space<hbm>>) target(%arg6 : memref<40x128xi32, #tpu.memory_space<vmem>>) target_semaphore(%run_scoped3A_151 : memref<!tpu.dma_semaphore, #tpu.memory_space<semaphore_mem>>)
        %dma_wait3A = arith.constant 0 : i32
        %dma_wait3A_158 = tpu.memref_slice %arg3[%arg1, %add3A_106, %dma_wait3A] : memref<16x160x128xi32, #tpu.memory_space<hbm>> -> memref<1x40x128xi32, #tpu.memory_space<hbm>>
        %dma_wait3A_159 = tpu.memref_squeeze %dma_wait3A_158 : memref<1x40x128xi32, #tpu.memory_space<hbm>> -> memref<40x128xi32, #tpu.memory_space<hbm>>
        %dma_wait3A_160 = arith.constant 0 : i32
        %dma_wait3A_161 = tpu.memref_slice %arg3[%arg1, %add3A_106, %dma_wait3A_160] : memref<16x160x128xi32, #tpu.memory_space<hbm>> -> memref<1x40x128xi32, #tpu.memory_space<hbm>>
        %dma_wait3A_162 = tpu.memref_squeeze %dma_wait3A_161 : memref<1x40x128xi32, #tpu.memory_space<hbm>> -> memref<40x128xi32, #tpu.memory_space<hbm>>
        tpu.wait_dma2 semaphore(%run_scoped3A_151 : memref<!tpu.dma_semaphore, #tpu.memory_space<semaphore_mem>>) src(%dma_wait3A_162 : memref<40x128xi32, #tpu.memory_space<hbm>>) dst(%arg6 : memref<40x128xi32, #tpu.memory_space<vmem>>)
        tpu.yield
      }) : () -> ()
      %mul3A_107 = arith.constant 40 : i32
      %mul3A_108 = arith.muli %while3A_103, %mul3A_107 : i32
      %add3A_109 = arith.addi %select_n3A, %mul3A_108 : i32
      "tpu.region"() ({
        %run_scoped3A_151 = tpu.sem_alloc : memref<!tpu.dma_semaphore, #tpu.memory_space<semaphore_mem>>
        %dma_start3A_152 = arith.constant 0 : i32
        %dma_start3A_153 = tpu.memref_slice %arg4[%arg1, %add3A_109, %dma_start3A_152] : memref<16x160x128xi32, #tpu.memory_space<hbm>> -> memref<1x40x128xi32, #tpu.memory_space<hbm>>
        %dma_start3A_154 = tpu.memref_squeeze %dma_start3A_153 : memref<1x40x128xi32, #tpu.memory_space<hbm>> -> memref<40x128xi32, #tpu.memory_space<hbm>>
        %dma_start3A_155 = arith.constant 0 : i32
        %dma_start3A_156 = tpu.memref_slice %arg4[%arg1, %add3A_109, %dma_start3A_155] : memref<16x160x128xi32, #tpu.memory_space<hbm>> -> memref<1x40x128xi32, #tpu.memory_space<hbm>>
        %dma_start3A_157 = tpu.memref_squeeze %dma_start3A_156 : memref<1x40x128xi32, #tpu.memory_space<hbm>> -> memref<40x128xi32, #tpu.memory_space<hbm>>
        tpu.enqueue_dma source(%dma_start3A_157 : memref<40x128xi32, #tpu.memory_space<hbm>>) target(%arg7 : memref<40x128xi32, #tpu.memory_space<vmem>>) target_semaphore(%run_scoped3A_151 : memref<!tpu.dma_semaphore, #tpu.memory_space<semaphore_mem>>)
        %dma_wait3A = arith.constant 0 : i32
        %dma_wait3A_158 = tpu.memref_slice %arg4[%arg1, %add3A_109, %dma_wait3A] : memref<16x160x128xi32, #tpu.memory_space<hbm>> -> memref<1x40x128xi32, #tpu.memory_space<hbm>>
        %dma_wait3A_159 = tpu.memref_squeeze %dma_wait3A_158 : memref<1x40x128xi32, #tpu.memory_space<hbm>> -> memref<40x128xi32, #tpu.memory_space<hbm>>
        %dma_wait3A_160 = arith.constant 0 : i32
        %dma_wait3A_161 = tpu.memref_slice %arg4[%arg1, %add3A_109, %dma_wait3A_160] : memref<16x160x128xi32, #tpu.memory_space<hbm>> -> memref<1x40x128xi32, #tpu.memory_space<hbm>>
        %dma_wait3A_162 = tpu.memref_squeeze %dma_wait3A_161 : memref<1x40x128xi32, #tpu.memory_space<hbm>> -> memref<40x128xi32, #tpu.memory_space<hbm>>
        tpu.wait_dma2 semaphore(%run_scoped3A_151 : memref<!tpu.dma_semaphore, #tpu.memory_space<semaphore_mem>>) src(%dma_wait3A_162 : memref<40x128xi32, #tpu.memory_space<hbm>>) dst(%arg7 : memref<40x128xi32, #tpu.memory_space<vmem>>)
        tpu.yield
      }) : () -> ()
      %dma_start3A = arith.constant 0 : i32
      %dma_start3A_110 = arith.constant 0 : i32
      %dma_start3A_111 = arith.constant 0 : i32
      %dma_start3A_112 = arith.constant 0 : i32
      %dma_start3A_113 = tpu.memref_slice %arg8[%dma_start3A_110, %dma_start3A_111, %dma_start3A_112] : memref<4x128x64xf32, #tpu.memory_space<vmem>> -> memref<1x128x64xf32, #tpu.memory_space<vmem>>
      %dma_start3A_114 = tpu.memref_squeeze %dma_start3A_113 : memref<1x128x64xf32, #tpu.memory_space<vmem>> -> memref<128x64xf32, #tpu.memory_space<vmem>>
      %dma_start3A_115 = arith.constant 0 : i32
      %dma_start3A_116 = tpu.memref_slice %arg6[%dma_start3A, %dma_start3A_115] : memref<40x128xi32, #tpu.memory_space<vmem>> -> memref<1x128xi32, #tpu.memory_space<vmem>>
      %dma_start3A_117 = tpu.memref_squeeze %dma_start3A_116 : memref<1x128xi32, #tpu.memory_space<vmem>> -> memref<128xi32, #tpu.memory_space<vmem>>
      %dma_start3A_118 = arith.constant 0 : i32
      %dma_start3A_119 = arith.constant 0 : i32
      %dma_start3A_120 = tpu.memref_slice %arg10[%dma_start3A_118, %dma_start3A_119] : memref<10240x64xf32, #tpu.memory_space<vmem_shared>> -> memref<10240x64xf32, #tpu.memory_space<vmem_shared>>
      tpu.enqueue_indirect_dma source(%dma_start3A_120 : memref<10240x64xf32, #tpu.memory_space<vmem_shared>>) target(%dma_start3A_114 : memref<128x64xf32, #tpu.memory_space<vmem>>) offsets(%dma_start3A_117 : memref<128xi32, #tpu.memory_space<vmem>>) semaphore(%arg11 : memref<!tpu.dma_semaphore, #tpu.memory_space<semaphore_mem>>)
      %dma_start3A_121 = arith.constant 1 : i32
      %dma_start3A_122 = arith.constant 1 : i32
      %dma_start3A_123 = arith.constant 0 : i32
      %dma_start3A_124 = arith.constant 0 : i32
      %dma_start3A_125 = tpu.memref_slice %arg8[%dma_start3A_122, %dma_start3A_123, %dma_start3A_124] : memref<4x128x64xf32, #tpu.memory_space<vmem>> -> memref<1x128x64xf32, #tpu.memory_space<vmem>>
      %dma_start3A_126 = tpu.memref_squeeze %dma_start3A_125 : memref<1x128x64xf32, #tpu.memory_space<vmem>> -> memref<128x64xf32, #tpu.memory_space<vmem>>
      %dma_start3A_127 = arith.constant 0 : i32
      %dma_start3A_128 = tpu.memref_slice %arg6[%dma_start3A_121, %dma_start3A_127] : memref<40x128xi32, #tpu.memory_space<vmem>> -> memref<1x128xi32, #tpu.memory_space<vmem>>
      %dma_start3A_129 = tpu.memref_squeeze %dma_start3A_128 : memref<1x128xi32, #tpu.memory_space<vmem>> -> memref<128xi32, #tpu.memory_space<vmem>>
      %dma_start3A_130 = arith.constant 0 : i32
      %dma_start3A_131 = arith.constant 0 : i32
      %dma_start3A_132 = tpu.memref_slice %arg10[%dma_start3A_130, %dma_start3A_131] : memref<10240x64xf32, #tpu.memory_space<vmem_shared>> -> memref<10240x64xf32, #tpu.memory_space<vmem_shared>>
      tpu.enqueue_indirect_dma source(%dma_start3A_132 : memref<10240x64xf32, #tpu.memory_space<vmem_shared>>) target(%dma_start3A_126 : memref<128x64xf32, #tpu.memory_space<vmem>>) offsets(%dma_start3A_129 : memref<128xi32, #tpu.memory_space<vmem>>) semaphore(%arg11 : memref<!tpu.dma_semaphore, #tpu.memory_space<semaphore_mem>>)
      %dma_start3A_133 = arith.constant 2 : i32
      %dma_start3A_134 = arith.constant 2 : i32
      %dma_start3A_135 = arith.constant 0 : i32
      %dma_start3A_136 = arith.constant 0 : i32
      %dma_start3A_137 = tpu.memref_slice %arg8[%dma_start3A_134, %dma_start3A_135, %dma_start3A_136] : memref<4x128x64xf32, #tpu.memory_space<vmem>> -> memref<1x128x64xf32, #tpu.memory_space<vmem>>
      %dma_start3A_138 = tpu.memref_squeeze %dma_start3A_137 : memref<1x128x64xf32, #tpu.memory_space<vmem>> -> memref<128x64xf32, #tpu.memory_space<vmem>>
      %dma_start3A_139 = arith.constant 0 : i32
      %dma_start3A_140 = tpu.memref_slice %arg6[%dma_start3A_133, %dma_start3A_139] : memref<40x128xi32, #tpu.memory_space<vmem>> -> memref<1x128xi32, #tpu.memory_space<vmem>>
      %dma_start3A_141 = tpu.memref_squeeze %dma_start3A_140 : memref<1x128xi32, #tpu.memory_space<vmem>> -> memref<128xi32, #tpu.memory_space<vmem>>
      %dma_start3A_142 = arith.constant 0 : i32
      %dma_start3A_143 = arith.constant 0 : i32
      %dma_start3A_144 = tpu.memref_slice %arg10[%dma_start3A_142, %dma_start3A_143] : memref<10240x64xf32, #tpu.memory_space<vmem_shared>> -> memref<10240x64xf32, #tpu.memory_space<vmem_shared>>
      tpu.enqueue_indirect_dma source(%dma_start3A_144 : memref<10240x64xf32, #tpu.memory_space<vmem_shared>>) target(%dma_start3A_138 : memref<128x64xf32, #tpu.memory_space<vmem>>) offsets(%dma_start3A_141 : memref<128xi32, #tpu.memory_space<vmem>>) semaphore(%arg11 : memref<!tpu.dma_semaphore, #tpu.memory_space<semaphore_mem>>)
      %scan3A_145 = arith.constant 0 : i32
      %scan3A_146 = arith.constant 0 : i32
      %scan3A_147 = arith.constant 40 : i32
      %scan3A_148 = arith.addi %scan3A_146, %scan3A_147 : i32
      %scan3A_149 = arith.constant 1 : i32
      scf.for %scan3A_151 = %scan3A_146 to %scan3A_148 step %scan3A_149  : i32 {
        %rem3A = arith.constant 4 : i32
        %rem3A_152 = arith.remsi %scan3A_151, %rem3A : i32
        %dma_wait3A = arith.constant 0 : i32
        %dma_wait3A_153 = arith.constant 0 : i32
        %dma_wait3A_154 = tpu.memref_slice %arg8[%rem3A_152, %dma_wait3A, %dma_wait3A_153] : memref<4x128x64xf32, #tpu.memory_space<vmem>> -> memref<1x128x64xf32, #tpu.memory_space<vmem>>
        %dma_wait3A_155 = tpu.memref_squeeze %dma_wait3A_154 : memref<1x128x64xf32, #tpu.memory_space<vmem>> -> memref<128x64xf32, #tpu.memory_space<vmem>>
        %dma_wait3A_156 = arith.constant 0 : i32
        %dma_wait3A_157 = tpu.memref_slice %arg6[%scan3A_151, %dma_wait3A_156] : memref<40x128xi32, #tpu.memory_space<vmem>> -> memref<1x128xi32, #tpu.memory_space<vmem>>
        %dma_wait3A_158 = tpu.memref_squeeze %dma_wait3A_157 : memref<1x128xi32, #tpu.memory_space<vmem>> -> memref<128xi32, #tpu.memory_space<vmem>>
        %dma_wait3A_159 = arith.constant 0 : i32
        %dma_wait3A_160 = arith.constant 0 : i32
        %dma_wait3A_161 = tpu.memref_slice %arg10[%dma_wait3A_159, %dma_wait3A_160] : memref<10240x64xf32, #tpu.memory_space<vmem_shared>> -> memref<10240x64xf32, #tpu.memory_space<vmem_shared>>
        tpu.wait_indirect_dma semaphore(%arg11 : memref<!tpu.dma_semaphore, #tpu.memory_space<semaphore_mem>>) src(%dma_wait3A_161 : memref<10240x64xf32, #tpu.memory_space<vmem_shared>>) dst(%dma_wait3A_155 : memref<128x64xf32, #tpu.memory_space<vmem>>)
        %lt3A = arith.constant 37 : i32
        %lt3A_162 = arith.cmpi slt, %scan3A_151, %lt3A : i32
        %convert_element_type3A = arith.extui %lt3A_162 : i1 to i32
        %cond3A = arith.constant 0 : i32
        %cond3A_163 = arith.cmpi ne, %convert_element_type3A, %cond3A : i32
        scf.if %cond3A_163 {
          %add3A_164 = arith.constant 4 : i32
          %add3A_165 = arith.addi %scan3A_151, %add3A_164 : i32
          %sub3A = arith.constant 1 : i32
          %sub3A_166 = arith.subi %add3A_165, %sub3A : i32
          %add3A_167 = arith.constant 4 : i32
          %add3A_168 = arith.addi %scan3A_151, %add3A_167 : i32
          %sub3A_169 = arith.constant 1 : i32
          %sub3A_170 = arith.subi %add3A_168, %sub3A_169 : i32
          %rem3A_171 = arith.constant 4 : i32
          %rem3A_172 = arith.remsi %sub3A_170, %rem3A_171 : i32
          %dma_start3A_173 = arith.constant 0 : i32
          %dma_start3A_174 = arith.constant 0 : i32
          %dma_start3A_175 = tpu.memref_slice %arg8[%rem3A_172, %dma_start3A_173, %dma_start3A_174] : memref<4x128x64xf32, #tpu.memory_space<vmem>> -> memref<1x128x64xf32, #tpu.memory_space<vmem>>
          %dma_start3A_176 = tpu.memref_squeeze %dma_start3A_175 : memref<1x128x64xf32, #tpu.memory_space<vmem>> -> memref<128x64xf32, #tpu.memory_space<vmem>>
          %dma_start3A_177 = arith.constant 0 : i32
          %dma_start3A_178 = tpu.memref_slice %arg6[%sub3A_166, %dma_start3A_177] : memref<40x128xi32, #tpu.memory_space<vmem>> -> memref<1x128xi32, #tpu.memory_space<vmem>>
          %dma_start3A_179 = tpu.memref_squeeze %dma_start3A_178 : memref<1x128xi32, #tpu.memory_space<vmem>> -> memref<128xi32, #tpu.memory_space<vmem>>
          %dma_start3A_180 = arith.constant 0 : i32
          %dma_start3A_181 = arith.constant 0 : i32
          %dma_start3A_182 = tpu.memref_slice %arg10[%dma_start3A_180, %dma_start3A_181] : memref<10240x64xf32, #tpu.memory_space<vmem_shared>> -> memref<10240x64xf32, #tpu.memory_space<vmem_shared>>
          tpu.enqueue_indirect_dma source(%dma_start3A_182 : memref<10240x64xf32, #tpu.memory_space<vmem_shared>>) target(%dma_start3A_176 : memref<128x64xf32, #tpu.memory_space<vmem>>) offsets(%dma_start3A_179 : memref<128xi32, #tpu.memory_space<vmem>>) semaphore(%arg11 : memref<!tpu.dma_semaphore, #tpu.memory_space<semaphore_mem>>)
        } else {
        }
        "tpu.region"() ({
          %run_scoped3A_164 = tpu.sem_alloc : memref<!tpu.dma_semaphore, #tpu.memory_space<semaphore_mem>>
          %dma_start3A_165 = arith.constant 0 : i32
          %dma_start3A_166 = arith.constant 0 : i32
          %dma_start3A_167 = tpu.memref_slice %arg8[%rem3A_152, %dma_start3A_165, %dma_start3A_166] : memref<4x128x64xf32, #tpu.memory_space<vmem>> -> memref<1x128x64xf32, #tpu.memory_space<vmem>>
          %dma_start3A_168 = tpu.memref_squeeze %dma_start3A_167 : memref<1x128x64xf32, #tpu.memory_space<vmem>> -> memref<128x64xf32, #tpu.memory_space<vmem>>
          %dma_start3A_169 = arith.constant 0 : i32
          %dma_start3A_170 = tpu.memref_slice %arg7[%scan3A_151, %dma_start3A_169] : memref<40x128xi32, #tpu.memory_space<vmem>> -> memref<1x128xi32, #tpu.memory_space<vmem>>
          %dma_start3A_171 = tpu.memref_squeeze %dma_start3A_170 : memref<1x128xi32, #tpu.memory_space<vmem>> -> memref<128xi32, #tpu.memory_space<vmem>>
          %dma_start3A_172 = arith.constant 0 : i32
          %dma_start3A_173 = arith.constant 0 : i32
          %dma_start3A_174 = tpu.memref_slice %arg9[%dma_start3A_172, %dma_start3A_173] : memref<10240x64xf32, #tpu.memory_space<vmem_shared>> -> memref<10240x64xf32, #tpu.memory_space<vmem_shared>>
          tpu.enqueue_indirect_dma source(%dma_start3A_168 : memref<128x64xf32, #tpu.memory_space<vmem>>) target(%dma_start3A_174 : memref<10240x64xf32, #tpu.memory_space<vmem_shared>>) offsets(%dma_start3A_171 : memref<128xi32, #tpu.memory_space<vmem>>) semaphore(%run_scoped3A_164 : memref<!tpu.dma_semaphore, #tpu.memory_space<semaphore_mem>>) {add = true}
          %dma_wait3A_175 = arith.constant 0 : i32
          %dma_wait3A_176 = arith.constant 0 : i32
          %dma_wait3A_177 = tpu.memref_slice %arg8[%rem3A_152, %dma_wait3A_175, %dma_wait3A_176] : memref<4x128x64xf32, #tpu.memory_space<vmem>> -> memref<1x128x64xf32, #tpu.memory_space<vmem>>
          %dma_wait3A_178 = tpu.memref_squeeze %dma_wait3A_177 : memref<1x128x64xf32, #tpu.memory_space<vmem>> -> memref<128x64xf32, #tpu.memory_space<vmem>>
          %dma_wait3A_179 = arith.constant 0 : i32
          %dma_wait3A_180 = tpu.memref_slice %arg7[%scan3A_151, %dma_wait3A_179] : memref<40x128xi32, #tpu.memory_space<vmem>> -> memref<1x128xi32, #tpu.memory_space<vmem>>
          %dma_wait3A_181 = tpu.memref_squeeze %dma_wait3A_180 : memref<1x128xi32, #tpu.memory_space<vmem>> -> memref<128xi32, #tpu.memory_space<vmem>>
          %dma_wait3A_182 = arith.constant 0 : i32
          %dma_wait3A_183 = arith.constant 0 : i32
          %dma_wait3A_184 = tpu.memref_slice %arg9[%dma_wait3A_182, %dma_wait3A_183] : memref<10240x64xf32, #tpu.memory_space<vmem_shared>> -> memref<10240x64xf32, #tpu.memory_space<vmem_shared>>
          tpu.wait_indirect_dma semaphore(%run_scoped3A_164 : memref<!tpu.dma_semaphore, #tpu.memory_space<semaphore_mem>>) src(%dma_wait3A_178 : memref<128x64xf32, #tpu.memory_space<vmem>>) dst(%dma_wait3A_184 : memref<10240x64xf32, #tpu.memory_space<vmem_shared>>)
          tpu.yield
        }) : () -> ()
      }
      %scan3A_150 = arith.constant 40 : i32
    }
    %barrier3A_98 = arith.constant 0 : index
    tpu.barrier barrier_id(%barrier3A_98)
    %mul3A_99 = arith.constant 640 : i32
    %mul3A_100 = arith.muli %arg1, %mul3A_99 : i32
    %mul3A_101 = arith.constant 640 : i32
    %mul3A_102 = arith.muli %arg1, %mul3A_101 : i32
    "tpu.region"() ({
      %run_scoped3A_103 = tpu.sem_alloc : memref<!tpu.dma_semaphore, #tpu.memory_space<semaphore_mem>>
      %dma_start3A = arith.constant 64 : i32
      %dma_start3A_104 = tpu.memref_slice %arg5[%arg0, %mul3A_102, %dma_start3A] : memref<2x10240x128xf32, #tpu.memory_space<hbm>> -> memref<1x640x64xf32, #tpu.memory_space<hbm>>
      %dma_start3A_105 = tpu.memref_squeeze %dma_start3A_104 : memref<1x640x64xf32, #tpu.memory_space<hbm>> -> memref<640x64xf32, #tpu.memory_space<hbm>>
      %dma_start3A_106 = arith.constant 0 : i32
      %dma_start3A_107 = tpu.memref_slice %arg9[%mul3A_100, %dma_start3A_106] : memref<10240x64xf32, #tpu.memory_space<vmem_shared>> -> memref<640x64xf32, #tpu.memory_space<vmem_shared>>
      tpu.enqueue_dma source(%dma_start3A_107 : memref<640x64xf32, #tpu.memory_space<vmem_shared>>) target(%dma_start3A_105 : memref<640x64xf32, #tpu.memory_space<hbm>>) target_semaphore(%run_scoped3A_103 : memref<!tpu.dma_semaphore, #tpu.memory_space<semaphore_mem>>)
      %dma_wait3A = arith.constant 64 : i32
      %dma_wait3A_108 = tpu.memref_slice %arg5[%arg0, %mul3A_102, %dma_wait3A] : memref<2x10240x128xf32, #tpu.memory_space<hbm>> -> memref<1x640x64xf32, #tpu.memory_space<hbm>>
      %dma_wait3A_109 = tpu.memref_squeeze %dma_wait3A_108 : memref<1x640x64xf32, #tpu.memory_space<hbm>> -> memref<640x64xf32, #tpu.memory_space<hbm>>
      %dma_wait3A_110 = arith.constant 0 : i32
      %dma_wait3A_111 = tpu.memref_slice %arg9[%mul3A_100, %dma_wait3A_110] : memref<10240x64xf32, #tpu.memory_space<vmem_shared>> -> memref<640x64xf32, #tpu.memory_space<vmem_shared>>
      tpu.wait_dma2 semaphore(%run_scoped3A_103 : memref<!tpu.dma_semaphore, #tpu.memory_space<semaphore_mem>>) src(%dma_wait3A_111 : memref<640x64xf32, #tpu.memory_space<vmem_shared>>) dst(%dma_wait3A_109 : memref<640x64xf32, #tpu.memory_space<hbm>>)
      tpu.yield
    }) : () -> ()
    return
  }
}

#map = affine_map<(d0, d1) -> (0, 0, 0)>
module attributes {stable_mosaic.version = 14 : i64} {
  func.func @cnt_kernel(%arg0: i32, %arg1: i32, %arg2: memref<32x80x128xi32, #tpu.memory_space<hbm>>, %arg3: memref<2x10240x16xf32, #tpu.memory_space<hbm>>, %arg4: memref<80x128xi32, #tpu.memory_space<vmem>>, %arg5: memref<128x16xf32, #tpu.memory_space<vmem>>, %arg6: memref<10240x16xf32, #tpu.memory_space<vmem_shared>>) attributes {dimension_semantics = [#tpu.dimension_semantics<core_parallel>, #tpu.dimension_semantics<subcore_parallel>], iteration_bounds = array<i64: 2, 16>, scalar_prefetch = 0 : i64, scratch_operands = 3 : i64, tpu.core_type = #tpu.core_type<sc_vector_subcore>, window_params = [{transform_indices = #map}, {transform_indices = #map}]} {
    %mul3A = arith.constant 16 : i32
    %mul3A_0 = arith.muli %arg0, %mul3A : i32
    %add3A = arith.addi %mul3A_0, %arg1 : i32
    "tpu.region"() ({
      %run_scoped3A = tpu.sem_alloc : memref<!tpu.dma_semaphore, #tpu.memory_space<semaphore_mem>>
      %dma_start3A = arith.constant 0 : i32
      %dma_start3A_43 = arith.constant 0 : i32
      %dma_start3A_44 = tpu.memref_slice %arg2[%add3A, %dma_start3A, %dma_start3A_43] : memref<32x80x128xi32, #tpu.memory_space<hbm>> -> memref<1x80x128xi32, #tpu.memory_space<hbm>>
      %dma_start3A_45 = tpu.memref_squeeze %dma_start3A_44 : memref<1x80x128xi32, #tpu.memory_space<hbm>> -> memref<80x128xi32, #tpu.memory_space<hbm>>
      %dma_start3A_46 = arith.constant 0 : i32
      %dma_start3A_47 = arith.constant 0 : i32
      %dma_start3A_48 = tpu.memref_slice %arg2[%add3A, %dma_start3A_46, %dma_start3A_47] : memref<32x80x128xi32, #tpu.memory_space<hbm>> -> memref<1x80x128xi32, #tpu.memory_space<hbm>>
      %dma_start3A_49 = tpu.memref_squeeze %dma_start3A_48 : memref<1x80x128xi32, #tpu.memory_space<hbm>> -> memref<80x128xi32, #tpu.memory_space<hbm>>
      tpu.enqueue_dma source(%dma_start3A_49 : memref<80x128xi32, #tpu.memory_space<hbm>>) target(%arg4 : memref<80x128xi32, #tpu.memory_space<vmem>>) target_semaphore(%run_scoped3A : memref<!tpu.dma_semaphore, #tpu.memory_space<semaphore_mem>>)
      %dma_wait3A = arith.constant 0 : i32
      %dma_wait3A_50 = arith.constant 0 : i32
      %dma_wait3A_51 = tpu.memref_slice %arg2[%add3A, %dma_wait3A, %dma_wait3A_50] : memref<32x80x128xi32, #tpu.memory_space<hbm>> -> memref<1x80x128xi32, #tpu.memory_space<hbm>>
      %dma_wait3A_52 = tpu.memref_squeeze %dma_wait3A_51 : memref<1x80x128xi32, #tpu.memory_space<hbm>> -> memref<80x128xi32, #tpu.memory_space<hbm>>
      %dma_wait3A_53 = arith.constant 0 : i32
      %dma_wait3A_54 = arith.constant 0 : i32
      %dma_wait3A_55 = tpu.memref_slice %arg2[%add3A, %dma_wait3A_53, %dma_wait3A_54] : memref<32x80x128xi32, #tpu.memory_space<hbm>> -> memref<1x80x128xi32, #tpu.memory_space<hbm>>
      %dma_wait3A_56 = tpu.memref_squeeze %dma_wait3A_55 : memref<1x80x128xi32, #tpu.memory_space<hbm>> -> memref<80x128xi32, #tpu.memory_space<hbm>>
      tpu.wait_dma2 semaphore(%run_scoped3A : memref<!tpu.dma_semaphore, #tpu.memory_space<semaphore_mem>>) src(%dma_wait3A_56 : memref<80x128xi32, #tpu.memory_space<hbm>>) dst(%arg4 : memref<80x128xi32, #tpu.memory_space<vmem>>)
      tpu.yield
    }) : () -> ()
    %scan3A = arith.constant 0 : i32
    %scan3A_1 = arith.constant 0 : i32
    %scan3A_2 = arith.constant 128 : i32
    %scan3A_3 = arith.addi %scan3A_1, %scan3A_2 : i32
    %scan3A_4 = arith.constant 1 : i32
    scf.for %scan3A_43 = %scan3A_1 to %scan3A_3 step %scan3A_4  : i32 {
      %broadcast_in_dim3A = arith.constant 0.000000e+00 : f32
      %broadcast_in_dim3A_44 = vector.broadcast %broadcast_in_dim3A : f32 to vector<16xf32>
      %swap3A = arith.index_cast %scan3A_43 : i32 to index
      %swap3A_45 = arith.constant 0 : index
      %swap3A_46 = tpu.vector_load %arg5[%swap3A, %swap3A_45] {strides = array<i32>} : memref<128x16xf32, #tpu.memory_space<vmem>>, vector<1x16xf32>,
      %swap3A_47 = vector.shape_cast %swap3A_46 : vector<1x16xf32> to vector<16xf32>
      %swap3A_48 = vector.shape_cast %broadcast_in_dim3A_44 : vector<16xf32> to vector<1x16xf32>
      tpu.vector_store %arg5[%swap3A, %swap3A_45], %swap3A_48 {strides = array<i32>} : memref<128x16xf32, #tpu.memory_space<vmem>>, vector<1x16xf32>,
    }
    %scan3A_5 = arith.constant 128 : i32
    %mul3A_6 = arith.constant 640 : i32
    %mul3A_7 = arith.muli %arg1, %mul3A_6 : i32
    %add3A_8 = arith.constant 0 : i32
    %add3A_9 = arith.addi %mul3A_7, %add3A_8 : i32
    "tpu.region"() ({
      %run_scoped3A = tpu.sem_alloc : memref<!tpu.dma_semaphore, #tpu.memory_space<semaphore_mem>>
      %dma_start3A = arith.constant 0 : i32
      %dma_start3A_43 = tpu.memref_slice %arg6[%add3A_9, %dma_start3A] : memref<10240x16xf32, #tpu.memory_space<vmem_shared>> -> memref<128x16xf32, #tpu.memory_space<vmem_shared>>
      %dma_start3A_44 = arith.constant 0 : i32
      %dma_start3A_45 = tpu.memref_slice %arg6[%add3A_9, %dma_start3A_44] : memref<10240x16xf32, #tpu.memory_space<vmem_shared>> -> memref<128x16xf32, #tpu.memory_space<vmem_shared>>
      tpu.enqueue_dma source(%arg5 : memref<128x16xf32, #tpu.memory_space<vmem>>) target(%dma_start3A_45 : memref<128x16xf32, #tpu.memory_space<vmem_shared>>) target_semaphore(%run_scoped3A : memref<!tpu.dma_semaphore, #tpu.memory_space<semaphore_mem>>)
      %dma_wait3A = arith.constant 0 : i32
      %dma_wait3A_46 = tpu.memref_slice %arg6[%add3A_9, %dma_wait3A] : memref<10240x16xf32, #tpu.memory_space<vmem_shared>> -> memref<128x16xf32, #tpu.memory_space<vmem_shared>>
      %dma_wait3A_47 = arith.constant 0 : i32
      %dma_wait3A_48 = tpu.memref_slice %arg6[%add3A_9, %dma_wait3A_47] : memref<10240x16xf32, #tpu.memory_space<vmem_shared>> -> memref<128x16xf32, #tpu.memory_space<vmem_shared>>
      tpu.wait_dma2 semaphore(%run_scoped3A : memref<!tpu.dma_semaphore, #tpu.memory_space<semaphore_mem>>) src(%arg5 : memref<128x16xf32, #tpu.memory_space<vmem>>) dst(%dma_wait3A_48 : memref<128x16xf32, #tpu.memory_space<vmem_shared>>)
      tpu.yield
    }) : () -> ()
    %mul3A_10 = arith.constant 640 : i32
    %mul3A_11 = arith.muli %arg1, %mul3A_10 : i32
    %add3A_12 = arith.constant 128 : i32
    %add3A_13 = arith.addi %mul3A_11, %add3A_12 : i32
    "tpu.region"() ({
      %run_scoped3A = tpu.sem_alloc : memref<!tpu.dma_semaphore, #tpu.memory_space<semaphore_mem>>
      %dma_start3A = arith.constant 0 : i32
      %dma_start3A_43 = tpu.memref_slice %arg6[%add3A_13, %dma_start3A] : memref<10240x16xf32, #tpu.memory_space<vmem_shared>> -> memref<128x16xf32, #tpu.memory_space<vmem_shared>>
      %dma_start3A_44 = arith.constant 0 : i32
      %dma_start3A_45 = tpu.memref_slice %arg6[%add3A_13, %dma_start3A_44] : memref<10240x16xf32, #tpu.memory_space<vmem_shared>> -> memref<128x16xf32, #tpu.memory_space<vmem_shared>>
      tpu.enqueue_dma source(%arg5 : memref<128x16xf32, #tpu.memory_space<vmem>>) target(%dma_start3A_45 : memref<128x16xf32, #tpu.memory_space<vmem_shared>>) target_semaphore(%run_scoped3A : memref<!tpu.dma_semaphore, #tpu.memory_space<semaphore_mem>>)
      %dma_wait3A = arith.constant 0 : i32
      %dma_wait3A_46 = tpu.memref_slice %arg6[%add3A_13, %dma_wait3A] : memref<10240x16xf32, #tpu.memory_space<vmem_shared>> -> memref<128x16xf32, #tpu.memory_space<vmem_shared>>
      %dma_wait3A_47 = arith.constant 0 : i32
      %dma_wait3A_48 = tpu.memref_slice %arg6[%add3A_13, %dma_wait3A_47] : memref<10240x16xf32, #tpu.memory_space<vmem_shared>> -> memref<128x16xf32, #tpu.memory_space<vmem_shared>>
      tpu.wait_dma2 semaphore(%run_scoped3A : memref<!tpu.dma_semaphore, #tpu.memory_space<semaphore_mem>>) src(%arg5 : memref<128x16xf32, #tpu.memory_space<vmem>>) dst(%dma_wait3A_48 : memref<128x16xf32, #tpu.memory_space<vmem_shared>>)
      tpu.yield
    }) : () -> ()
    %mul3A_14 = arith.constant 640 : i32
    %mul3A_15 = arith.muli %arg1, %mul3A_14 : i32
    %add3A_16 = arith.constant 256 : i32
    %add3A_17 = arith.addi %mul3A_15, %add3A_16 : i32
    "tpu.region"() ({
      %run_scoped3A = tpu.sem_alloc : memref<!tpu.dma_semaphore, #tpu.memory_space<semaphore_mem>>
      %dma_start3A = arith.constant 0 : i32
      %dma_start3A_43 = tpu.memref_slice %arg6[%add3A_17, %dma_start3A] : memref<10240x16xf32, #tpu.memory_space<vmem_shared>> -> memref<128x16xf32, #tpu.memory_space<vmem_shared>>
      %dma_start3A_44 = arith.constant 0 : i32
      %dma_start3A_45 = tpu.memref_slice %arg6[%add3A_17, %dma_start3A_44] : memref<10240x16xf32, #tpu.memory_space<vmem_shared>> -> memref<128x16xf32, #tpu.memory_space<vmem_shared>>
      tpu.enqueue_dma source(%arg5 : memref<128x16xf32, #tpu.memory_space<vmem>>) target(%dma_start3A_45 : memref<128x16xf32, #tpu.memory_space<vmem_shared>>) target_semaphore(%run_scoped3A : memref<!tpu.dma_semaphore, #tpu.memory_space<semaphore_mem>>)
      %dma_wait3A = arith.constant 0 : i32
      %dma_wait3A_46 = tpu.memref_slice %arg6[%add3A_17, %dma_wait3A] : memref<10240x16xf32, #tpu.memory_space<vmem_shared>> -> memref<128x16xf32, #tpu.memory_space<vmem_shared>>
      %dma_wait3A_47 = arith.constant 0 : i32
      %dma_wait3A_48 = tpu.memref_slice %arg6[%add3A_17, %dma_wait3A_47] : memref<10240x16xf32, #tpu.memory_space<vmem_shared>> -> memref<128x16xf32, #tpu.memory_space<vmem_shared>>
      tpu.wait_dma2 semaphore(%run_scoped3A : memref<!tpu.dma_semaphore, #tpu.memory_space<semaphore_mem>>) src(%arg5 : memref<128x16xf32, #tpu.memory_space<vmem>>) dst(%dma_wait3A_48 : memref<128x16xf32, #tpu.memory_space<vmem_shared>>)
      tpu.yield
    }) : () -> ()
    %mul3A_18 = arith.constant 640 : i32
    %mul3A_19 = arith.muli %arg1, %mul3A_18 : i32
    %add3A_20 = arith.constant 384 : i32
    %add3A_21 = arith.addi %mul3A_19, %add3A_20 : i32
    "tpu.region"() ({
      %run_scoped3A = tpu.sem_alloc : memref<!tpu.dma_semaphore, #tpu.memory_space<semaphore_mem>>
      %dma_start3A = arith.constant 0 : i32
      %dma_start3A_43 = tpu.memref_slice %arg6[%add3A_21, %dma_start3A] : memref<10240x16xf32, #tpu.memory_space<vmem_shared>> -> memref<128x16xf32, #tpu.memory_space<vmem_shared>>
      %dma_start3A_44 = arith.constant 0 : i32
      %dma_start3A_45 = tpu.memref_slice %arg6[%add3A_21, %dma_start3A_44] : memref<10240x16xf32, #tpu.memory_space<vmem_shared>> -> memref<128x16xf32, #tpu.memory_space<vmem_shared>>
      tpu.enqueue_dma source(%arg5 : memref<128x16xf32, #tpu.memory_space<vmem>>) target(%dma_start3A_45 : memref<128x16xf32, #tpu.memory_space<vmem_shared>>) target_semaphore(%run_scoped3A : memref<!tpu.dma_semaphore, #tpu.memory_space<semaphore_mem>>)
      %dma_wait3A = arith.constant 0 : i32
      %dma_wait3A_46 = tpu.memref_slice %arg6[%add3A_21, %dma_wait3A] : memref<10240x16xf32, #tpu.memory_space<vmem_shared>> -> memref<128x16xf32, #tpu.memory_space<vmem_shared>>
      %dma_wait3A_47 = arith.constant 0 : i32
      %dma_wait3A_48 = tpu.memref_slice %arg6[%add3A_21, %dma_wait3A_47] : memref<10240x16xf32, #tpu.memory_space<vmem_shared>> -> memref<128x16xf32, #tpu.memory_space<vmem_shared>>
      tpu.wait_dma2 semaphore(%run_scoped3A : memref<!tpu.dma_semaphore, #tpu.memory_space<semaphore_mem>>) src(%arg5 : memref<128x16xf32, #tpu.memory_space<vmem>>) dst(%dma_wait3A_48 : memref<128x16xf32, #tpu.memory_space<vmem_shared>>)
      tpu.yield
    }) : () -> ()
    %mul3A_22 = arith.constant 640 : i32
    %mul3A_23 = arith.muli %arg1, %mul3A_22 : i32
    %add3A_24 = arith.constant 512 : i32
    %add3A_25 = arith.addi %mul3A_23, %add3A_24 : i32
    "tpu.region"() ({
      %run_scoped3A = tpu.sem_alloc : memref<!tpu.dma_semaphore, #tpu.memory_space<semaphore_mem>>
      %dma_start3A = arith.constant 0 : i32
      %dma_start3A_43 = tpu.memref_slice %arg6[%add3A_25, %dma_start3A] : memref<10240x16xf32, #tpu.memory_space<vmem_shared>> -> memref<128x16xf32, #tpu.memory_space<vmem_shared>>
      %dma_start3A_44 = arith.constant 0 : i32
      %dma_start3A_45 = tpu.memref_slice %arg6[%add3A_25, %dma_start3A_44] : memref<10240x16xf32, #tpu.memory_space<vmem_shared>> -> memref<128x16xf32, #tpu.memory_space<vmem_shared>>
      tpu.enqueue_dma source(%arg5 : memref<128x16xf32, #tpu.memory_space<vmem>>) target(%dma_start3A_45 : memref<128x16xf32, #tpu.memory_space<vmem_shared>>) target_semaphore(%run_scoped3A : memref<!tpu.dma_semaphore, #tpu.memory_space<semaphore_mem>>)
      %dma_wait3A = arith.constant 0 : i32
      %dma_wait3A_46 = tpu.memref_slice %arg6[%add3A_25, %dma_wait3A] : memref<10240x16xf32, #tpu.memory_space<vmem_shared>> -> memref<128x16xf32, #tpu.memory_space<vmem_shared>>
      %dma_wait3A_47 = arith.constant 0 : i32
      %dma_wait3A_48 = tpu.memref_slice %arg6[%add3A_25, %dma_wait3A_47] : memref<10240x16xf32, #tpu.memory_space<vmem_shared>> -> memref<128x16xf32, #tpu.memory_space<vmem_shared>>
      tpu.wait_dma2 semaphore(%run_scoped3A : memref<!tpu.dma_semaphore, #tpu.memory_space<semaphore_mem>>) src(%arg5 : memref<128x16xf32, #tpu.memory_space<vmem>>) dst(%dma_wait3A_48 : memref<128x16xf32, #tpu.memory_space<vmem_shared>>)
      tpu.yield
    }) : () -> ()
    %scan3A_26 = arith.constant 0 : i32
    %scan3A_27 = arith.constant 0 : i32
    %scan3A_28 = arith.constant 128 : i32
    %scan3A_29 = arith.addi %scan3A_27, %scan3A_28 : i32
    %scan3A_30 = arith.constant 1 : i32
    scf.for %scan3A_43 = %scan3A_27 to %scan3A_29 step %scan3A_30  : i32 {
      %broadcast_in_dim3A = arith.constant 1.000000e+00 : f32
      %broadcast_in_dim3A_44 = vector.broadcast %broadcast_in_dim3A : f32 to vector<16xf32>
      %swap3A = arith.index_cast %scan3A_43 : i32 to index
      %swap3A_45 = arith.constant 0 : index
      %swap3A_46 = tpu.vector_load %arg5[%swap3A, %swap3A_45] {strides = array<i32>} : memref<128x16xf32, #tpu.memory_space<vmem>>, vector<1x16xf32>,
      %swap3A_47 = vector.shape_cast %swap3A_46 : vector<1x16xf32> to vector<16xf32>
      %swap3A_48 = vector.shape_cast %broadcast_in_dim3A_44 : vector<16xf32> to vector<1x16xf32>
      tpu.vector_store %arg5[%swap3A, %swap3A_45], %swap3A_48 {strides = array<i32>} : memref<128x16xf32, #tpu.memory_space<vmem>>, vector<1x16xf32>,
    }
    %scan3A_31 = arith.constant 128 : i32
    %barrier3A = arith.constant 0 : index
    tpu.barrier barrier_id(%barrier3A)
    %scan3A_32 = arith.constant 0 : i32
    %scan3A_33 = arith.constant 0 : i32
    %scan3A_34 = arith.constant 80 : i32
    %scan3A_35 = arith.addi %scan3A_33, %scan3A_34 : i32
    %scan3A_36 = arith.constant 1 : i32
    scf.for %scan3A_43 = %scan3A_33 to %scan3A_35 step %scan3A_36  : i32 {
      "tpu.region"() ({
        %run_scoped3A = tpu.sem_alloc : memref<!tpu.dma_semaphore, #tpu.memory_space<semaphore_mem>>
        %dma_start3A = arith.constant 0 : i32
        %dma_start3A_44 = tpu.memref_slice %arg4[%scan3A_43, %dma_start3A] : memref<80x128xi32, #tpu.memory_space<vmem>> -> memref<1x128xi32, #tpu.memory_space<vmem>>
        %dma_start3A_45 = tpu.memref_squeeze %dma_start3A_44 : memref<1x128xi32, #tpu.memory_space<vmem>> -> memref<128xi32, #tpu.memory_space<vmem>>
        %dma_start3A_46 = arith.constant 0 : i32
        %dma_start3A_47 = arith.constant 0 : i32
        %dma_start3A_48 = tpu.memref_slice %arg6[%dma_start3A_46, %dma_start3A_47] : memref<10240x16xf32, #tpu.memory_space<vmem_shared>> -> memref<10240x16xf32, #tpu.memory_space<vmem_shared>>
        tpu.enqueue_indirect_dma source(%arg5 : memref<128x16xf32, #tpu.memory_space<vmem>>) target(%dma_start3A_48 : memref<10240x16xf32, #tpu.memory_space<vmem_shared>>) offsets(%dma_start3A_45 : memref<128xi32, #tpu.memory_space<vmem>>) semaphore(%run_scoped3A : memref<!tpu.dma_semaphore, #tpu.memory_space<semaphore_mem>>) {add = true}
        %dma_wait3A = arith.constant 0 : i32
        %dma_wait3A_49 = tpu.memref_slice %arg4[%scan3A_43, %dma_wait3A] : memref<80x128xi32, #tpu.memory_space<vmem>> -> memref<1x128xi32, #tpu.memory_space<vmem>>
        %dma_wait3A_50 = tpu.memref_squeeze %dma_wait3A_49 : memref<1x128xi32, #tpu.memory_space<vmem>> -> memref<128xi32, #tpu.memory_space<vmem>>
        %dma_wait3A_51 = arith.constant 0 : i32
        %dma_wait3A_52 = arith.constant 0 : i32
        %dma_wait3A_53 = tpu.memref_slice %arg6[%dma_wait3A_51, %dma_wait3A_52] : memref<10240x16xf32, #tpu.memory_space<vmem_shared>> -> memref<10240x16xf32, #tpu.memory_space<vmem_shared>>
        tpu.wait_indirect_dma semaphore(%run_scoped3A : memref<!tpu.dma_semaphore, #tpu.memory_space<semaphore_mem>>) src(%arg5 : memref<128x16xf32, #tpu.memory_space<vmem>>) dst(%dma_wait3A_53 : memref<10240x16xf32, #tpu.memory_space<vmem_shared>>)
        tpu.yield
      }) : () -> ()
    }
    %scan3A_37 = arith.constant 80 : i32
    %barrier3A_38 = arith.constant 0 : index
    tpu.barrier barrier_id(%barrier3A_38)
    %mul3A_39 = arith.constant 640 : i32
    %mul3A_40 = arith.muli %arg1, %mul3A_39 : i32
    %mul3A_41 = arith.constant 640 : i32
    %mul3A_42 = arith.muli %arg1, %mul3A_41 : i32
    "tpu.region"() ({
      %run_scoped3A = tpu.sem_alloc : memref<!tpu.dma_semaphore, #tpu.memory_space<semaphore_mem>>
      %dma_start3A = arith.constant 0 : i32
      %dma_start3A_43 = tpu.memref_slice %arg3[%arg0, %mul3A_42, %dma_start3A] : memref<2x10240x16xf32, #tpu.memory_space<hbm>> -> memref<1x640x16xf32, #tpu.memory_space<hbm>>
      %dma_start3A_44 = tpu.memref_squeeze %dma_start3A_43 : memref<1x640x16xf32, #tpu.memory_space<hbm>> -> memref<640x16xf32, #tpu.memory_space<hbm>>
      %dma_start3A_45 = arith.constant 0 : i32
      %dma_start3A_46 = tpu.memref_slice %arg6[%mul3A_40, %dma_start3A_45] : memref<10240x16xf32, #tpu.memory_space<vmem_shared>> -> memref<640x16xf32, #tpu.memory_space<vmem_shared>>
      tpu.enqueue_dma source(%dma_start3A_46 : memref<640x16xf32, #tpu.memory_space<vmem_shared>>) target(%dma_start3A_44 : memref<640x16xf32, #tpu.memory_space<hbm>>) target_semaphore(%run_scoped3A : memref<!tpu.dma_semaphore, #tpu.memory_space<semaphore_mem>>)
      %dma_wait3A = arith.constant 0 : i32
      %dma_wait3A_47 = tpu.memref_slice %arg3[%arg0, %mul3A_42, %dma_wait3A] : memref<2x10240x16xf32, #tpu.memory_space<hbm>> -> memref<1x640x16xf32, #tpu.memory_space<hbm>>
      %dma_wait3A_48 = tpu.memref_squeeze %dma_wait3A_47 : memref<1x640x16xf32, #tpu.memory_space<hbm>> -> memref<640x16xf32, #tpu.memory_space<hbm>>
      %dma_wait3A_49 = arith.constant 0 : i32
      %dma_wait3A_50 = tpu.memref_slice %arg6[%mul3A_40, %dma_wait3A_49] : memref<10240x16xf32, #tpu.memory_space<vmem_shared>> -> memref<640x16xf32, #tpu.memory_space<vmem_shared>>
      tpu.wait_dma2 semaphore(%run_scoped3A : memref<!tpu.dma_semaphore, #tpu.memory_space<semaphore_mem>>) src(%dma_wait3A_50 : memref<640x16xf32, #tpu.memory_space<vmem_shared>>) dst(%dma_wait3A_48 : memref<640x16xf32, #tpu.memory_space<hbm>>)
      tpu.yield
    }) : () -> ()
    return
  }
}

#map = affine_map<(d0, d1) -> (0, 0)>
#map1 = affine_map<(d0, d1) -> (0, 0, 0)>
module attributes {stable_mosaic.version = 14 : i64} {
  func.func @agg_kernel(%arg0: i32, %arg1: i32, %arg2: memref<10240x128xf32, #tpu.memory_space<hbm>>, %arg3: memref<16x160x128xi32, #tpu.memory_space<hbm>>, %arg4: memref<16x160x128xi32, #tpu.memory_space<hbm>>, %arg5: memref<2x10240x128xf32, #tpu.memory_space<hbm>>, %arg6: memref<40x128xi32, #tpu.memory_space<vmem>>, %arg7: memref<40x128xi32, #tpu.memory_space<vmem>>, %arg8: memref<4x128x64xf32, #tpu.memory_space<vmem>>, %arg9: memref<10240x64xf32, #tpu.memory_space<vmem_shared>>, %arg10: memref<10240x64xf32, #tpu.memory_space<vmem_shared>>, %arg11: memref<!tpu.dma_semaphore, #tpu.memory_space<semaphore_mem>>) attributes {dimension_semantics = [#tpu.dimension_semantics<core_parallel>, #tpu.dimension_semantics<subcore_parallel>], iteration_bounds = array<i64: 2, 16>, scalar_prefetch = 0 : i64, scratch_operands = 6 : i64, tpu.core_type = #tpu.core_type<sc_vector_subcore>, window_params = [{transform_indices = #map}, {transform_indices = #map1}, {transform_indices = #map1}, {transform_indices = #map1}]} {
    %eq3A = arith.constant 0 : i32
    %eq3A_0 = arith.cmpi eq, %arg0, %eq3A : i32
    %jit3A = arith.constant 0 : i32
    %jit3A_1 = arith.constant 80 : i32
    %select_n3A = arith.select %eq3A_0, %jit3A, %jit3A_1 : i32
    %eq3A_2 = arith.constant 0 : i32
    %eq3A_3 = arith.cmpi eq, %arg0, %eq3A_2 : i32
    %jit3A_4 = arith.constant 2 : i32
    %jit3A_5 = arith.constant 2 : i32
    %select_n3A_6 = arith.select %eq3A_3, %jit3A_4, %jit3A_5 : i32
    %scan3A = arith.constant 0 : i32
    %scan3A_7 = arith.constant 0 : i32
    %scan3A_8 = arith.constant 128 : i32
    %scan3A_9 = arith.addi %scan3A_7, %scan3A_8 : i32
    %scan3A_10 = arith.constant 1 : i32
    scf.for %scan3A_52 = %scan3A_7 to %scan3A_9 step %scan3A_10  : i32 {
      %scan3A_53 = arith.constant 0 : i32
      %scan3A_54 = arith.constant 4 : i32
      %scan3A_55 = arith.addi %scan3A_53, %scan3A_54 : i32
      %scan3A_56 = arith.constant 1 : i32
      scf.for %scan3A_58 = %scan3A_53 to %scan3A_55 step %scan3A_56  : i32 {
        %broadcast_in_dim3A = arith.constant 0.000000e+00 : f32
        %broadcast_in_dim3A_59 = vector.broadcast %broadcast_in_dim3A : f32 to vector<16xf32>
        %mul3A_60 = arith.constant 16 : i32
        %mul3A_61 = arith.muli %scan3A_58, %mul3A_60 : i32
        %swap3A = arith.constant 0 : i32
        %swap3A_62 = arith.index_cast %swap3A : i32 to index
        %swap3A_63 = arith.index_cast %scan3A_52 : i32 to index
        %swap3A_64 = arith.index_cast %mul3A_61 : i32 to index
        %swap3A_65 = tpu.vector_load %arg8[%swap3A_62, %swap3A_63, %swap3A_64] {strides = array<i32>} : memref<4x128x64xf32, #tpu.memory_space<vmem>>, vector<1x1x16xf32>,
        %swap3A_66 = vector.shape_cast %swap3A_65 : vector<1x1x16xf32> to vector<16xf32>
        %swap3A_67 = vector.shape_cast %broadcast_in_dim3A_59 : vector<16xf32> to vector<1x1x16xf32>
        tpu.vector_store %arg8[%swap3A_62, %swap3A_63, %swap3A_64], %swap3A_67 {strides = array<i32>} : memref<4x128x64xf32, #tpu.memory_space<vmem>>, vector<1x1x16xf32>,
      }
      %scan3A_57 = arith.constant 4 : i32
    }
    %scan3A_11 = arith.constant 128 : i32
    %mul3A = arith.constant 640 : i32
    %mul3A_12 = arith.muli %arg1, %mul3A : i32
    %add3A = arith.constant 0 : i32
    %add3A_13 = arith.addi %mul3A_12, %add3A : i32
    %run_scoped3A = arith.constant 0 : i32
    "tpu.region"() ({
      %run_scoped3A_52 = tpu.sem_alloc : memref<!tpu.dma_semaphore, #tpu.memory_space<semaphore_mem>>
      %dma_start3A = arith.constant 0 : i32
      %dma_start3A_53 = arith.constant 0 : i32
      %dma_start3A_54 = tpu.memref_slice %arg8[%run_scoped3A, %dma_start3A, %dma_start3A_53] : memref<4x128x64xf32, #tpu.memory_space<vmem>> -> memref<1x128x64xf32, #tpu.memory_space<vmem>>
      %dma_start3A_55 = tpu.memref_squeeze %dma_start3A_54 : memref<1x128x64xf32, #tpu.memory_space<vmem>> -> memref<128x64xf32, #tpu.memory_space<vmem>>
      %dma_start3A_56 = arith.constant 0 : i32
      %dma_start3A_57 = tpu.memref_slice %arg9[%add3A_13, %dma_start3A_56] : memref<10240x64xf32, #tpu.memory_space<vmem_shared>> -> memref<128x64xf32, #tpu.memory_space<vmem_shared>>
      %dma_start3A_58 = arith.constant 0 : i32
      %dma_start3A_59 = tpu.memref_slice %arg9[%add3A_13, %dma_start3A_58] : memref<10240x64xf32, #tpu.memory_space<vmem_shared>> -> memref<128x64xf32, #tpu.memory_space<vmem_shared>>
      %dma_start3A_60 = arith.constant 0 : i32
      %dma_start3A_61 = arith.constant 0 : i32
      %dma_start3A_62 = tpu.memref_slice %arg8[%run_scoped3A, %dma_start3A_60, %dma_start3A_61] : memref<4x128x64xf32, #tpu.memory_space<vmem>> -> memref<1x128x64xf32, #tpu.memory_space<vmem>>
      %dma_start3A_63 = tpu.memref_squeeze %dma_start3A_62 : memref<1x128x64xf32, #tpu.memory_space<vmem>> -> memref<128x64xf32, #tpu.memory_space<vmem>>
      tpu.enqueue_dma source(%dma_start3A_63 : memref<128x64xf32, #tpu.memory_space<vmem>>) target(%dma_start3A_59 : memref<128x64xf32, #tpu.memory_space<vmem_shared>>) target_semaphore(%run_scoped3A_52 : memref<!tpu.dma_semaphore, #tpu.memory_space<semaphore_mem>>)
      %dma_wait3A = arith.constant 0 : i32
      %dma_wait3A_64 = arith.constant 0 : i32
      %dma_wait3A_65 = tpu.memref_slice %arg8[%run_scoped3A, %dma_wait3A, %dma_wait3A_64] : memref<4x128x64xf32, #tpu.memory_space<vmem>> -> memref<1x128x64xf32, #tpu.memory_space<vmem>>
      %dma_wait3A_66 = tpu.memref_squeeze %dma_wait3A_65 : memref<1x128x64xf32, #tpu.memory_space<vmem>> -> memref<128x64xf32, #tpu.memory_space<vmem>>
      %dma_wait3A_67 = arith.constant 0 : i32
      %dma_wait3A_68 = tpu.memref_slice %arg9[%add3A_13, %dma_wait3A_67] : memref<10240x64xf32, #tpu.memory_space<vmem_shared>> -> memref<128x64xf32, #tpu.memory_space<vmem_shared>>
      %dma_wait3A_69 = arith.constant 0 : i32
      %dma_wait3A_70 = tpu.memref_slice %arg9[%add3A_13, %dma_wait3A_69] : memref<10240x64xf32, #tpu.memory_space<vmem_shared>> -> memref<128x64xf32, #tpu.memory_space<vmem_shared>>
      %dma_wait3A_71 = arith.constant 0 : i32
      %dma_wait3A_72 = arith.constant 0 : i32
      %dma_wait3A_73 = tpu.memref_slice %arg8[%run_scoped3A, %dma_wait3A_71, %dma_wait3A_72] : memref<4x128x64xf32, #tpu.memory_space<vmem>> -> memref<1x128x64xf32, #tpu.memory_space<vmem>>
      %dma_wait3A_74 = tpu.memref_squeeze %dma_wait3A_73 : memref<1x128x64xf32, #tpu.memory_space<vmem>> -> memref<128x64xf32, #tpu.memory_space<vmem>>
      tpu.wait_dma2 semaphore(%run_scoped3A_52 : memref<!tpu.dma_semaphore, #tpu.memory_space<semaphore_mem>>) src(%dma_wait3A_74 : memref<128x64xf32, #tpu.memory_space<vmem>>) dst(%dma_wait3A_70 : memref<128x64xf32, #tpu.memory_space<vmem_shared>>)
      tpu.yield
    }) : () -> ()
    %mul3A_14 = arith.constant 640 : i32
    %mul3A_15 = arith.muli %arg1, %mul3A_14 : i32
    %add3A_16 = arith.constant 128 : i32
    %add3A_17 = arith.addi %mul3A_15, %add3A_16 : i32
    %run_scoped3A_18 = arith.constant 0 : i32
    "tpu.region"() ({
      %run_scoped3A_52 = tpu.sem_alloc : memref<!tpu.dma_semaphore, #tpu.memory_space<semaphore_mem>>
      %dma_start3A = arith.constant 0 : i32
      %dma_start3A_53 = arith.constant 0 : i32
      %dma_start3A_54 = tpu.memref_slice %arg8[%run_scoped3A_18, %dma_start3A, %dma_start3A_53] : memref<4x128x64xf32, #tpu.memory_space<vmem>> -> memref<1x128x64xf32, #tpu.memory_space<vmem>>
      %dma_start3A_55 = tpu.memref_squeeze %dma_start3A_54 : memref<1x128x64xf32, #tpu.memory_space<vmem>> -> memref<128x64xf32, #tpu.memory_space<vmem>>
      %dma_start3A_56 = arith.constant 0 : i32
      %dma_start3A_57 = tpu.memref_slice %arg9[%add3A_17, %dma_start3A_56] : memref<10240x64xf32, #tpu.memory_space<vmem_shared>> -> memref<128x64xf32, #tpu.memory_space<vmem_shared>>
      %dma_start3A_58 = arith.constant 0 : i32
      %dma_start3A_59 = tpu.memref_slice %arg9[%add3A_17, %dma_start3A_58] : memref<10240x64xf32, #tpu.memory_space<vmem_shared>> -> memref<128x64xf32, #tpu.memory_space<vmem_shared>>
      %dma_start3A_60 = arith.constant 0 : i32
      %dma_start3A_61 = arith.constant 0 : i32
      %dma_start3A_62 = tpu.memref_slice %arg8[%run_scoped3A_18, %dma_start3A_60, %dma_start3A_61] : memref<4x128x64xf32, #tpu.memory_space<vmem>> -> memref<1x128x64xf32, #tpu.memory_space<vmem>>
      %dma_start3A_63 = tpu.memref_squeeze %dma_start3A_62 : memref<1x128x64xf32, #tpu.memory_space<vmem>> -> memref<128x64xf32, #tpu.memory_space<vmem>>
      tpu.enqueue_dma source(%dma_start3A_63 : memref<128x64xf32, #tpu.memory_space<vmem>>) target(%dma_start3A_59 : memref<128x64xf32, #tpu.memory_space<vmem_shared>>) target_semaphore(%run_scoped3A_52 : memref<!tpu.dma_semaphore, #tpu.memory_space<semaphore_mem>>)
      %dma_wait3A = arith.constant 0 : i32
      %dma_wait3A_64 = arith.constant 0 : i32
      %dma_wait3A_65 = tpu.memref_slice %arg8[%run_scoped3A_18, %dma_wait3A, %dma_wait3A_64] : memref<4x128x64xf32, #tpu.memory_space<vmem>> -> memref<1x128x64xf32, #tpu.memory_space<vmem>>
      %dma_wait3A_66 = tpu.memref_squeeze %dma_wait3A_65 : memref<1x128x64xf32, #tpu.memory_space<vmem>> -> memref<128x64xf32, #tpu.memory_space<vmem>>
      %dma_wait3A_67 = arith.constant 0 : i32
      %dma_wait3A_68 = tpu.memref_slice %arg9[%add3A_17, %dma_wait3A_67] : memref<10240x64xf32, #tpu.memory_space<vmem_shared>> -> memref<128x64xf32, #tpu.memory_space<vmem_shared>>
      %dma_wait3A_69 = arith.constant 0 : i32
      %dma_wait3A_70 = tpu.memref_slice %arg9[%add3A_17, %dma_wait3A_69] : memref<10240x64xf32, #tpu.memory_space<vmem_shared>> -> memref<128x64xf32, #tpu.memory_space<vmem_shared>>
      %dma_wait3A_71 = arith.constant 0 : i32
      %dma_wait3A_72 = arith.constant 0 : i32
      %dma_wait3A_73 = tpu.memref_slice %arg8[%run_scoped3A_18, %dma_wait3A_71, %dma_wait3A_72] : memref<4x128x64xf32, #tpu.memory_space<vmem>> -> memref<1x128x64xf32, #tpu.memory_space<vmem>>
      %dma_wait3A_74 = tpu.memref_squeeze %dma_wait3A_73 : memref<1x128x64xf32, #tpu.memory_space<vmem>> -> memref<128x64xf32, #tpu.memory_space<vmem>>
      tpu.wait_dma2 semaphore(%run_scoped3A_52 : memref<!tpu.dma_semaphore, #tpu.memory_space<semaphore_mem>>) src(%dma_wait3A_74 : memref<128x64xf32, #tpu.memory_space<vmem>>) dst(%dma_wait3A_70 : memref<128x64xf32, #tpu.memory_space<vmem_shared>>)
      tpu.yield
    }) : () -> ()
    %mul3A_19 = arith.constant 640 : i32
    %mul3A_20 = arith.muli %arg1, %mul3A_19 : i32
    %add3A_21 = arith.constant 256 : i32
    %add3A_22 = arith.addi %mul3A_20, %add3A_21 : i32
    %run_scoped3A_23 = arith.constant 0 : i32
    "tpu.region"() ({
      %run_scoped3A_52 = tpu.sem_alloc : memref<!tpu.dma_semaphore, #tpu.memory_space<semaphore_mem>>
      %dma_start3A = arith.constant 0 : i32
      %dma_start3A_53 = arith.constant 0 : i32
      %dma_start3A_54 = tpu.memref_slice %arg8[%run_scoped3A_23, %dma_start3A, %dma_start3A_53] : memref<4x128x64xf32, #tpu.memory_space<vmem>> -> memref<1x128x64xf32, #tpu.memory_space<vmem>>
      %dma_start3A_55 = tpu.memref_squeeze %dma_start3A_54 : memref<1x128x64xf32, #tpu.memory_space<vmem>> -> memref<128x64xf32, #tpu.memory_space<vmem>>
      %dma_start3A_56 = arith.constant 0 : i32
      %dma_start3A_57 = tpu.memref_slice %arg9[%add3A_22, %dma_start3A_56] : memref<10240x64xf32, #tpu.memory_space<vmem_shared>> -> memref<128x64xf32, #tpu.memory_space<vmem_shared>>
      %dma_start3A_58 = arith.constant 0 : i32
      %dma_start3A_59 = tpu.memref_slice %arg9[%add3A_22, %dma_start3A_58] : memref<10240x64xf32, #tpu.memory_space<vmem_shared>> -> memref<128x64xf32, #tpu.memory_space<vmem_shared>>
      %dma_start3A_60 = arith.constant 0 : i32
      %dma_start3A_61 = arith.constant 0 : i32
      %dma_start3A_62 = tpu.memref_slice %arg8[%run_scoped3A_23, %dma_start3A_60, %dma_start3A_61] : memref<4x128x64xf32, #tpu.memory_space<vmem>> -> memref<1x128x64xf32, #tpu.memory_space<vmem>>
      %dma_start3A_63 = tpu.memref_squeeze %dma_start3A_62 : memref<1x128x64xf32, #tpu.memory_space<vmem>> -> memref<128x64xf32, #tpu.memory_space<vmem>>
      tpu.enqueue_dma source(%dma_start3A_63 : memref<128x64xf32, #tpu.memory_space<vmem>>) target(%dma_start3A_59 : memref<128x64xf32, #tpu.memory_space<vmem_shared>>) target_semaphore(%run_scoped3A_52 : memref<!tpu.dma_semaphore, #tpu.memory_space<semaphore_mem>>)
      %dma_wait3A = arith.constant 0 : i32
      %dma_wait3A_64 = arith.constant 0 : i32
      %dma_wait3A_65 = tpu.memref_slice %arg8[%run_scoped3A_23, %dma_wait3A, %dma_wait3A_64] : memref<4x128x64xf32, #tpu.memory_space<vmem>> -> memref<1x128x64xf32, #tpu.memory_space<vmem>>
      %dma_wait3A_66 = tpu.memref_squeeze %dma_wait3A_65 : memref<1x128x64xf32, #tpu.memory_space<vmem>> -> memref<128x64xf32, #tpu.memory_space<vmem>>
      %dma_wait3A_67 = arith.constant 0 : i32
      %dma_wait3A_68 = tpu.memref_slice %arg9[%add3A_22, %dma_wait3A_67] : memref<10240x64xf32, #tpu.memory_space<vmem_shared>> -> memref<128x64xf32, #tpu.memory_space<vmem_shared>>
      %dma_wait3A_69 = arith.constant 0 : i32
      %dma_wait3A_70 = tpu.memref_slice %arg9[%add3A_22, %dma_wait3A_69] : memref<10240x64xf32, #tpu.memory_space<vmem_shared>> -> memref<128x64xf32, #tpu.memory_space<vmem_shared>>
      %dma_wait3A_71 = arith.constant 0 : i32
      %dma_wait3A_72 = arith.constant 0 : i32
      %dma_wait3A_73 = tpu.memref_slice %arg8[%run_scoped3A_23, %dma_wait3A_71, %dma_wait3A_72] : memref<4x128x64xf32, #tpu.memory_space<vmem>> -> memref<1x128x64xf32, #tpu.memory_space<vmem>>
      %dma_wait3A_74 = tpu.memref_squeeze %dma_wait3A_73 : memref<1x128x64xf32, #tpu.memory_space<vmem>> -> memref<128x64xf32, #tpu.memory_space<vmem>>
      tpu.wait_dma2 semaphore(%run_scoped3A_52 : memref<!tpu.dma_semaphore, #tpu.memory_space<semaphore_mem>>) src(%dma_wait3A_74 : memref<128x64xf32, #tpu.memory_space<vmem>>) dst(%dma_wait3A_70 : memref<128x64xf32, #tpu.memory_space<vmem_shared>>)
      tpu.yield
    }) : () -> ()
    %mul3A_24 = arith.constant 640 : i32
    %mul3A_25 = arith.muli %arg1, %mul3A_24 : i32
    %add3A_26 = arith.constant 384 : i32
    %add3A_27 = arith.addi %mul3A_25, %add3A_26 : i32
    %run_scoped3A_28 = arith.constant 0 : i32
    "tpu.region"() ({
      %run_scoped3A_52 = tpu.sem_alloc : memref<!tpu.dma_semaphore, #tpu.memory_space<semaphore_mem>>
      %dma_start3A = arith.constant 0 : i32
      %dma_start3A_53 = arith.constant 0 : i32
      %dma_start3A_54 = tpu.memref_slice %arg8[%run_scoped3A_28, %dma_start3A, %dma_start3A_53] : memref<4x128x64xf32, #tpu.memory_space<vmem>> -> memref<1x128x64xf32, #tpu.memory_space<vmem>>
      %dma_start3A_55 = tpu.memref_squeeze %dma_start3A_54 : memref<1x128x64xf32, #tpu.memory_space<vmem>> -> memref<128x64xf32, #tpu.memory_space<vmem>>
      %dma_start3A_56 = arith.constant 0 : i32
      %dma_start3A_57 = tpu.memref_slice %arg9[%add3A_27, %dma_start3A_56] : memref<10240x64xf32, #tpu.memory_space<vmem_shared>> -> memref<128x64xf32, #tpu.memory_space<vmem_shared>>
      %dma_start3A_58 = arith.constant 0 : i32
      %dma_start3A_59 = tpu.memref_slice %arg9[%add3A_27, %dma_start3A_58] : memref<10240x64xf32, #tpu.memory_space<vmem_shared>> -> memref<128x64xf32, #tpu.memory_space<vmem_shared>>
      %dma_start3A_60 = arith.constant 0 : i32
      %dma_start3A_61 = arith.constant 0 : i32
      %dma_start3A_62 = tpu.memref_slice %arg8[%run_scoped3A_28, %dma_start3A_60, %dma_start3A_61] : memref<4x128x64xf32, #tpu.memory_space<vmem>> -> memref<1x128x64xf32, #tpu.memory_space<vmem>>
      %dma_start3A_63 = tpu.memref_squeeze %dma_start3A_62 : memref<1x128x64xf32, #tpu.memory_space<vmem>> -> memref<128x64xf32, #tpu.memory_space<vmem>>
      tpu.enqueue_dma source(%dma_start3A_63 : memref<128x64xf32, #tpu.memory_space<vmem>>) target(%dma_start3A_59 : memref<128x64xf32, #tpu.memory_space<vmem_shared>>) target_semaphore(%run_scoped3A_52 : memref<!tpu.dma_semaphore, #tpu.memory_space<semaphore_mem>>)
      %dma_wait3A = arith.constant 0 : i32
      %dma_wait3A_64 = arith.constant 0 : i32
      %dma_wait3A_65 = tpu.memref_slice %arg8[%run_scoped3A_28, %dma_wait3A, %dma_wait3A_64] : memref<4x128x64xf32, #tpu.memory_space<vmem>> -> memref<1x128x64xf32, #tpu.memory_space<vmem>>
      %dma_wait3A_66 = tpu.memref_squeeze %dma_wait3A_65 : memref<1x128x64xf32, #tpu.memory_space<vmem>> -> memref<128x64xf32, #tpu.memory_space<vmem>>
      %dma_wait3A_67 = arith.constant 0 : i32
      %dma_wait3A_68 = tpu.memref_slice %arg9[%add3A_27, %dma_wait3A_67] : memref<10240x64xf32, #tpu.memory_space<vmem_shared>> -> memref<128x64xf32, #tpu.memory_space<vmem_shared>>
      %dma_wait3A_69 = arith.constant 0 : i32
      %dma_wait3A_70 = tpu.memref_slice %arg9[%add3A_27, %dma_wait3A_69] : memref<10240x64xf32, #tpu.memory_space<vmem_shared>> -> memref<128x64xf32, #tpu.memory_space<vmem_shared>>
      %dma_wait3A_71 = arith.constant 0 : i32
      %dma_wait3A_72 = arith.constant 0 : i32
      %dma_wait3A_73 = tpu.memref_slice %arg8[%run_scoped3A_28, %dma_wait3A_71, %dma_wait3A_72] : memref<4x128x64xf32, #tpu.memory_space<vmem>> -> memref<1x128x64xf32, #tpu.memory_space<vmem>>
      %dma_wait3A_74 = tpu.memref_squeeze %dma_wait3A_73 : memref<1x128x64xf32, #tpu.memory_space<vmem>> -> memref<128x64xf32, #tpu.memory_space<vmem>>
      tpu.wait_dma2 semaphore(%run_scoped3A_52 : memref<!tpu.dma_semaphore, #tpu.memory_space<semaphore_mem>>) src(%dma_wait3A_74 : memref<128x64xf32, #tpu.memory_space<vmem>>) dst(%dma_wait3A_70 : memref<128x64xf32, #tpu.memory_space<vmem_shared>>)
      tpu.yield
    }) : () -> ()
    %mul3A_29 = arith.constant 640 : i32
    %mul3A_30 = arith.muli %arg1, %mul3A_29 : i32
    %add3A_31 = arith.constant 512 : i32
    %add3A_32 = arith.addi %mul3A_30, %add3A_31 : i32
    %run_scoped3A_33 = arith.constant 0 : i32
    "tpu.region"() ({
      %run_scoped3A_52 = tpu.sem_alloc : memref<!tpu.dma_semaphore, #tpu.memory_space<semaphore_mem>>
      %dma_start3A = arith.constant 0 : i32
      %dma_start3A_53 = arith.constant 0 : i32
      %dma_start3A_54 = tpu.memref_slice %arg8[%run_scoped3A_33, %dma_start3A, %dma_start3A_53] : memref<4x128x64xf32, #tpu.memory_space<vmem>> -> memref<1x128x64xf32, #tpu.memory_space<vmem>>
      %dma_start3A_55 = tpu.memref_squeeze %dma_start3A_54 : memref<1x128x64xf32, #tpu.memory_space<vmem>> -> memref<128x64xf32, #tpu.memory_space<vmem>>
      %dma_start3A_56 = arith.constant 0 : i32
      %dma_start3A_57 = tpu.memref_slice %arg9[%add3A_32, %dma_start3A_56] : memref<10240x64xf32, #tpu.memory_space<vmem_shared>> -> memref<128x64xf32, #tpu.memory_space<vmem_shared>>
      %dma_start3A_58 = arith.constant 0 : i32
      %dma_start3A_59 = tpu.memref_slice %arg9[%add3A_32, %dma_start3A_58] : memref<10240x64xf32, #tpu.memory_space<vmem_shared>> -> memref<128x64xf32, #tpu.memory_space<vmem_shared>>
      %dma_start3A_60 = arith.constant 0 : i32
      %dma_start3A_61 = arith.constant 0 : i32
      %dma_start3A_62 = tpu.memref_slice %arg8[%run_scoped3A_33, %dma_start3A_60, %dma_start3A_61] : memref<4x128x64xf32, #tpu.memory_space<vmem>> -> memref<1x128x64xf32, #tpu.memory_space<vmem>>
      %dma_start3A_63 = tpu.memref_squeeze %dma_start3A_62 : memref<1x128x64xf32, #tpu.memory_space<vmem>> -> memref<128x64xf32, #tpu.memory_space<vmem>>
      tpu.enqueue_dma source(%dma_start3A_63 : memref<128x64xf32, #tpu.memory_space<vmem>>) target(%dma_start3A_59 : memref<128x64xf32, #tpu.memory_space<vmem_shared>>) target_semaphore(%run_scoped3A_52 : memref<!tpu.dma_semaphore, #tpu.memory_space<semaphore_mem>>)
      %dma_wait3A = arith.constant 0 : i32
      %dma_wait3A_64 = arith.constant 0 : i32
      %dma_wait3A_65 = tpu.memref_slice %arg8[%run_scoped3A_33, %dma_wait3A, %dma_wait3A_64] : memref<4x128x64xf32, #tpu.memory_space<vmem>> -> memref<1x128x64xf32, #tpu.memory_space<vmem>>
      %dma_wait3A_66 = tpu.memref_squeeze %dma_wait3A_65 : memref<1x128x64xf32, #tpu.memory_space<vmem>> -> memref<128x64xf32, #tpu.memory_space<vmem>>
      %dma_wait3A_67 = arith.constant 0 : i32
      %dma_wait3A_68 = tpu.memref_slice %arg9[%add3A_32, %dma_wait3A_67] : memref<10240x64xf32, #tpu.memory_space<vmem_shared>> -> memref<128x64xf32, #tpu.memory_space<vmem_shared>>
      %dma_wait3A_69 = arith.constant 0 : i32
      %dma_wait3A_70 = tpu.memref_slice %arg9[%add3A_32, %dma_wait3A_69] : memref<10240x64xf32, #tpu.memory_space<vmem_shared>> -> memref<128x64xf32, #tpu.memory_space<vmem_shared>>
      %dma_wait3A_71 = arith.constant 0 : i32
      %dma_wait3A_72 = arith.constant 0 : i32
      %dma_wait3A_73 = tpu.memref_slice %arg8[%run_scoped3A_33, %dma_wait3A_71, %dma_wait3A_72] : memref<4x128x64xf32, #tpu.memory_space<vmem>> -> memref<1x128x64xf32, #tpu.memory_space<vmem>>
      %dma_wait3A_74 = tpu.memref_squeeze %dma_wait3A_73 : memref<1x128x64xf32, #tpu.memory_space<vmem>> -> memref<128x64xf32, #tpu.memory_space<vmem>>
      tpu.wait_dma2 semaphore(%run_scoped3A_52 : memref<!tpu.dma_semaphore, #tpu.memory_space<semaphore_mem>>) src(%dma_wait3A_74 : memref<128x64xf32, #tpu.memory_space<vmem>>) dst(%dma_wait3A_70 : memref<128x64xf32, #tpu.memory_space<vmem_shared>>)
      tpu.yield
    }) : () -> ()
    %mul3A_34 = arith.constant 640 : i32
    %mul3A_35 = arith.muli %arg1, %mul3A_34 : i32
    %mul3A_36 = arith.constant 640 : i32
    %mul3A_37 = arith.muli %arg1, %mul3A_36 : i32
    "tpu.region"() ({
      %run_scoped3A_52 = tpu.sem_alloc : memref<!tpu.dma_semaphore, #tpu.memory_space<semaphore_mem>>
      %dma_start3A = arith.constant 0 : i32
      %dma_start3A_53 = tpu.memref_slice %arg10[%mul3A_37, %dma_start3A] : memref<10240x64xf32, #tpu.memory_space<vmem_shared>> -> memref<640x64xf32, #tpu.memory_space<vmem_shared>>
      %dma_start3A_54 = arith.constant 0 : i32
      %dma_start3A_55 = tpu.memref_slice %arg2[%mul3A_35, %dma_start3A_54] : memref<10240x128xf32, #tpu.memory_space<hbm>> -> memref<640x64xf32, #tpu.memory_space<hbm>>
      tpu.enqueue_dma source(%dma_start3A_55 : memref<640x64xf32, #tpu.memory_space<hbm>>) target(%dma_start3A_53 : memref<640x64xf32, #tpu.memory_space<vmem_shared>>) target_semaphore(%run_scoped3A_52 : memref<!tpu.dma_semaphore, #tpu.memory_space<semaphore_mem>>)
      %dma_wait3A = arith.constant 0 : i32
      %dma_wait3A_56 = tpu.memref_slice %arg10[%mul3A_37, %dma_wait3A] : memref<10240x64xf32, #tpu.memory_space<vmem_shared>> -> memref<640x64xf32, #tpu.memory_space<vmem_shared>>
      %dma_wait3A_57 = arith.constant 0 : i32
      %dma_wait3A_58 = tpu.memref_slice %arg2[%mul3A_35, %dma_wait3A_57] : memref<10240x128xf32, #tpu.memory_space<hbm>> -> memref<640x64xf32, #tpu.memory_space<hbm>>
      tpu.wait_dma2 semaphore(%run_scoped3A_52 : memref<!tpu.dma_semaphore, #tpu.memory_space<semaphore_mem>>) src(%dma_wait3A_58 : memref<640x64xf32, #tpu.memory_space<hbm>>) dst(%dma_wait3A_56 : memref<640x64xf32, #tpu.memory_space<vmem_shared>>)
      tpu.yield
    }) : () -> ()
    %barrier3A = arith.constant 0 : index
    tpu.barrier barrier_id(%barrier3A)
    %while3A = arith.constant 0 : i32
    %while3A_38 = arith.constant 0 : i32
    %while3A_39 = arith.subi %select_n3A_6, %while3A_38 : i32
    %while3A_40 = arith.addi %while3A_38, %while3A_39 : i32
    %while3A_41 = arith.constant 1 : i32
    %while3A_42 = arith.divsi %while3A_39, %while3A_41 : i32
    %while3A_43 = arith.muli %while3A_42, %while3A_41 : i32
    %while3A_44 = arith.addi %while3A_38, %while3A_43 : i32
    %while3A_45 = arith.constant 1 : i32
    scf.for %while3A_52 = %while3A_38 to %while3A_44 step %while3A_45  : i32 {
      %mul3A_53 = arith.constant 40 : i32
      %mul3A_54 = arith.muli %while3A_52, %mul3A_53 : i32
      %add3A_55 = arith.addi %select_n3A, %mul3A_54 : i32
      "tpu.region"() ({
        %run_scoped3A_100 = tpu.sem_alloc : memref<!tpu.dma_semaphore, #tpu.memory_space<semaphore_mem>>
        %dma_start3A_101 = arith.constant 0 : i32
        %dma_start3A_102 = tpu.memref_slice %arg3[%arg1, %add3A_55, %dma_start3A_101] : memref<16x160x128xi32, #tpu.memory_space<hbm>> -> memref<1x40x128xi32, #tpu.memory_space<hbm>>
        %dma_start3A_103 = tpu.memref_squeeze %dma_start3A_102 : memref<1x40x128xi32, #tpu.memory_space<hbm>> -> memref<40x128xi32, #tpu.memory_space<hbm>>
        %dma_start3A_104 = arith.constant 0 : i32
        %dma_start3A_105 = tpu.memref_slice %arg3[%arg1, %add3A_55, %dma_start3A_104] : memref<16x160x128xi32, #tpu.memory_space<hbm>> -> memref<1x40x128xi32, #tpu.memory_space<hbm>>
        %dma_start3A_106 = tpu.memref_squeeze %dma_start3A_105 : memref<1x40x128xi32, #tpu.memory_space<hbm>> -> memref<40x128xi32, #tpu.memory_space<hbm>>
        tpu.enqueue_dma source(%dma_start3A_106 : memref<40x128xi32, #tpu.memory_space<hbm>>) target(%arg6 : memref<40x128xi32, #tpu.memory_space<vmem>>) target_semaphore(%run_scoped3A_100 : memref<!tpu.dma_semaphore, #tpu.memory_space<semaphore_mem>>)
        %dma_wait3A = arith.constant 0 : i32
        %dma_wait3A_107 = tpu.memref_slice %arg3[%arg1, %add3A_55, %dma_wait3A] : memref<16x160x128xi32, #tpu.memory_space<hbm>> -> memref<1x40x128xi32, #tpu.memory_space<hbm>>
        %dma_wait3A_108 = tpu.memref_squeeze %dma_wait3A_107 : memref<1x40x128xi32, #tpu.memory_space<hbm>> -> memref<40x128xi32, #tpu.memory_space<hbm>>
        %dma_wait3A_109 = arith.constant 0 : i32
        %dma_wait3A_110 = tpu.memref_slice %arg3[%arg1, %add3A_55, %dma_wait3A_109] : memref<16x160x128xi32, #tpu.memory_space<hbm>> -> memref<1x40x128xi32, #tpu.memory_space<hbm>>
        %dma_wait3A_111 = tpu.memref_squeeze %dma_wait3A_110 : memref<1x40x128xi32, #tpu.memory_space<hbm>> -> memref<40x128xi32, #tpu.memory_space<hbm>>
        tpu.wait_dma2 semaphore(%run_scoped3A_100 : memref<!tpu.dma_semaphore, #tpu.memory_space<semaphore_mem>>) src(%dma_wait3A_111 : memref<40x128xi32, #tpu.memory_space<hbm>>) dst(%arg6 : memref<40x128xi32, #tpu.memory_space<vmem>>)
        tpu.yield
      }) : () -> ()
      %mul3A_56 = arith.constant 40 : i32
      %mul3A_57 = arith.muli %while3A_52, %mul3A_56 : i32
      %add3A_58 = arith.addi %select_n3A, %mul3A_57 : i32
      "tpu.region"() ({
        %run_scoped3A_100 = tpu.sem_alloc : memref<!tpu.dma_semaphore, #tpu.memory_space<semaphore_mem>>
        %dma_start3A_101 = arith.constant 0 : i32
        %dma_start3A_102 = tpu.memref_slice %arg4[%arg1, %add3A_58, %dma_start3A_101] : memref<16x160x128xi32, #tpu.memory_space<hbm>> -> memref<1x40x128xi32, #tpu.memory_space<hbm>>
        %dma_start3A_103 = tpu.memref_squeeze %dma_start3A_102 : memref<1x40x128xi32, #tpu.memory_space<hbm>> -> memref<40x128xi32, #tpu.memory_space<hbm>>
        %dma_start3A_104 = arith.constant 0 : i32
        %dma_start3A_105 = tpu.memref_slice %arg4[%arg1, %add3A_58, %dma_start3A_104] : memref<16x160x128xi32, #tpu.memory_space<hbm>> -> memref<1x40x128xi32, #tpu.memory_space<hbm>>
        %dma_start3A_106 = tpu.memref_squeeze %dma_start3A_105 : memref<1x40x128xi32, #tpu.memory_space<hbm>> -> memref<40x128xi32, #tpu.memory_space<hbm>>
        tpu.enqueue_dma source(%dma_start3A_106 : memref<40x128xi32, #tpu.memory_space<hbm>>) target(%arg7 : memref<40x128xi32, #tpu.memory_space<vmem>>) target_semaphore(%run_scoped3A_100 : memref<!tpu.dma_semaphore, #tpu.memory_space<semaphore_mem>>)
        %dma_wait3A = arith.constant 0 : i32
        %dma_wait3A_107 = tpu.memref_slice %arg4[%arg1, %add3A_58, %dma_wait3A] : memref<16x160x128xi32, #tpu.memory_space<hbm>> -> memref<1x40x128xi32, #tpu.memory_space<hbm>>
        %dma_wait3A_108 = tpu.memref_squeeze %dma_wait3A_107 : memref<1x40x128xi32, #tpu.memory_space<hbm>> -> memref<40x128xi32, #tpu.memory_space<hbm>>
        %dma_wait3A_109 = arith.constant 0 : i32
        %dma_wait3A_110 = tpu.memref_slice %arg4[%arg1, %add3A_58, %dma_wait3A_109] : memref<16x160x128xi32, #tpu.memory_space<hbm>> -> memref<1x40x128xi32, #tpu.memory_space<hbm>>
        %dma_wait3A_111 = tpu.memref_squeeze %dma_wait3A_110 : memref<1x40x128xi32, #tpu.memory_space<hbm>> -> memref<40x128xi32, #tpu.memory_space<hbm>>
        tpu.wait_dma2 semaphore(%run_scoped3A_100 : memref<!tpu.dma_semaphore, #tpu.memory_space<semaphore_mem>>) src(%dma_wait3A_111 : memref<40x128xi32, #tpu.memory_space<hbm>>) dst(%arg7 : memref<40x128xi32, #tpu.memory_space<vmem>>)
        tpu.yield
      }) : () -> ()
      %dma_start3A = arith.constant 0 : i32
      %dma_start3A_59 = arith.constant 0 : i32
      %dma_start3A_60 = arith.constant 0 : i32
      %dma_start3A_61 = arith.constant 0 : i32
      %dma_start3A_62 = tpu.memref_slice %arg8[%dma_start3A_59, %dma_start3A_60, %dma_start3A_61] : memref<4x128x64xf32, #tpu.memory_space<vmem>> -> memref<1x128x64xf32, #tpu.memory_space<vmem>>
      %dma_start3A_63 = tpu.memref_squeeze %dma_start3A_62 : memref<1x128x64xf32, #tpu.memory_space<vmem>> -> memref<128x64xf32, #tpu.memory_space<vmem>>
      %dma_start3A_64 = arith.constant 0 : i32
      %dma_start3A_65 = tpu.memref_slice %arg6[%dma_start3A, %dma_start3A_64] : memref<40x128xi32, #tpu.memory_space<vmem>> -> memref<1x128xi32, #tpu.memory_space<vmem>>
      %dma_start3A_66 = tpu.memref_squeeze %dma_start3A_65 : memref<1x128xi32, #tpu.memory_space<vmem>> -> memref<128xi32, #tpu.memory_space<vmem>>
      %dma_start3A_67 = arith.constant 0 : i32
      %dma_start3A_68 = arith.constant 0 : i32
      %dma_start3A_69 = tpu.memref_slice %arg10[%dma_start3A_67, %dma_start3A_68] : memref<10240x64xf32, #tpu.memory_space<vmem_shared>> -> memref<10240x64xf32, #tpu.memory_space<vmem_shared>>
      tpu.enqueue_indirect_dma source(%dma_start3A_69 : memref<10240x64xf32, #tpu.memory_space<vmem_shared>>) target(%dma_start3A_63 : memref<128x64xf32, #tpu.memory_space<vmem>>) offsets(%dma_start3A_66 : memref<128xi32, #tpu.memory_space<vmem>>) semaphore(%arg11 : memref<!tpu.dma_semaphore, #tpu.memory_space<semaphore_mem>>)
      %dma_start3A_70 = arith.constant 1 : i32
      %dma_start3A_71 = arith.constant 1 : i32
      %dma_start3A_72 = arith.constant 0 : i32
      %dma_start3A_73 = arith.constant 0 : i32
      %dma_start3A_74 = tpu.memref_slice %arg8[%dma_start3A_71, %dma_start3A_72, %dma_start3A_73] : memref<4x128x64xf32, #tpu.memory_space<vmem>> -> memref<1x128x64xf32, #tpu.memory_space<vmem>>
      %dma_start3A_75 = tpu.memref_squeeze %dma_start3A_74 : memref<1x128x64xf32, #tpu.memory_space<vmem>> -> memref<128x64xf32, #tpu.memory_space<vmem>>
      %dma_start3A_76 = arith.constant 0 : i32
      %dma_start3A_77 = tpu.memref_slice %arg6[%dma_start3A_70, %dma_start3A_76] : memref<40x128xi32, #tpu.memory_space<vmem>> -> memref<1x128xi32, #tpu.memory_space<vmem>>
      %dma_start3A_78 = tpu.memref_squeeze %dma_start3A_77 : memref<1x128xi32, #tpu.memory_space<vmem>> -> memref<128xi32, #tpu.memory_space<vmem>>
      %dma_start3A_79 = arith.constant 0 : i32
      %dma_start3A_80 = arith.constant 0 : i32
      %dma_start3A_81 = tpu.memref_slice %arg10[%dma_start3A_79, %dma_start3A_80] : memref<10240x64xf32, #tpu.memory_space<vmem_shared>> -> memref<10240x64xf32, #tpu.memory_space<vmem_shared>>
      tpu.enqueue_indirect_dma source(%dma_start3A_81 : memref<10240x64xf32, #tpu.memory_space<vmem_shared>>) target(%dma_start3A_75 : memref<128x64xf32, #tpu.memory_space<vmem>>) offsets(%dma_start3A_78 : memref<128xi32, #tpu.memory_space<vmem>>) semaphore(%arg11 : memref<!tpu.dma_semaphore, #tpu.memory_space<semaphore_mem>>)
      %dma_start3A_82 = arith.constant 2 : i32
      %dma_start3A_83 = arith.constant 2 : i32
      %dma_start3A_84 = arith.constant 0 : i32
      %dma_start3A_85 = arith.constant 0 : i32
      %dma_start3A_86 = tpu.memref_slice %arg8[%dma_start3A_83, %dma_start3A_84, %dma_start3A_85] : memref<4x128x64xf32, #tpu.memory_space<vmem>> -> memref<1x128x64xf32, #tpu.memory_space<vmem>>
      %dma_start3A_87 = tpu.memref_squeeze %dma_start3A_86 : memref<1x128x64xf32, #tpu.memory_space<vmem>> -> memref<128x64xf32, #tpu.memory_space<vmem>>
      %dma_start3A_88 = arith.constant 0 : i32
      %dma_start3A_89 = tpu.memref_slice %arg6[%dma_start3A_82, %dma_start3A_88] : memref<40x128xi32, #tpu.memory_space<vmem>> -> memref<1x128xi32, #tpu.memory_space<vmem>>
      %dma_start3A_90 = tpu.memref_squeeze %dma_start3A_89 : memref<1x128xi32, #tpu.memory_space<vmem>> -> memref<128xi32, #tpu.memory_space<vmem>>
      %dma_start3A_91 = arith.constant 0 : i32
      %dma_start3A_92 = arith.constant 0 : i32
      %dma_start3A_93 = tpu.memref_slice %arg10[%dma_start3A_91, %dma_start3A_92] : memref<10240x64xf32, #tpu.memory_space<vmem_shared>> -> memref<10240x64xf32, #tpu.memory_space<vmem_shared>>
      tpu.enqueue_indirect_dma source(%dma_start3A_93 : memref<10240x64xf32, #tpu.memory_space<vmem_shared>>) target(%dma_start3A_87 : memref<128x64xf32, #tpu.memory_space<vmem>>) offsets(%dma_start3A_90 : memref<128xi32, #tpu.memory_space<vmem>>) semaphore(%arg11 : memref<!tpu.dma_semaphore, #tpu.memory_space<semaphore_mem>>)
      %scan3A_94 = arith.constant 0 : i32
      %scan3A_95 = arith.constant 0 : i32
      %scan3A_96 = arith.constant 40 : i32
      %scan3A_97 = arith.addi %scan3A_95, %scan3A_96 : i32
      %scan3A_98 = arith.constant 1 : i32
      scf.for %scan3A_100 = %scan3A_95 to %scan3A_97 step %scan3A_98  : i32 {
        %rem3A = arith.constant 4 : i32
        %rem3A_101 = arith.remsi %scan3A_100, %rem3A : i32
        %dma_wait3A = arith.constant 0 : i32
        %dma_wait3A_102 = arith.constant 0 : i32
        %dma_wait3A_103 = tpu.memref_slice %arg8[%rem3A_101, %dma_wait3A, %dma_wait3A_102] : memref<4x128x64xf32, #tpu.memory_space<vmem>> -> memref<1x128x64xf32, #tpu.memory_space<vmem>>
        %dma_wait3A_104 = tpu.memref_squeeze %dma_wait3A_103 : memref<1x128x64xf32, #tpu.memory_space<vmem>> -> memref<128x64xf32, #tpu.memory_space<vmem>>
        %dma_wait3A_105 = arith.constant 0 : i32
        %dma_wait3A_106 = tpu.memref_slice %arg6[%scan3A_100, %dma_wait3A_105] : memref<40x128xi32, #tpu.memory_space<vmem>> -> memref<1x128xi32, #tpu.memory_space<vmem>>
        %dma_wait3A_107 = tpu.memref_squeeze %dma_wait3A_106 : memref<1x128xi32, #tpu.memory_space<vmem>> -> memref<128xi32, #tpu.memory_space<vmem>>
        %dma_wait3A_108 = arith.constant 0 : i32
        %dma_wait3A_109 = arith.constant 0 : i32
        %dma_wait3A_110 = tpu.memref_slice %arg10[%dma_wait3A_108, %dma_wait3A_109] : memref<10240x64xf32, #tpu.memory_space<vmem_shared>> -> memref<10240x64xf32, #tpu.memory_space<vmem_shared>>
        tpu.wait_indirect_dma semaphore(%arg11 : memref<!tpu.dma_semaphore, #tpu.memory_space<semaphore_mem>>) src(%dma_wait3A_110 : memref<10240x64xf32, #tpu.memory_space<vmem_shared>>) dst(%dma_wait3A_104 : memref<128x64xf32, #tpu.memory_space<vmem>>)
        %lt3A = arith.constant 37 : i32
        %lt3A_111 = arith.cmpi slt, %scan3A_100, %lt3A : i32
        %convert_element_type3A = arith.extui %lt3A_111 : i1 to i32
        %cond3A = arith.constant 0 : i32
        %cond3A_112 = arith.cmpi ne, %convert_element_type3A, %cond3A : i32
        scf.if %cond3A_112 {
          %add3A_113 = arith.constant 4 : i32
          %add3A_114 = arith.addi %scan3A_100, %add3A_113 : i32
          %sub3A = arith.constant 1 : i32
          %sub3A_115 = arith.subi %add3A_114, %sub3A : i32
          %add3A_116 = arith.constant 4 : i32
          %add3A_117 = arith.addi %scan3A_100, %add3A_116 : i32
          %sub3A_118 = arith.constant 1 : i32
          %sub3A_119 = arith.subi %add3A_117, %sub3A_118 : i32
          %rem3A_120 = arith.constant 4 : i32
          %rem3A_121 = arith.remsi %sub3A_119, %rem3A_120 : i32
          %dma_start3A_122 = arith.constant 0 : i32
          %dma_start3A_123 = arith.constant 0 : i32
          %dma_start3A_124 = tpu.memref_slice %arg8[%rem3A_121, %dma_start3A_122, %dma_start3A_123] : memref<4x128x64xf32, #tpu.memory_space<vmem>> -> memref<1x128x64xf32, #tpu.memory_space<vmem>>
          %dma_start3A_125 = tpu.memref_squeeze %dma_start3A_124 : memref<1x128x64xf32, #tpu.memory_space<vmem>> -> memref<128x64xf32, #tpu.memory_space<vmem>>
          %dma_start3A_126 = arith.constant 0 : i32
          %dma_start3A_127 = tpu.memref_slice %arg6[%sub3A_115, %dma_start3A_126] : memref<40x128xi32, #tpu.memory_space<vmem>> -> memref<1x128xi32, #tpu.memory_space<vmem>>
          %dma_start3A_128 = tpu.memref_squeeze %dma_start3A_127 : memref<1x128xi32, #tpu.memory_space<vmem>> -> memref<128xi32, #tpu.memory_space<vmem>>
          %dma_start3A_129 = arith.constant 0 : i32
          %dma_start3A_130 = arith.constant 0 : i32
          %dma_start3A_131 = tpu.memref_slice %arg10[%dma_start3A_129, %dma_start3A_130] : memref<10240x64xf32, #tpu.memory_space<vmem_shared>> -> memref<10240x64xf32, #tpu.memory_space<vmem_shared>>
          tpu.enqueue_indirect_dma source(%dma_start3A_131 : memref<10240x64xf32, #tpu.memory_space<vmem_shared>>) target(%dma_start3A_125 : memref<128x64xf32, #tpu.memory_space<vmem>>) offsets(%dma_start3A_128 : memref<128xi32, #tpu.memory_space<vmem>>) semaphore(%arg11 : memref<!tpu.dma_semaphore, #tpu.memory_space<semaphore_mem>>)
        } else {
        }
        "tpu.region"() ({
          %run_scoped3A_113 = tpu.sem_alloc : memref<!tpu.dma_semaphore, #tpu.memory_space<semaphore_mem>>
          %dma_start3A_114 = arith.constant 0 : i32
          %dma_start3A_115 = arith.constant 0 : i32
          %dma_start3A_116 = tpu.memref_slice %arg8[%rem3A_101, %dma_start3A_114, %dma_start3A_115] : memref<4x128x64xf32, #tpu.memory_space<vmem>> -> memref<1x128x64xf32, #tpu.memory_space<vmem>>
          %dma_start3A_117 = tpu.memref_squeeze %dma_start3A_116 : memref<1x128x64xf32, #tpu.memory_space<vmem>> -> memref<128x64xf32, #tpu.memory_space<vmem>>
          %dma_start3A_118 = arith.constant 0 : i32
          %dma_start3A_119 = tpu.memref_slice %arg7[%scan3A_100, %dma_start3A_118] : memref<40x128xi32, #tpu.memory_space<vmem>> -> memref<1x128xi32, #tpu.memory_space<vmem>>
          %dma_start3A_120 = tpu.memref_squeeze %dma_start3A_119 : memref<1x128xi32, #tpu.memory_space<vmem>> -> memref<128xi32, #tpu.memory_space<vmem>>
          %dma_start3A_121 = arith.constant 0 : i32
          %dma_start3A_122 = arith.constant 0 : i32
          %dma_start3A_123 = tpu.memref_slice %arg9[%dma_start3A_121, %dma_start3A_122] : memref<10240x64xf32, #tpu.memory_space<vmem_shared>> -> memref<10240x64xf32, #tpu.memory_space<vmem_shared>>
          tpu.enqueue_indirect_dma source(%dma_start3A_117 : memref<128x64xf32, #tpu.memory_space<vmem>>) target(%dma_start3A_123 : memref<10240x64xf32, #tpu.memory_space<vmem_shared>>) offsets(%dma_start3A_120 : memref<128xi32, #tpu.memory_space<vmem>>) semaphore(%run_scoped3A_113 : memref<!tpu.dma_semaphore, #tpu.memory_space<semaphore_mem>>) {add = true}
          %dma_wait3A_124 = arith.constant 0 : i32
          %dma_wait3A_125 = arith.constant 0 : i32
          %dma_wait3A_126 = tpu.memref_slice %arg8[%rem3A_101, %dma_wait3A_124, %dma_wait3A_125] : memref<4x128x64xf32, #tpu.memory_space<vmem>> -> memref<1x128x64xf32, #tpu.memory_space<vmem>>
          %dma_wait3A_127 = tpu.memref_squeeze %dma_wait3A_126 : memref<1x128x64xf32, #tpu.memory_space<vmem>> -> memref<128x64xf32, #tpu.memory_space<vmem>>
          %dma_wait3A_128 = arith.constant 0 : i32
          %dma_wait3A_129 = tpu.memref_slice %arg7[%scan3A_100, %dma_wait3A_128] : memref<40x128xi32, #tpu.memory_space<vmem>> -> memref<1x128xi32, #tpu.memory_space<vmem>>
          %dma_wait3A_130 = tpu.memref_squeeze %dma_wait3A_129 : memref<1x128xi32, #tpu.memory_space<vmem>> -> memref<128xi32, #tpu.memory_space<vmem>>
          %dma_wait3A_131 = arith.constant 0 : i32
          %dma_wait3A_132 = arith.constant 0 : i32
          %dma_wait3A_133 = tpu.memref_slice %arg9[%dma_wait3A_131, %dma_wait3A_132] : memref<10240x64xf32, #tpu.memory_space<vmem_shared>> -> memref<10240x64xf32, #tpu.memory_space<vmem_shared>>
          tpu.wait_indirect_dma semaphore(%run_scoped3A_113 : memref<!tpu.dma_semaphore, #tpu.memory_space<semaphore_mem>>) src(%dma_wait3A_127 : memref<128x64xf32, #tpu.memory_space<vmem>>) dst(%dma_wait3A_133 : memref<10240x64xf32, #tpu.memory_space<vmem_shared>>)
          tpu.yield
        }) : () -> ()
      }
      %scan3A_99 = arith.constant 40 : i32
    }
    %while3A_46 = arith.constant 1 : i32
    scf.for %while3A_52 = %while3A_44 to %while3A_40 step %while3A_46  : i32 {
      %mul3A_53 = arith.constant 40 : i32
      %mul3A_54 = arith.muli %while3A_52, %mul3A_53 : i32
      %add3A_55 = arith.addi %select_n3A, %mul3A_54 : i32
      "tpu.region"() ({
        %run_scoped3A_100 = tpu.sem_alloc : memref<!tpu.dma_semaphore, #tpu.memory_space<semaphore_mem>>
        %dma_start3A_101 = arith.constant 0 : i32
        %dma_start3A_102 = tpu.memref_slice %arg3[%arg1, %add3A_55, %dma_start3A_101] : memref<16x160x128xi32, #tpu.memory_space<hbm>> -> memref<1x40x128xi32, #tpu.memory_space<hbm>>
        %dma_start3A_103 = tpu.memref_squeeze %dma_start3A_102 : memref<1x40x128xi32, #tpu.memory_space<hbm>> -> memref<40x128xi32, #tpu.memory_space<hbm>>
        %dma_start3A_104 = arith.constant 0 : i32
        %dma_start3A_105 = tpu.memref_slice %arg3[%arg1, %add3A_55, %dma_start3A_104] : memref<16x160x128xi32, #tpu.memory_space<hbm>> -> memref<1x40x128xi32, #tpu.memory_space<hbm>>
        %dma_start3A_106 = tpu.memref_squeeze %dma_start3A_105 : memref<1x40x128xi32, #tpu.memory_space<hbm>> -> memref<40x128xi32, #tpu.memory_space<hbm>>
        tpu.enqueue_dma source(%dma_start3A_106 : memref<40x128xi32, #tpu.memory_space<hbm>>) target(%arg6 : memref<40x128xi32, #tpu.memory_space<vmem>>) target_semaphore(%run_scoped3A_100 : memref<!tpu.dma_semaphore, #tpu.memory_space<semaphore_mem>>)
        %dma_wait3A = arith.constant 0 : i32
        %dma_wait3A_107 = tpu.memref_slice %arg3[%arg1, %add3A_55, %dma_wait3A] : memref<16x160x128xi32, #tpu.memory_space<hbm>> -> memref<1x40x128xi32, #tpu.memory_space<hbm>>
        %dma_wait3A_108 = tpu.memref_squeeze %dma_wait3A_107 : memref<1x40x128xi32, #tpu.memory_space<hbm>> -> memref<40x128xi32, #tpu.memory_space<hbm>>
        %dma_wait3A_109 = arith.constant 0 : i32
        %dma_wait3A_110 = tpu.memref_slice %arg3[%arg1, %add3A_55, %dma_wait3A_109] : memref<16x160x128xi32, #tpu.memory_space<hbm>> -> memref<1x40x128xi32, #tpu.memory_space<hbm>>
        %dma_wait3A_111 = tpu.memref_squeeze %dma_wait3A_110 : memref<1x40x128xi32, #tpu.memory_space<hbm>> -> memref<40x128xi32, #tpu.memory_space<hbm>>
        tpu.wait_dma2 semaphore(%run_scoped3A_100 : memref<!tpu.dma_semaphore, #tpu.memory_space<semaphore_mem>>) src(%dma_wait3A_111 : memref<40x128xi32, #tpu.memory_space<hbm>>) dst(%arg6 : memref<40x128xi32, #tpu.memory_space<vmem>>)
        tpu.yield
      }) : () -> ()
      %mul3A_56 = arith.constant 40 : i32
      %mul3A_57 = arith.muli %while3A_52, %mul3A_56 : i32
      %add3A_58 = arith.addi %select_n3A, %mul3A_57 : i32
      "tpu.region"() ({
        %run_scoped3A_100 = tpu.sem_alloc : memref<!tpu.dma_semaphore, #tpu.memory_space<semaphore_mem>>
        %dma_start3A_101 = arith.constant 0 : i32
        %dma_start3A_102 = tpu.memref_slice %arg4[%arg1, %add3A_58, %dma_start3A_101] : memref<16x160x128xi32, #tpu.memory_space<hbm>> -> memref<1x40x128xi32, #tpu.memory_space<hbm>>
        %dma_start3A_103 = tpu.memref_squeeze %dma_start3A_102 : memref<1x40x128xi32, #tpu.memory_space<hbm>> -> memref<40x128xi32, #tpu.memory_space<hbm>>
        %dma_start3A_104 = arith.constant 0 : i32
        %dma_start3A_105 = tpu.memref_slice %arg4[%arg1, %add3A_58, %dma_start3A_104] : memref<16x160x128xi32, #tpu.memory_space<hbm>> -> memref<1x40x128xi32, #tpu.memory_space<hbm>>
        %dma_start3A_106 = tpu.memref_squeeze %dma_start3A_105 : memref<1x40x128xi32, #tpu.memory_space<hbm>> -> memref<40x128xi32, #tpu.memory_space<hbm>>
        tpu.enqueue_dma source(%dma_start3A_106 : memref<40x128xi32, #tpu.memory_space<hbm>>) target(%arg7 : memref<40x128xi32, #tpu.memory_space<vmem>>) target_semaphore(%run_scoped3A_100 : memref<!tpu.dma_semaphore, #tpu.memory_space<semaphore_mem>>)
        %dma_wait3A = arith.constant 0 : i32
        %dma_wait3A_107 = tpu.memref_slice %arg4[%arg1, %add3A_58, %dma_wait3A] : memref<16x160x128xi32, #tpu.memory_space<hbm>> -> memref<1x40x128xi32, #tpu.memory_space<hbm>>
        %dma_wait3A_108 = tpu.memref_squeeze %dma_wait3A_107 : memref<1x40x128xi32, #tpu.memory_space<hbm>> -> memref<40x128xi32, #tpu.memory_space<hbm>>
        %dma_wait3A_109 = arith.constant 0 : i32
        %dma_wait3A_110 = tpu.memref_slice %arg4[%arg1, %add3A_58, %dma_wait3A_109] : memref<16x160x128xi32, #tpu.memory_space<hbm>> -> memref<1x40x128xi32, #tpu.memory_space<hbm>>
        %dma_wait3A_111 = tpu.memref_squeeze %dma_wait3A_110 : memref<1x40x128xi32, #tpu.memory_space<hbm>> -> memref<40x128xi32, #tpu.memory_space<hbm>>
        tpu.wait_dma2 semaphore(%run_scoped3A_100 : memref<!tpu.dma_semaphore, #tpu.memory_space<semaphore_mem>>) src(%dma_wait3A_111 : memref<40x128xi32, #tpu.memory_space<hbm>>) dst(%arg7 : memref<40x128xi32, #tpu.memory_space<vmem>>)
        tpu.yield
      }) : () -> ()
      %dma_start3A = arith.constant 0 : i32
      %dma_start3A_59 = arith.constant 0 : i32
      %dma_start3A_60 = arith.constant 0 : i32
      %dma_start3A_61 = arith.constant 0 : i32
      %dma_start3A_62 = tpu.memref_slice %arg8[%dma_start3A_59, %dma_start3A_60, %dma_start3A_61] : memref<4x128x64xf32, #tpu.memory_space<vmem>> -> memref<1x128x64xf32, #tpu.memory_space<vmem>>
      %dma_start3A_63 = tpu.memref_squeeze %dma_start3A_62 : memref<1x128x64xf32, #tpu.memory_space<vmem>> -> memref<128x64xf32, #tpu.memory_space<vmem>>
      %dma_start3A_64 = arith.constant 0 : i32
      %dma_start3A_65 = tpu.memref_slice %arg6[%dma_start3A, %dma_start3A_64] : memref<40x128xi32, #tpu.memory_space<vmem>> -> memref<1x128xi32, #tpu.memory_space<vmem>>
      %dma_start3A_66 = tpu.memref_squeeze %dma_start3A_65 : memref<1x128xi32, #tpu.memory_space<vmem>> -> memref<128xi32, #tpu.memory_space<vmem>>
      %dma_start3A_67 = arith.constant 0 : i32
      %dma_start3A_68 = arith.constant 0 : i32
      %dma_start3A_69 = tpu.memref_slice %arg10[%dma_start3A_67, %dma_start3A_68] : memref<10240x64xf32, #tpu.memory_space<vmem_shared>> -> memref<10240x64xf32, #tpu.memory_space<vmem_shared>>
      tpu.enqueue_indirect_dma source(%dma_start3A_69 : memref<10240x64xf32, #tpu.memory_space<vmem_shared>>) target(%dma_start3A_63 : memref<128x64xf32, #tpu.memory_space<vmem>>) offsets(%dma_start3A_66 : memref<128xi32, #tpu.memory_space<vmem>>) semaphore(%arg11 : memref<!tpu.dma_semaphore, #tpu.memory_space<semaphore_mem>>)
      %dma_start3A_70 = arith.constant 1 : i32
      %dma_start3A_71 = arith.constant 1 : i32
      %dma_start3A_72 = arith.constant 0 : i32
      %dma_start3A_73 = arith.constant 0 : i32
      %dma_start3A_74 = tpu.memref_slice %arg8[%dma_start3A_71, %dma_start3A_72, %dma_start3A_73] : memref<4x128x64xf32, #tpu.memory_space<vmem>> -> memref<1x128x64xf32, #tpu.memory_space<vmem>>
      %dma_start3A_75 = tpu.memref_squeeze %dma_start3A_74 : memref<1x128x64xf32, #tpu.memory_space<vmem>> -> memref<128x64xf32, #tpu.memory_space<vmem>>
      %dma_start3A_76 = arith.constant 0 : i32
      %dma_start3A_77 = tpu.memref_slice %arg6[%dma_start3A_70, %dma_start3A_76] : memref<40x128xi32, #tpu.memory_space<vmem>> -> memref<1x128xi32, #tpu.memory_space<vmem>>
      %dma_start3A_78 = tpu.memref_squeeze %dma_start3A_77 : memref<1x128xi32, #tpu.memory_space<vmem>> -> memref<128xi32, #tpu.memory_space<vmem>>
      %dma_start3A_79 = arith.constant 0 : i32
      %dma_start3A_80 = arith.constant 0 : i32
      %dma_start3A_81 = tpu.memref_slice %arg10[%dma_start3A_79, %dma_start3A_80] : memref<10240x64xf32, #tpu.memory_space<vmem_shared>> -> memref<10240x64xf32, #tpu.memory_space<vmem_shared>>
      tpu.enqueue_indirect_dma source(%dma_start3A_81 : memref<10240x64xf32, #tpu.memory_space<vmem_shared>>) target(%dma_start3A_75 : memref<128x64xf32, #tpu.memory_space<vmem>>) offsets(%dma_start3A_78 : memref<128xi32, #tpu.memory_space<vmem>>) semaphore(%arg11 : memref<!tpu.dma_semaphore, #tpu.memory_space<semaphore_mem>>)
      %dma_start3A_82 = arith.constant 2 : i32
      %dma_start3A_83 = arith.constant 2 : i32
      %dma_start3A_84 = arith.constant 0 : i32
      %dma_start3A_85 = arith.constant 0 : i32
      %dma_start3A_86 = tpu.memref_slice %arg8[%dma_start3A_83, %dma_start3A_84, %dma_start3A_85] : memref<4x128x64xf32, #tpu.memory_space<vmem>> -> memref<1x128x64xf32, #tpu.memory_space<vmem>>
      %dma_start3A_87 = tpu.memref_squeeze %dma_start3A_86 : memref<1x128x64xf32, #tpu.memory_space<vmem>> -> memref<128x64xf32, #tpu.memory_space<vmem>>
      %dma_start3A_88 = arith.constant 0 : i32
      %dma_start3A_89 = tpu.memref_slice %arg6[%dma_start3A_82, %dma_start3A_88] : memref<40x128xi32, #tpu.memory_space<vmem>> -> memref<1x128xi32, #tpu.memory_space<vmem>>
      %dma_start3A_90 = tpu.memref_squeeze %dma_start3A_89 : memref<1x128xi32, #tpu.memory_space<vmem>> -> memref<128xi32, #tpu.memory_space<vmem>>
      %dma_start3A_91 = arith.constant 0 : i32
      %dma_start3A_92 = arith.constant 0 : i32
      %dma_start3A_93 = tpu.memref_slice %arg10[%dma_start3A_91, %dma_start3A_92] : memref<10240x64xf32, #tpu.memory_space<vmem_shared>> -> memref<10240x64xf32, #tpu.memory_space<vmem_shared>>
      tpu.enqueue_indirect_dma source(%dma_start3A_93 : memref<10240x64xf32, #tpu.memory_space<vmem_shared>>) target(%dma_start3A_87 : memref<128x64xf32, #tpu.memory_space<vmem>>) offsets(%dma_start3A_90 : memref<128xi32, #tpu.memory_space<vmem>>) semaphore(%arg11 : memref<!tpu.dma_semaphore, #tpu.memory_space<semaphore_mem>>)
      %scan3A_94 = arith.constant 0 : i32
      %scan3A_95 = arith.constant 0 : i32
      %scan3A_96 = arith.constant 40 : i32
      %scan3A_97 = arith.addi %scan3A_95, %scan3A_96 : i32
      %scan3A_98 = arith.constant 1 : i32
      scf.for %scan3A_100 = %scan3A_95 to %scan3A_97 step %scan3A_98  : i32 {
        %rem3A = arith.constant 4 : i32
        %rem3A_101 = arith.remsi %scan3A_100, %rem3A : i32
        %dma_wait3A = arith.constant 0 : i32
        %dma_wait3A_102 = arith.constant 0 : i32
        %dma_wait3A_103 = tpu.memref_slice %arg8[%rem3A_101, %dma_wait3A, %dma_wait3A_102] : memref<4x128x64xf32, #tpu.memory_space<vmem>> -> memref<1x128x64xf32, #tpu.memory_space<vmem>>
        %dma_wait3A_104 = tpu.memref_squeeze %dma_wait3A_103 : memref<1x128x64xf32, #tpu.memory_space<vmem>> -> memref<128x64xf32, #tpu.memory_space<vmem>>
        %dma_wait3A_105 = arith.constant 0 : i32
        %dma_wait3A_106 = tpu.memref_slice %arg6[%scan3A_100, %dma_wait3A_105] : memref<40x128xi32, #tpu.memory_space<vmem>> -> memref<1x128xi32, #tpu.memory_space<vmem>>
        %dma_wait3A_107 = tpu.memref_squeeze %dma_wait3A_106 : memref<1x128xi32, #tpu.memory_space<vmem>> -> memref<128xi32, #tpu.memory_space<vmem>>
        %dma_wait3A_108 = arith.constant 0 : i32
        %dma_wait3A_109 = arith.constant 0 : i32
        %dma_wait3A_110 = tpu.memref_slice %arg10[%dma_wait3A_108, %dma_wait3A_109] : memref<10240x64xf32, #tpu.memory_space<vmem_shared>> -> memref<10240x64xf32, #tpu.memory_space<vmem_shared>>
        tpu.wait_indirect_dma semaphore(%arg11 : memref<!tpu.dma_semaphore, #tpu.memory_space<semaphore_mem>>) src(%dma_wait3A_110 : memref<10240x64xf32, #tpu.memory_space<vmem_shared>>) dst(%dma_wait3A_104 : memref<128x64xf32, #tpu.memory_space<vmem>>)
        %lt3A = arith.constant 37 : i32
        %lt3A_111 = arith.cmpi slt, %scan3A_100, %lt3A : i32
        %convert_element_type3A = arith.extui %lt3A_111 : i1 to i32
        %cond3A = arith.constant 0 : i32
        %cond3A_112 = arith.cmpi ne, %convert_element_type3A, %cond3A : i32
        scf.if %cond3A_112 {
          %add3A_113 = arith.constant 4 : i32
          %add3A_114 = arith.addi %scan3A_100, %add3A_113 : i32
          %sub3A = arith.constant 1 : i32
          %sub3A_115 = arith.subi %add3A_114, %sub3A : i32
          %add3A_116 = arith.constant 4 : i32
          %add3A_117 = arith.addi %scan3A_100, %add3A_116 : i32
          %sub3A_118 = arith.constant 1 : i32
          %sub3A_119 = arith.subi %add3A_117, %sub3A_118 : i32
          %rem3A_120 = arith.constant 4 : i32
          %rem3A_121 = arith.remsi %sub3A_119, %rem3A_120 : i32
          %dma_start3A_122 = arith.constant 0 : i32
          %dma_start3A_123 = arith.constant 0 : i32
          %dma_start3A_124 = tpu.memref_slice %arg8[%rem3A_121, %dma_start3A_122, %dma_start3A_123] : memref<4x128x64xf32, #tpu.memory_space<vmem>> -> memref<1x128x64xf32, #tpu.memory_space<vmem>>
          %dma_start3A_125 = tpu.memref_squeeze %dma_start3A_124 : memref<1x128x64xf32, #tpu.memory_space<vmem>> -> memref<128x64xf32, #tpu.memory_space<vmem>>
          %dma_start3A_126 = arith.constant 0 : i32
          %dma_start3A_127 = tpu.memref_slice %arg6[%sub3A_115, %dma_start3A_126] : memref<40x128xi32, #tpu.memory_space<vmem>> -> memref<1x128xi32, #tpu.memory_space<vmem>>
          %dma_start3A_128 = tpu.memref_squeeze %dma_start3A_127 : memref<1x128xi32, #tpu.memory_space<vmem>> -> memref<128xi32, #tpu.memory_space<vmem>>
          %dma_start3A_129 = arith.constant 0 : i32
          %dma_start3A_130 = arith.constant 0 : i32
          %dma_start3A_131 = tpu.memref_slice %arg10[%dma_start3A_129, %dma_start3A_130] : memref<10240x64xf32, #tpu.memory_space<vmem_shared>> -> memref<10240x64xf32, #tpu.memory_space<vmem_shared>>
          tpu.enqueue_indirect_dma source(%dma_start3A_131 : memref<10240x64xf32, #tpu.memory_space<vmem_shared>>) target(%dma_start3A_125 : memref<128x64xf32, #tpu.memory_space<vmem>>) offsets(%dma_start3A_128 : memref<128xi32, #tpu.memory_space<vmem>>) semaphore(%arg11 : memref<!tpu.dma_semaphore, #tpu.memory_space<semaphore_mem>>)
        } else {
        }
        "tpu.region"() ({
          %run_scoped3A_113 = tpu.sem_alloc : memref<!tpu.dma_semaphore, #tpu.memory_space<semaphore_mem>>
          %dma_start3A_114 = arith.constant 0 : i32
          %dma_start3A_115 = arith.constant 0 : i32
          %dma_start3A_116 = tpu.memref_slice %arg8[%rem3A_101, %dma_start3A_114, %dma_start3A_115] : memref<4x128x64xf32, #tpu.memory_space<vmem>> -> memref<1x128x64xf32, #tpu.memory_space<vmem>>
          %dma_start3A_117 = tpu.memref_squeeze %dma_start3A_116 : memref<1x128x64xf32, #tpu.memory_space<vmem>> -> memref<128x64xf32, #tpu.memory_space<vmem>>
          %dma_start3A_118 = arith.constant 0 : i32
          %dma_start3A_119 = tpu.memref_slice %arg7[%scan3A_100, %dma_start3A_118] : memref<40x128xi32, #tpu.memory_space<vmem>> -> memref<1x128xi32, #tpu.memory_space<vmem>>
          %dma_start3A_120 = tpu.memref_squeeze %dma_start3A_119 : memref<1x128xi32, #tpu.memory_space<vmem>> -> memref<128xi32, #tpu.memory_space<vmem>>
          %dma_start3A_121 = arith.constant 0 : i32
          %dma_start3A_122 = arith.constant 0 : i32
          %dma_start3A_123 = tpu.memref_slice %arg9[%dma_start3A_121, %dma_start3A_122] : memref<10240x64xf32, #tpu.memory_space<vmem_shared>> -> memref<10240x64xf32, #tpu.memory_space<vmem_shared>>
          tpu.enqueue_indirect_dma source(%dma_start3A_117 : memref<128x64xf32, #tpu.memory_space<vmem>>) target(%dma_start3A_123 : memref<10240x64xf32, #tpu.memory_space<vmem_shared>>) offsets(%dma_start3A_120 : memref<128xi32, #tpu.memory_space<vmem>>) semaphore(%run_scoped3A_113 : memref<!tpu.dma_semaphore, #tpu.memory_space<semaphore_mem>>) {add = true}
          %dma_wait3A_124 = arith.constant 0 : i32
          %dma_wait3A_125 = arith.constant 0 : i32
          %dma_wait3A_126 = tpu.memref_slice %arg8[%rem3A_101, %dma_wait3A_124, %dma_wait3A_125] : memref<4x128x64xf32, #tpu.memory_space<vmem>> -> memref<1x128x64xf32, #tpu.memory_space<vmem>>
          %dma_wait3A_127 = tpu.memref_squeeze %dma_wait3A_126 : memref<1x128x64xf32, #tpu.memory_space<vmem>> -> memref<128x64xf32, #tpu.memory_space<vmem>>
          %dma_wait3A_128 = arith.constant 0 : i32
          %dma_wait3A_129 = tpu.memref_slice %arg7[%scan3A_100, %dma_wait3A_128] : memref<40x128xi32, #tpu.memory_space<vmem>> -> memref<1x128xi32, #tpu.memory_space<vmem>>
          %dma_wait3A_130 = tpu.memref_squeeze %dma_wait3A_129 : memref<1x128xi32, #tpu.memory_space<vmem>> -> memref<128xi32, #tpu.memory_space<vmem>>
          %dma_wait3A_131 = arith.constant 0 : i32
          %dma_wait3A_132 = arith.constant 0 : i32
          %dma_wait3A_133 = tpu.memref_slice %arg9[%dma_wait3A_131, %dma_wait3A_132] : memref<10240x64xf32, #tpu.memory_space<vmem_shared>> -> memref<10240x64xf32, #tpu.memory_space<vmem_shared>>
          tpu.wait_indirect_dma semaphore(%run_scoped3A_113 : memref<!tpu.dma_semaphore, #tpu.memory_space<semaphore_mem>>) src(%dma_wait3A_127 : memref<128x64xf32, #tpu.memory_space<vmem>>) dst(%dma_wait3A_133 : memref<10240x64xf32, #tpu.memory_space<vmem_shared>>)
          tpu.yield
        }) : () -> ()
      }
      %scan3A_99 = arith.constant 40 : i32
    }
    %barrier3A_47 = arith.constant 0 : index
    tpu.barrier barrier_id(%barrier3A_47)
    %mul3A_48 = arith.constant 640 : i32
    %mul3A_49 = arith.muli %arg1, %mul3A_48 : i32
    %mul3A_50 = arith.constant 640 : i32
    %mul3A_51 = arith.muli %arg1, %mul3A_50 : i32
    "tpu.region"() ({
      %run_scoped3A_52 = tpu.sem_alloc : memref<!tpu.dma_semaphore, #tpu.memory_space<semaphore_mem>>
      %dma_start3A = arith.constant 0 : i32
      %dma_start3A_53 = tpu.memref_slice %arg5[%arg0, %mul3A_51, %dma_start3A] : memref<2x10240x128xf32, #tpu.memory_space<hbm>> -> memref<1x640x64xf32, #tpu.memory_space<hbm>>
      %dma_start3A_54 = tpu.memref_squeeze %dma_start3A_53 : memref<1x640x64xf32, #tpu.memory_space<hbm>> -> memref<640x64xf32, #tpu.memory_space<hbm>>
      %dma_start3A_55 = arith.constant 0 : i32
      %dma_start3A_56 = tpu.memref_slice %arg9[%mul3A_49, %dma_start3A_55] : memref<10240x64xf32, #tpu.memory_space<vmem_shared>> -> memref<640x64xf32, #tpu.memory_space<vmem_shared>>
      tpu.enqueue_dma source(%dma_start3A_56 : memref<640x64xf32, #tpu.memory_space<vmem_shared>>) target(%dma_start3A_54 : memref<640x64xf32, #tpu.memory_space<hbm>>) target_semaphore(%run_scoped3A_52 : memref<!tpu.dma_semaphore, #tpu.memory_space<semaphore_mem>>)
      %dma_wait3A = arith.constant 0 : i32
      %dma_wait3A_57 = tpu.memref_slice %arg5[%arg0, %mul3A_51, %dma_wait3A] : memref<2x10240x128xf32, #tpu.memory_space<hbm>> -> memref<1x640x64xf32, #tpu.memory_space<hbm>>
      %dma_wait3A_58 = tpu.memref_squeeze %dma_wait3A_57 : memref<1x640x64xf32, #tpu.memory_space<hbm>> -> memref<640x64xf32, #tpu.memory_space<hbm>>
      %dma_wait3A_59 = arith.constant 0 : i32
      %dma_wait3A_60 = tpu.memref_slice %arg9[%mul3A_49, %dma_wait3A_59] : memref<10240x64xf32, #tpu.memory_space<vmem_shared>> -> memref<640x64xf32, #tpu.memory_space<vmem_shared>>
      tpu.wait_dma2 semaphore(%run_scoped3A_52 : memref<!tpu.dma_semaphore, #tpu.memory_space<semaphore_mem>>) src(%dma_wait3A_60 : memref<640x64xf32, #tpu.memory_space<vmem_shared>>) dst(%dma_wait3A_58 : memref<640x64xf32, #tpu.memory_space<hbm>>)
      tpu.yield
    }) : () -> ()
    return
  }
}

module attributes {stable_mosaic.version = 14 : i64} {
  func.func @_k1a_body(%arg0: i32, %arg1: memref<1024x128xf32, #tpu.memory_space<vmem>>, %arg2: memref<128x128xf32, #tpu.memory_space<vmem>>, %arg3: memref<1024x128xf32, #tpu.memory_space<vmem>>) attributes {dimension_semantics = [#tpu.dimension_semantics<arbitrary>], iteration_bounds = array<i64: 10>, scalar_prefetch = 0 : i64, scratch_operands = 0 : i64, tpu.core_type = #tpu.core_type<tc>, window_params = [{transform_indices = @transform_0, window_bounds = array<i64: 1024, 128>}, {pipeline_mode = #tpu.pipeline_mode<synchronous>, transform_indices = @transform_1, window_bounds = array<i64: 128, 128>}, {transform_indices = @transform_2, window_bounds = array<i64: 1024, 128>}]} {
    %get3A = arith.constant 0 : index
    %get3A_0 = arith.constant 0 : index
    %get3A_1 = vector.load %arg1[%get3A, %get3A_0] : memref<1024x128xf32, #tpu.memory_space<vmem>>, vector<1024x128xf32>
    %get3A_2 = arith.constant 0 : index
    %get3A_3 = arith.constant 0 : index
    %get3A_4 = vector.load %arg2[%get3A_2, %get3A_3] : memref<128x128xf32, #tpu.memory_space<vmem>>, vector<128x128xf32>
    %dot_general3A = arith.constant dense<0.000000e+00> : vector<1024x128xf32>
    %dot_general3A_5 = tpu.matmul %get3A_1, %get3A_4, %dot_general3A {dimension_numbers = #tpu.dot_dimension_numbers<[1], [0], [0], [1], [0, 0, 1, 1], [], []>, transpose_lhs_hint = false} : vector<1024x128xf32>, vector<128x128xf32>, vector<1024x128xf32> -> vector<1024x128xf32>
    %swap3A = arith.constant 0 : index
    %swap3A_6 = arith.constant 0 : index
    %swap3A_7 = vector.load %arg3[%swap3A, %swap3A_6] : memref<1024x128xf32, #tpu.memory_space<vmem>>, vector<1024x128xf32>
    tpu.vector_store %arg3[%swap3A, %swap3A_6], %dot_general3A_5 {strides = array<i32>} : memref<1024x128xf32, #tpu.memory_space<vmem>>, vector<1024x128xf32>,
    return
  }
  func.func @transform_0(%arg0: i32) -> (i32, i32) {
    %c0_i32 = arith.constant 0 : i32
    %c0_i32_0 = arith.constant 0 : i32
    return %arg0, %c0_i32 : i32, i32
  }
  func.func @transform_1(%arg0: i32) -> (i32, i32) {
    %c0_i32 = arith.constant 0 : i32
    %c0_i32_0 = arith.constant 0 : i32
    %c0_i32_1 = arith.constant 0 : i32
    return %c0_i32, %c0_i32_0 : i32, i32
  }
  func.func @transform_2(%arg0: i32) -> (i32, i32) {
    %c0_i32 = arith.constant 0 : i32
    %c0_i32_0 = arith.constant 0 : i32
    return %arg0, %c0_i32 : i32, i32
  }
}

module attributes {stable_mosaic.version = 14 : i64} {
  func.func @_k1b_body(%arg0: i32, %arg1: memref<2x1024x16xf32, #tpu.memory_space<vmem>>, %arg2: memref<1024x128xf32, #tpu.memory_space<vmem>>, %arg3: memref<1024x128xf32, #tpu.memory_space<vmem>>, %arg4: memref<1x1x1024xf32, #tpu.memory_space<vmem>>) attributes {dimension_semantics = [#tpu.dimension_semantics<arbitrary>], iteration_bounds = array<i64: 10>, scalar_prefetch = 0 : i64, scratch_operands = 0 : i64, tpu.core_type = #tpu.core_type<tc>, window_params = [{transform_indices = @transform_0, window_bounds = array<i64: 2, 1024, 16>}, {transform_indices = @transform_1, window_bounds = array<i64: 1024, 128>}, {transform_indices = @transform_2, window_bounds = array<i64: 1024, 128>}, {transform_indices = @transform_3, window_bounds = array<i64: 1, 1, 1024>}]} {
    %get3A = arith.constant 0 : index
    %get3A_0 = arith.constant 0 : index
    %get3A_1 = arith.constant 0 : index
    %get3A_2 = vector.load %arg1[%get3A, %get3A_0, %get3A_1] : memref<2x1024x16xf32, #tpu.memory_space<vmem>>, vector<2x1024x16xf32>
    %slice3A = vector.extract_strided_slice %get3A_2 {offsets = [0, 0, 0], sizes = [1, 1024, 16], strides = [1, 1, 1]} : vector<2x1024x16xf32> to vector<1x1024x16xf32>
    %squeeze3A = vector.shape_cast %slice3A : vector<1x1024x16xf32> to vector<1024x16xf32>
    %slice3A_3 = vector.extract_strided_slice %get3A_2 {offsets = [1, 0, 0], sizes = [1, 1024, 16], strides = [1, 1, 1]} : vector<2x1024x16xf32> to vector<1x1024x16xf32>
    %squeeze3A_4 = vector.shape_cast %slice3A_3 : vector<1x1024x16xf32> to vector<1024x16xf32>
    %add3A = arith.addf %squeeze3A, %squeeze3A_4 : vector<1024x16xf32>
    %reduce_sum3A = arith.constant dense<0.000000e+00> : vector<1024xf32>
    %reduce_sum3A_5 = vector.multi_reduction <add>, %add3A, %reduce_sum3A [1] : vector<1024x16xf32> to vector<1024xf32>
    %mul3A = arith.constant 6.250000e-02 : f32
    %mul3A_6 = vector.broadcast %mul3A : f32 to vector<1024xf32>
    %mul3A_7 = arith.mulf %reduce_sum3A_5, %mul3A_6 : vector<1024xf32>
    %add3A_8 = arith.constant 1.000000e+00 : f32
    %add3A_9 = vector.broadcast %add3A_8 : f32 to vector<1024xf32>
    %add3A_10 = arith.addf %mul3A_7, %add3A_9 : vector<1024xf32>
    %rsqrt3A = math.rsqrt %add3A_10 : vector<1024xf32>
    %get3A_11 = arith.constant 0 : index
    %get3A_12 = arith.constant 0 : index
    %get3A_13 = vector.load %arg2[%get3A_11, %get3A_12] : memref<1024x128xf32, #tpu.memory_space<vmem>>, vector<1024x128xf32>
    %broadcast_in_dim3A = vector.shape_cast %rsqrt3A : vector<1024xf32> to vector<1024x1xf32>
    %mul3A_14 = vector.broadcast %broadcast_in_dim3A : vector<1024x1xf32> to vector<1024x128xf32>
    %mul3A_15 = arith.mulf %get3A_13, %mul3A_14 : vector<1024x128xf32>
    %swap3A = arith.constant 0 : index
    %swap3A_16 = arith.constant 0 : index
    %swap3A_17 = vector.load %arg3[%swap3A, %swap3A_16] : memref<1024x128xf32, #tpu.memory_space<vmem>>, vector<1024x128xf32>
    tpu.vector_store %arg3[%swap3A, %swap3A_16], %mul3A_15 {strides = array<i32>} : memref<1024x128xf32, #tpu.memory_space<vmem>>, vector<1024x128xf32>,
    %swap3A_18 = arith.constant 0 : index
    %swap3A_19 = arith.constant 0 : index
    %swap3A_20 = arith.constant 0 : index
    %swap3A_21 = vector.load %arg4[%swap3A_18, %swap3A_19, %swap3A_20] : memref<1x1x1024xf32, #tpu.memory_space<vmem>>, vector<1x1x1024xf32>
    %swap3A_22 = vector.shape_cast %swap3A_21 : vector<1x1x1024xf32> to vector<1024xf32>
    %swap3A_23 = vector.shape_cast %rsqrt3A : vector<1024xf32> to vector<1x1x1024xf32>
    tpu.vector_store %arg4[%swap3A_18, %swap3A_19, %swap3A_20], %swap3A_23 {strides = array<i32>} : memref<1x1x1024xf32, #tpu.memory_space<vmem>>, vector<1x1x1024xf32>,
    return
  }
  func.func @transform_0(%arg0: i32) -> (i32, i32, i32) {
    %c0_i32 = arith.constant 0 : i32
    %c0_i32_0 = arith.constant 0 : i32
    %c0_i32_1 = arith.constant 0 : i32
    return %c0_i32, %arg0, %c0_i32_0 : i32, i32, i32
  }
  func.func @transform_1(%arg0: i32) -> (i32, i32) {
    %c0_i32 = arith.constant 0 : i32
    %c0_i32_0 = arith.constant 0 : i32
    return %arg0, %c0_i32 : i32, i32
  }
  func.func @transform_2(%arg0: i32) -> (i32, i32) {
    %c0_i32 = arith.constant 0 : i32
    %c0_i32_0 = arith.constant 0 : i32
    return %arg0, %c0_i32 : i32, i32
  }
  func.func @transform_3(%arg0: i32) -> (i32, i32, i32) {
    %c0_i32 = arith.constant 0 : i32
    %c0_i32_0 = arith.constant 0 : i32
    %c0_i32_1 = arith.constant 0 : i32
    return %arg0, %c0_i32, %c0_i32_0 : i32, i32, i32
  }
}

module attributes {stable_mosaic.version = 14 : i64} {
  func.func @_k3_body(%arg0: i32, %arg1: memref<2x1024x128xf32, #tpu.memory_space<vmem>>, %arg2: memref<1024x128xf32, #tpu.memory_space<vmem>>, %arg3: memref<1x1x1024xf32, #tpu.memory_space<vmem>>, %arg4: memref<1x128xf32, #tpu.memory_space<vmem>>, %arg5: memref<128x64xf32, #tpu.memory_space<vmem>>, %arg6: memref<1024x128xf32, #tpu.memory_space<vmem>>) attributes {dimension_semantics = [#tpu.dimension_semantics<arbitrary>], iteration_bounds = array<i64: 10>, scalar_prefetch = 0 : i64, scratch_operands = 0 : i64, tpu.core_type = #tpu.core_type<tc>, window_params = [{transform_indices = @transform_0, window_bounds = array<i64: 2, 1024, 128>}, {transform_indices = @transform_1, window_bounds = array<i64: 1024, 128>}, {transform_indices = @transform_2, window_bounds = array<i64: 1, 1, 1024>}, {pipeline_mode = #tpu.pipeline_mode<synchronous>, transform_indices = @transform_3, window_bounds = array<i64: 1, 128>}, {pipeline_mode = #tpu.pipeline_mode<synchronous>, transform_indices = @transform_4, window_bounds = array<i64: 128, 64>}, {transform_indices = @transform_5, window_bounds = array<i64: 1024, 128>}]} {
    %get3A = arith.constant 0 : index
    %get3A_0 = arith.constant 0 : index
    %get3A_1 = arith.constant 0 : index
    %get3A_2 = vector.load %arg3[%get3A, %get3A_0, %get3A_1] : memref<1x1x1024xf32, #tpu.memory_space<vmem>>, vector<1x1x1024xf32>
    %get3A_3 = vector.shape_cast %get3A_2 : vector<1x1x1024xf32> to vector<1024xf32>
    %get3A_4 = arith.constant 0 : index
    %get3A_5 = arith.constant 0 : index
    %get3A_6 = arith.constant 0 : index
    %get3A_7 = vector.load %arg1[%get3A_4, %get3A_5, %get3A_6] : memref<2x1024x128xf32, #tpu.memory_space<vmem>>, vector<1x1024x128xf32>
    %get3A_8 = vector.shape_cast %get3A_7 : vector<1x1024x128xf32> to vector<1024x128xf32>
    %get3A_9 = arith.constant 1 : index
    %get3A_10 = arith.constant 0 : index
    %get3A_11 = arith.constant 0 : index
    %get3A_12 = vector.load %arg1[%get3A_9, %get3A_10, %get3A_11] : memref<2x1024x128xf32, #tpu.memory_space<vmem>>, vector<1x1024x128xf32>
    %get3A_13 = vector.shape_cast %get3A_12 : vector<1x1024x128xf32> to vector<1024x128xf32>
    %add3A = arith.addf %get3A_8, %get3A_13 : vector<1024x128xf32>
    %get3A_14 = arith.constant 0 : index
    %get3A_15 = arith.constant 0 : index
    %get3A_16 = vector.load %arg2[%get3A_14, %get3A_15] : memref<1024x128xf32, #tpu.memory_space<vmem>>, vector<1024x128xf32>
    %add3A_17 = arith.addf %add3A, %get3A_16 : vector<1024x128xf32>
    %broadcast_in_dim3A = vector.shape_cast %get3A_3 : vector<1024xf32> to vector<1024x1xf32>
    %mul3A = vector.broadcast %broadcast_in_dim3A : vector<1024x1xf32> to vector<1024x128xf32>
    %mul3A_18 = arith.mulf %mul3A, %add3A_17 : vector<1024x128xf32>
    %get3A_19 = arith.constant 0 : index
    %get3A_20 = arith.constant 0 : index
    %get3A_21 = vector.load %arg4[%get3A_19, %get3A_20] : memref<1x128xf32, #tpu.memory_space<vmem>>, vector<1x128xf32>
    %add3A_22 = vector.broadcast %get3A_21 : vector<1x128xf32> to vector<1024x128xf32>
    %add3A_23 = arith.addf %mul3A_18, %add3A_22 : vector<1024x128xf32>
    %max3A = arith.constant 0.000000e+00 : f32
    %max3A_24 = vector.broadcast %max3A : f32 to vector<1024x128xf32>
    %max3A_25 = arith.maximumf %add3A_23, %max3A_24 : vector<1024x128xf32>
    %get3A_26 = arith.constant 0 : index
    %get3A_27 = arith.constant 0 : index
    %get3A_28 = vector.load %arg5[%get3A_26, %get3A_27] : memref<128x64xf32, #tpu.memory_space<vmem>>, vector<128x64xf32>
    %dot_general3A = arith.constant dense<0.000000e+00> : vector<1024x64xf32>
    %dot_general3A_29 = tpu.matmul %max3A_25, %get3A_28, %dot_general3A {dimension_numbers = #tpu.dot_dimension_numbers<[1], [0], [0], [1], [0, 0, 1, 1], [], []>, transpose_lhs_hint = false} : vector<1024x128xf32>, vector<128x64xf32>, vector<1024x64xf32> -> vector<1024x64xf32>
    %broadcast_in_dim3A_30 = vector.shape_cast %get3A_3 : vector<1024xf32> to vector<1024x1xf32>
    %mul3A_31 = vector.broadcast %broadcast_in_dim3A_30 : vector<1024x1xf32> to vector<1024x64xf32>
    %mul3A_32 = arith.mulf %dot_general3A_29, %mul3A_31 : vector<1024x64xf32>
    %broadcast_in_dim3A_33 = arith.constant 0.000000e+00 : f32
    %broadcast_in_dim3A_34 = vector.broadcast %broadcast_in_dim3A_33 : f32 to vector<1024x64xf32>
    %concatenate3A = tpu.concatenate %mul3A_32, %broadcast_in_dim3A_34 in 1 : vector<1024x64xf32>, vector<1024x64xf32> -> vector<1024x128xf32>
    %swap3A = arith.constant 0 : index
    %swap3A_35 = arith.constant 0 : index
    %swap3A_36 = vector.load %arg6[%swap3A, %swap3A_35] : memref<1024x128xf32, #tpu.memory_space<vmem>>, vector<1024x128xf32>
    tpu.vector_store %arg6[%swap3A, %swap3A_35], %concatenate3A {strides = array<i32>} : memref<1024x128xf32, #tpu.memory_space<vmem>>, vector<1024x128xf32>,
    return
  }
  func.func @transform_0(%arg0: i32) -> (i32, i32, i32) {
    %c0_i32 = arith.constant 0 : i32
    %c0_i32_0 = arith.constant 0 : i32
    %c0_i32_1 = arith.constant 0 : i32
    return %c0_i32, %arg0, %c0_i32_0 : i32, i32, i32
  }
  func.func @transform_1(%arg0: i32) -> (i32, i32) {
    %c0_i32 = arith.constant 0 : i32
    %c0_i32_0 = arith.constant 0 : i32
    return %arg0, %c0_i32 : i32, i32
  }
  func.func @transform_2(%arg0: i32) -> (i32, i32, i32) {
    %c0_i32 = arith.constant 0 : i32
    %c0_i32_0 = arith.constant 0 : i32
    %c0_i32_1 = arith.constant 0 : i32
    return %arg0, %c0_i32, %c0_i32_0 : i32, i32, i32
  }
  func.func @transform_3(%arg0: i32) -> (i32, i32) {
    %c0_i32 = arith.constant 0 : i32
    %c0_i32_0 = arith.constant 0 : i32
    %c0_i32_1 = arith.constant 0 : i32
    return %c0_i32, %c0_i32_0 : i32, i32
  }
  func.func @transform_4(%arg0: i32) -> (i32, i32) {
    %c0_i32 = arith.constant 0 : i32
    %c0_i32_0 = arith.constant 0 : i32
    %c0_i32_1 = arith.constant 0 : i32
    return %c0_i32, %c0_i32_0 : i32, i32
  }
  func.func @transform_5(%arg0: i32) -> (i32, i32) {
    %c0_i32 = arith.constant 0 : i32
    %c0_i32_0 = arith.constant 0 : i32
    return %arg0, %c0_i32 : i32, i32
  }
}

module attributes {stable_mosaic.version = 14 : i64} {
  func.func @_k5_body(%arg0: i32, %arg1: memref<2x1024x128xf32, #tpu.memory_space<vmem>>, %arg2: memref<1024x128xf32, #tpu.memory_space<vmem>>, %arg3: memref<1x1x1024xf32, #tpu.memory_space<vmem>>, %arg4: memref<1x64xf32, #tpu.memory_space<vmem>>, %arg5: memref<1x1x1024xi32, #tpu.memory_space<vmem>>, %arg6: memref<64x32xf32, #tpu.memory_space<vmem>>, %arg7: memref<1x32xf32, #tpu.memory_space<vmem>>, %arg8: memref<32x4xf32, #tpu.memory_space<vmem>>, %arg9: memref<1x4xf32, #tpu.memory_space<vmem>>, %arg10: memref<128x4xf32, #tpu.memory_space<vmem>>, %arg11: memref<128x64xf32, #tpu.memory_space<vmem>>, %arg12: memref<128x64xf32, #tpu.memory_space<vmem>>) attributes {dimension_semantics = [#tpu.dimension_semantics<arbitrary>], iteration_bounds = array<i64: 10>, scalar_prefetch = 0 : i64, scratch_operands = 2 : i64, tpu.core_type = #tpu.core_type<tc>, window_params = [{transform_indices = @transform_0, window_bounds = array<i64: 2, 1024, 128>}, {transform_indices = @transform_1, window_bounds = array<i64: 1024, 128>}, {transform_indices = @transform_2, window_bounds = array<i64: 1, 1, 1024>}, {pipeline_mode = #tpu.pipeline_mode<synchronous>, transform_indices = @transform_3, window_bounds = array<i64: 1, 64>}, {transform_indices = @transform_4, window_bounds = array<i64: 1, 1, 1024>}, {pipeline_mode = #tpu.pipeline_mode<synchronous>, transform_indices = @transform_5, window_bounds = array<i64: 64, 32>}, {pipeline_mode = #tpu.pipeline_mode<synchronous>, transform_indices = @transform_6, window_bounds = array<i64: 1, 32>}, {pipeline_mode = #tpu.pipeline_mode<synchronous>, transform_indices = @transform_7, window_bounds = array<i64: 32, 4>}, {pipeline_mode = #tpu.pipeline_mode<synchronous>, transform_indices = @transform_8, window_bounds = array<i64: 1, 4>}, {pipeline_mode = #tpu.pipeline_mode<synchronous>, transform_indices = @transform_9, window_bounds = array<i64: 128, 4>}]} {
    %eq3A = arith.constant 0 : i32
    %eq3A_0 = arith.cmpi eq, %arg0, %eq3A : i32
    %convert_element_type3A = arith.extui %eq3A_0 : i1 to i32
    %cond3A = arith.constant 0 : i32
    %cond3A_1 = arith.cmpi ne, %convert_element_type3A, %cond3A : i32
    scf.if %cond3A_1 {
      %broadcast_in_dim3A_60 = arith.constant 0.000000e+00 : f32
      %broadcast_in_dim3A_61 = vector.broadcast %broadcast_in_dim3A_60 : f32 to vector<128x64xf32>
      %swap3A_62 = arith.constant 0 : index
      %swap3A_63 = arith.constant 0 : index
      %swap3A_64 = vector.load %arg11[%swap3A_62, %swap3A_63] : memref<128x64xf32, #tpu.memory_space<vmem>>, vector<128x64xf32>
      tpu.vector_store %arg11[%swap3A_62, %swap3A_63], %broadcast_in_dim3A_61 {strides = array<i32>} : memref<128x64xf32, #tpu.memory_space<vmem>>, vector<128x64xf32>,
      %broadcast_in_dim3A_65 = arith.constant 0.000000e+00 : f32
      %broadcast_in_dim3A_66 = vector.broadcast %broadcast_in_dim3A_65 : f32 to vector<128x64xf32>
      %swap3A_67 = arith.constant 0 : index
      %swap3A_68 = arith.constant 0 : index
      %swap3A_69 = vector.load %arg12[%swap3A_67, %swap3A_68] : memref<128x64xf32, #tpu.memory_space<vmem>>, vector<128x64xf32>
      tpu.vector_store %arg12[%swap3A_67, %swap3A_68], %broadcast_in_dim3A_66 {strides = array<i32>} : memref<128x64xf32, #tpu.memory_space<vmem>>, vector<128x64xf32>,
    } else {
    }
    %get3A = arith.constant 0 : index
    %get3A_2 = arith.constant 0 : index
    %get3A_3 = arith.constant 0 : index
    %get3A_4 = vector.load %arg3[%get3A, %get3A_2, %get3A_3] : memref<1x1x1024xf32, #tpu.memory_space<vmem>>, vector<1x1x1024xf32>
    %get3A_5 = vector.shape_cast %get3A_4 : vector<1x1x1024xf32> to vector<1024xf32>
    %get3A_6 = arith.constant 0 : index
    %get3A_7 = arith.constant 0 : index
    %get3A_8 = arith.constant 0 : index
    %get3A_9 = vector.load %arg1[%get3A_6, %get3A_7, %get3A_8] : memref<2x1024x128xf32, #tpu.memory_space<vmem>>, vector<1x1024x128xf32>
    %get3A_10 = vector.shape_cast %get3A_9 : vector<1x1024x128xf32> to vector<1024x128xf32>
    %get3A_11 = arith.constant 1 : index
    %get3A_12 = arith.constant 0 : index
    %get3A_13 = arith.constant 0 : index
    %get3A_14 = vector.load %arg1[%get3A_11, %get3A_12, %get3A_13] : memref<2x1024x128xf32, #tpu.memory_space<vmem>>, vector<1x1024x128xf32>
    %get3A_15 = vector.shape_cast %get3A_14 : vector<1x1024x128xf32> to vector<1024x128xf32>
    %add3A = arith.addf %get3A_10, %get3A_15 : vector<1024x128xf32>
    %get3A_16 = arith.constant 0 : index
    %get3A_17 = arith.constant 0 : index
    %get3A_18 = vector.load %arg2[%get3A_16, %get3A_17] : memref<1024x128xf32, #tpu.memory_space<vmem>>, vector<1024x128xf32>
    %add3A_19 = arith.addf %add3A, %get3A_18 : vector<1024x128xf32>
    %slice3A = vector.extract_strided_slice %add3A_19 {offsets = [0, 0], sizes = [1024, 64], strides = [1, 1]} : vector<1024x128xf32> to vector<1024x64xf32>
    %broadcast_in_dim3A = vector.shape_cast %get3A_5 : vector<1024xf32> to vector<1024x1xf32>
    %mul3A = vector.broadcast %broadcast_in_dim3A : vector<1024x1xf32> to vector<1024x64xf32>
    %mul3A_20 = arith.mulf %mul3A, %slice3A : vector<1024x64xf32>
    %get3A_21 = arith.constant 0 : index
    %get3A_22 = arith.constant 0 : index
    %get3A_23 = vector.load %arg4[%get3A_21, %get3A_22] : memref<1x64xf32, #tpu.memory_space<vmem>>, vector<1x64xf32>
    %add3A_24 = vector.broadcast %get3A_23 : vector<1x64xf32> to vector<1024x64xf32>
    %add3A_25 = arith.addf %mul3A_20, %add3A_24 : vector<1024x64xf32>
    %max3A = arith.constant 0.000000e+00 : f32
    %max3A_26 = vector.broadcast %max3A : f32 to vector<1024x64xf32>
    %max3A_27 = arith.maximumf %add3A_25, %max3A_26 : vector<1024x64xf32>
    %get3A_28 = arith.constant 0 : index
    %get3A_29 = arith.constant 0 : index
    %get3A_30 = arith.constant 0 : index
    %get3A_31 = vector.load %arg5[%get3A_28, %get3A_29, %get3A_30] : memref<1x1x1024xi32, #tpu.memory_space<vmem>>, vector<1x1x1024xi32>
    %get3A_32 = vector.shape_cast %get3A_31 : vector<1x1x1024xi32> to vector<1024xi32>
    %iota3A = tpu.iota {dimensions = array<i32: 0>} : vector<128x1024xi32>
    %broadcast_in_dim3A_33 = vector.shape_cast %get3A_32 : vector<1024xi32> to vector<1x1024xi32>
    %eq3A_34 = vector.broadcast %broadcast_in_dim3A_33 : vector<1x1024xi32> to vector<128x1024xi32>
    %eq3A_35 = arith.cmpi eq, %iota3A, %eq3A_34 : vector<128x1024xi32>
    %convert_element_type3A_36 = arith.extui %eq3A_35 : vector<128x1024xi1> to vector<128x1024xi32>
    %convert_element_type3A_37 = arith.sitofp %convert_element_type3A_36 : vector<128x1024xi32> to vector<128x1024xf32>
    %get3A_38 = arith.constant 0 : index
    %get3A_39 = arith.constant 0 : index
    %get3A_40 = vector.load %arg11[%get3A_38, %get3A_39] : memref<128x64xf32, #tpu.memory_space<vmem>>, vector<128x64xf32>
    %dot_general3A = arith.constant dense<0.000000e+00> : vector<128x64xf32>
    %dot_general3A_41 = tpu.matmul %convert_element_type3A_37, %max3A_27, %dot_general3A {dimension_numbers = #tpu.dot_dimension_numbers<[1], [0], [0], [1], [0, 0, 1, 1], [], []>, transpose_lhs_hint = false} : vector<128x1024xf32>, vector<1024x64xf32>, vector<128x64xf32> -> vector<128x64xf32>
    %add3A_42 = arith.addf %get3A_40, %dot_general3A_41 : vector<128x64xf32>
    %swap3A = arith.constant 0 : index
    %swap3A_43 = arith.constant 0 : index
    %swap3A_44 = vector.load %arg11[%swap3A, %swap3A_43] : memref<128x64xf32, #tpu.memory_space<vmem>>, vector<128x64xf32>
    tpu.vector_store %arg11[%swap3A, %swap3A_43], %add3A_42 {strides = array<i32>} : memref<128x64xf32, #tpu.memory_space<vmem>>, vector<128x64xf32>,
    %get3A_45 = arith.constant 0 : index
    %get3A_46 = arith.constant 0 : index
    %get3A_47 = vector.load %arg12[%get3A_45, %get3A_46] : memref<128x64xf32, #tpu.memory_space<vmem>>, vector<128x64xf32>
    %reduce_sum3A = arith.constant dense<0.000000e+00> : vector<128xf32>
    %reduce_sum3A_48 = vector.multi_reduction <add>, %convert_element_type3A_37, %reduce_sum3A [1] : vector<128x1024xf32> to vector<128xf32>
    %broadcast_in_dim3A_49 = vector.shape_cast %reduce_sum3A_48 : vector<128xf32> to vector<128x1xf32>
    %add3A_50 = vector.broadcast %broadcast_in_dim3A_49 : vector<128x1xf32> to vector<128x64xf32>
    %add3A_51 = arith.addf %get3A_47, %add3A_50 : vector<128x64xf32>
    %swap3A_52 = arith.constant 0 : index
    %swap3A_53 = arith.constant 0 : index
    %swap3A_54 = vector.load %arg12[%swap3A_52, %swap3A_53] : memref<128x64xf32, #tpu.memory_space<vmem>>, vector<128x64xf32>
    tpu.vector_store %arg12[%swap3A_52, %swap3A_53], %add3A_51 {strides = array<i32>} : memref<128x64xf32, #tpu.memory_space<vmem>>, vector<128x64xf32>,
    %eq3A_55 = arith.constant 9 : i32
    %eq3A_56 = arith.cmpi eq, %arg0, %eq3A_55 : i32
    %convert_element_type3A_57 = arith.extui %eq3A_56 : i1 to i32
    %cond3A_58 = arith.constant 0 : i32
    %cond3A_59 = arith.cmpi ne, %convert_element_type3A_57, %cond3A_58 : i32
    scf.if %cond3A_59 {
      %get3A_60 = arith.constant 0 : index
      %get3A_61 = arith.constant 0 : index
      %get3A_62 = vector.load %arg11[%get3A_60, %get3A_61] : memref<128x64xf32, #tpu.memory_space<vmem>>, vector<128x64xf32>
      %get3A_63 = arith.constant 0 : index
      %get3A_64 = arith.constant 0 : index
      %get3A_65 = vector.load %arg12[%get3A_63, %get3A_64] : memref<128x64xf32, #tpu.memory_space<vmem>>, vector<128x64xf32>
      %max3A_66 = arith.constant 1.000000e+00 : f32
      %max3A_67 = vector.broadcast %max3A_66 : f32 to vector<128x64xf32>
      %max3A_68 = arith.maximumf %get3A_65, %max3A_67 : vector<128x64xf32>
      %div3A = arith.divf %get3A_62, %max3A_68 : vector<128x64xf32>
      %get3A_69 = arith.constant 0 : index
      %get3A_70 = arith.constant 0 : index
      %get3A_71 = vector.load %arg6[%get3A_69, %get3A_70] : memref<64x32xf32, #tpu.memory_space<vmem>>, vector<64x32xf32>
      %dot_general3A_72 = arith.constant dense<0.000000e+00> : vector<128x32xf32>
      %dot_general3A_73 = tpu.matmul %div3A, %get3A_71, %dot_general3A_72 {dimension_numbers = #tpu.dot_dimension_numbers<[1], [0], [0], [1], [0, 0, 1, 1], [], []>, transpose_lhs_hint = false} : vector<128x64xf32>, vector<64x32xf32>, vector<128x32xf32> -> vector<128x32xf32>
      %get3A_74 = arith.constant 0 : index
      %get3A_75 = arith.constant 0 : index
      %get3A_76 = vector.load %arg7[%get3A_74, %get3A_75] : memref<1x32xf32, #tpu.memory_space<vmem>>, vector<1x32xf32>
      %add3A_77 = vector.broadcast %get3A_76 : vector<1x32xf32> to vector<128x32xf32>
      %add3A_78 = arith.addf %dot_general3A_73, %add3A_77 : vector<128x32xf32>
      %max3A_79 = arith.constant 0.000000e+00 : f32
      %max3A_80 = vector.broadcast %max3A_79 : f32 to vector<128x32xf32>
      %max3A_81 = arith.maximumf %add3A_78, %max3A_80 : vector<128x32xf32>
      %get3A_82 = arith.constant 0 : index
      %get3A_83 = arith.constant 0 : index
      %get3A_84 = vector.load %arg8[%get3A_82, %get3A_83] : memref<32x4xf32, #tpu.memory_space<vmem>>, vector<32x4xf32>
      %dot_general3A_85 = arith.constant dense<0.000000e+00> : vector<128x4xf32>
      %dot_general3A_86 = tpu.matmul %max3A_81, %get3A_84, %dot_general3A_85 {dimension_numbers = #tpu.dot_dimension_numbers<[1], [0], [0], [1], [0, 0, 1, 1], [], []>, transpose_lhs_hint = false} : vector<128x32xf32>, vector<32x4xf32>, vector<128x4xf32> -> vector<128x4xf32>
      %get3A_87 = arith.constant 0 : index
      %get3A_88 = arith.constant 0 : index
      %get3A_89 = vector.load %arg9[%get3A_87, %get3A_88] : memref<1x4xf32, #tpu.memory_space<vmem>>, vector<1x4xf32>
      %add3A_90 = vector.broadcast %get3A_89 : vector<1x4xf32> to vector<128x4xf32>
      %add3A_91 = arith.addf %dot_general3A_86, %add3A_90 : vector<128x4xf32>
      %swap3A_92 = arith.constant 0 : index
      %swap3A_93 = arith.constant 0 : index
      %swap3A_94 = vector.load %arg10[%swap3A_92, %swap3A_93] : memref<128x4xf32, #tpu.memory_space<vmem>>, vector<128x4xf32>
      tpu.vector_store %arg10[%swap3A_92, %swap3A_93], %add3A_91 {strides = array<i32>} : memref<128x4xf32, #tpu.memory_space<vmem>>, vector<128x4xf32>,
    } else {
    }
    return
  }
  func.func @transform_0(%arg0: i32) -> (i32, i32, i32) {
    %c0_i32 = arith.constant 0 : i32
    %c0_i32_0 = arith.constant 0 : i32
    %c0_i32_1 = arith.constant 0 : i32
    return %c0_i32, %arg0, %c0_i32_0 : i32, i32, i32
  }
  func.func @transform_1(%arg0: i32) -> (i32, i32) {
    %c0_i32 = arith.constant 0 : i32
    %c0_i32_0 = arith.constant 0 : i32
    return %arg0, %c0_i32 : i32, i32
  }
  func.func @transform_2(%arg0: i32) -> (i32, i32, i32) {
    %c0_i32 = arith.constant 0 : i32
    %c0_i32_0 = arith.constant 0 : i32
    %c0_i32_1 = arith.constant 0 : i32
    return %arg0, %c0_i32, %c0_i32_0 : i32, i32, i32
  }
  func.func @transform_3(%arg0: i32) -> (i32, i32) {
    %c0_i32 = arith.constant 0 : i32
    %c0_i32_0 = arith.constant 0 : i32
    %c0_i32_1 = arith.constant 0 : i32
    return %c0_i32, %c0_i32_0 : i32, i32
  }
  func.func @transform_4(%arg0: i32) -> (i32, i32, i32) {
    %c0_i32 = arith.constant 0 : i32
    %c0_i32_0 = arith.constant 0 : i32
    %c0_i32_1 = arith.constant 0 : i32
    return %arg0, %c0_i32, %c0_i32_0 : i32, i32, i32
  }
  func.func @transform_5(%arg0: i32) -> (i32, i32) {
    %c0_i32 = arith.constant 0 : i32
    %c0_i32_0 = arith.constant 0 : i32
    %c0_i32_1 = arith.constant 0 : i32
    return %c0_i32, %c0_i32_0 : i32, i32
  }
  func.func @transform_6(%arg0: i32) -> (i32, i32) {
    %c0_i32 = arith.constant 0 : i32
    %c0_i32_0 = arith.constant 0 : i32
    %c0_i32_1 = arith.constant 0 : i32
    return %c0_i32, %c0_i32_0 : i32, i32
  }
  func.func @transform_7(%arg0: i32) -> (i32, i32) {
    %c0_i32 = arith.constant 0 : i32
    %c0_i32_0 = arith.constant 0 : i32
    %c0_i32_1 = arith.constant 0 : i32
    return %c0_i32, %c0_i32_0 : i32, i32
  }
  func.func @transform_8(%arg0: i32) -> (i32, i32) {
    %c0_i32 = arith.constant 0 : i32
    %c0_i32_0 = arith.constant 0 : i32
    %c0_i32_1 = arith.constant 0 : i32
    return %c0_i32, %c0_i32_0 : i32, i32
  }
  func.func @transform_9(%arg0: i32) -> (i32, i32) {
    %c0_i32 = arith.constant 0 : i32
    %c0_i32_0 = arith.constant 0 : i32
    %c0_i32_1 = arith.constant 0 : i32
    return %c0_i32, %c0_i32_0 : i32, i32
  }
}

</mosaic_0001>

<sc_bundles>
// kernel: kernel.12.cloned.1.call-start
scs
__scs_entry_jumppad:
0x0: {  	(pc) =	sbr.rel $0x88, $3  }
0x1: {  	(tag) =	ssettag $0x0;
	lr =	simm.s32 $0x1  }
0x2: {  	[smem:$0x3F96] =	sst lr;
	_ =	strace $0xD0000000  }
0x3: {  	_ = 	snop  }
0x4: {  	_ = 	snop  }
0x5: {  	_ = 	snop  }
0x6: {  	_ = 	snop  }
0x7: {  	_ = 	snop  }
__scs_overlays_trampoline_lowered:
0x8: {  	[smem:$0x3FA5] =	sst s0  }
0x9: {  	[smem:$0x3FA6] =	sst s1  }
0xa: {  	[smem:$0x3FA7] =	sst s2  }
0xb: {  	[smem:$0x3FA8] =	sst s3  }
0xc: {  	[smem:$0x3FA9] =	sst s4  }
0xd: {  	[smem:$0x3FAA] =	sst s5  }
0xe: {  	[smem:$0x3FAB] =	sst s6  }
0xf: {  	[smem:$0x3FAC] =	sst s7  }
0x10: {  	[smem:$0x3FAD] =	sst s8  }
0x11: {  	[smem:$0x3FAE] =	sst s9;
	s0 =	simm.s32 @!p0 $0x0  }
0x12: {  	s1 =	sld [smem:$0x3F94];
	s0 =	simm.s32 @p0 $0x1  }
0x13: {  	[smem:$0x3FAF] =	sst s0;
	s0 =	simm.s32 @!p1 $0x0  }
0x14: {  	s2 =	sld [smem:$0x3F93];
	s0 =	simm.s32 @p1 $0x1  }
0x15: {  	[smem:$0x3FB0] =	sst s0;
	s0 =	simm.s32 @!p2 $0x0  }
0x16: {  	s3 =	sld [smem:$0x3FDB];
	s0 =	simm.s32 @p2 $0x1  }
0x17: {  	s4 =	simm.s32 $0x1BF5;
	[smem:$0x3FB2] =	sst s0  }
0x18: {  	s0 =	sld [smem:$0x3F95];
	_ =	swait.ge [sflag:s4], $0x0  }
0x19: {  	s7 =	sld [smem:$0x3F96]  }
0x1a: {  	s8 =	sadd.s32 $0xFFFFE003, lr  }
0x1b: {  	s9 =	sadd.s32 $0xFFFFFEF7, lr;
	s5 =	simm.s32 $0xFFFFFFFF;
	p2 =	slt.u32 s8, $0xFFFFF086  }
0x1c: {  	p1 =	slt.u32 s9, $0xF7A;
	s5 =	simm.s32 @!p2 $0x0  }
0x1d: {  	s5 =	simm.s32 @p1 $0x1;
	p0 =	seq.s32 s7, s2  }
0x1e: {  	s7 =	smul.u32 @!p0 $0xF7A, s2;
	p2 =	seq.s32 @!p0 s5, $0x0  }
0x1f: {  	s9 =	smul.u32 $0xF7A, s1;
	s8 =	simm.s32 @!p0 $0x1BF5;
	p2 =	por !p2, p0  }
0x20: {  	[sflag:s8] =	ssyncset.s32 @!p0 $0xFFFFF086;
	s6 =	sadd.s32 @!p0 s3, s7;
	s7 =	simm.s32 @!p0 $0x108  }
0x21: {  	s3 =	sadd.s32 s3, s9;
	s6 =	sadd.s32 @!p0 $0x88, s6;
	s7 =	simm.s32 @p2 $0x1082  }
0x22: {  	[simem:s7], [sflag:s8] =	dma.local @!p0 [hbm:s6], $0xF7A  }
0x23: {  	s9 =	sor.u32 $0xD0000000, s2;
	s6 =	simm.s32 $0x108;
	_ =	swait.ge @!p0 [sflag:s8], $0x0  }
0x24: {  	s3 =	sadd.s32 $0x88, s3;
	s6 =	simm.s32 @!p1 $0x1082;
	[sflag:s4] =	ssyncset.s32 $0xFFFFF086  }
0x25: {  	[simem:s6], [sflag:s4] =	dma.local [hbm:s3], $0xF7A  }
0x26: {  	[smem:$0x3F96] =	sst s1;
	(tag) =	ssettag s2;
	_ =	strace s9  }
0x27: {  	s1 =	sld [smem:$0x3FA6]  }
0x28: {  	s2 =	sld [smem:$0x3FA7]  }
0x29: {  	s4 =	sld [smem:$0x3FA9]  }
0x2a: {  	p0 =	seq.s32 s5, $0x0;
	s5 =	sld [smem:$0x3FAA]  }
0x2b: {  	s6 =	sld [smem:$0x3FAB]  }
0x2c: {  	s7 =	sld [smem:$0x3FAC]  }
0x2d: {  	s3 =	simm.s32 $0x108;
	s8 =	sld [smem:$0x3FAD]  }
0x2e: {  	s3 =	simm.s32 @!p0 $0x1082;
	s9 =	sld [smem:$0x3FAE]  }
0x2f: {  	lr =	sadd.s32 s0, s3;
	s0 =	sld [smem:$0x3FA5]  }
0x30: {  	s3 =	sld [smem:$0x3FA8]  }
0x31: {  	[smem:$0x3FB1] =	sst s10  }
0x32: {  	s10 =	sld [smem:$0x3FAF];
	_ =	sdelay $0x3  }
0x33: {  	p0 =	seq.s32 s10, $0x1;
	s10 =	sld [smem:$0x3FB1];
	_ =	sdelay $0x3  }
0x34: {  	[smem:$0x3FB1] =	sst s10  }
0x35: {  	s10 =	sld [smem:$0x3FB0];
	_ =	sdelay $0x3  }
0x36: {  	p1 =	seq.s32 s10, $0x1;
	s10 =	sld [smem:$0x3FB1];
	_ =	sdelay $0x3  }
0x37: {  	[smem:$0x3FB1] =	sst s10  }
0x38: {  	s10 =	sld [smem:$0x3FB2]  }
0x39: {  	_ = 	snop;
	(pc) =	sbr.ind lr, $3  }
0x3a: {  	_ = 	snop  }
0x3b: {  	_ = 	snop  }
0x3c: {  	p2 =	seq.s32 s10, $0x1;
	s10 =	sld [smem:$0x3FB1]  }
0x3d: {  	_ =	shalt  }
0x3e: {  	_ =	shalt  }
0x3f: {  	_ =	shalt  }
0x40: {  	_ =	shalt  }
0x41: {  	_ =	shalt  }
0x42: {  	_ =	shalt  }
0x43: {  	_ =	shalt  }
0x44: {  	_ =	shalt  }
0x45: {  	_ =	shalt  }
0x46: {  	_ =	shalt  }
0x47: {  	_ =	shalt  }
0x48: {  	_ =	shalt  }
0x49: {  	_ =	shalt  }
0x4a: {  	_ =	shalt  }
0x4b: {  	_ =	shalt  }
0x4c: {  	_ =	shalt  }
0x4d: {  	_ =	shalt  }
0x4e: {  	_ =	shalt  }
0x4f: {  	_ =	shalt  }
0x50: {  	_ =	shalt  }
0x51: {  	_ =	shalt  }
0x52: {  	_ =	shalt  }
0x53: {  	_ =	shalt  }
0x54: {  	_ =	shalt  }
0x55: {  	_ =	shalt  }
0x56: {  	_ =	shalt  }
0x57: {  	_ =	shalt  }
0x58: {  	_ =	shalt  }
0x59: {  	_ =	shalt  }
0x5a: {  	_ =	shalt  }
0x5b: {  	_ =	shalt  }
0x5c: {  	_ =	shalt  }
0x5d: {  	_ =	shalt  }
0x5e: {  	_ =	shalt  }
0x5f: {  	_ =	shalt  }
0x60: {  	_ =	shalt  }
0x61: {  	_ =	shalt  }
0x62: {  	_ =	shalt  }
0x63: {  	_ =	shalt  }
0x64: {  	_ =	shalt  }
0x65: {  	_ =	shalt  }
0x66: {  	_ =	shalt  }
0x67: {  	_ =	shalt  }
0x68: {  	_ =	shalt  }
0x69: {  	_ =	shalt  }
0x6a: {  	_ =	shalt  }
0x6b: {  	_ =	shalt  }
0x6c: {  	_ =	shalt  }
0x6d: {  	_ =	shalt  }
0x6e: {  	_ =	shalt  }
0x6f: {  	_ =	shalt  }
0x70: {  	_ =	shalt  }
0x71: {  	_ =	shalt  }
0x72: {  	_ =	shalt  }
0x73: {  	_ =	shalt  }
0x74: {  	_ =	shalt  }
0x75: {  	_ =	shalt  }
0x76: {  	_ =	shalt  }
0x77: {  	_ =	shalt  }
0x78: {  	_ =	shalt  }
0x79: {  	_ =	shalt  }
0x7a: {  	_ =	shalt  }
0x7b: {  	_ =	shalt  }
0x7c: {  	_ =	shalt  }
0x7d: {  	_ =	shalt  }
0x7e: {  	_ =	shalt  }
0x7f: {  	_ =	shalt  }
0x80: {  	_ =	shalt  }
0x81: {  	_ =	shalt  }
0x82: {  	_ =	shalt  }
0x83: {  	_ =	shalt  }
0x84: {  	_ =	shalt  }
0x85: {  	_ =	shalt  }
0x86: {  	_ =	shalt  }
0x87: {  	_ =	shalt  }
.Lfunc_end0:
.L_simem_size_0:
called_computation.1_lowered:
.L_overlay_start_0:
0x88: {  	s2 =	sld [smem:$0x3FD9]  }
0x89: {  	s3 =	sld [smem:$0x3FFE];
	_ =	sdelay $0x1  }
0x8a: {  	s1 =	srdreg.scid  }
0x8b: {  	s0 =	sand.u32 $0x1, s1  }
0x8c: {  	s16 =	sshll.u32 s0, $0xA;
	s2 =	sadd.s32 s3, s2  }
0x8d: {  	s2 =	sadd.s32 s2, s16  }
0x8e: {  	[smem:$0x3FBD] =	sst s2  }
0x8f: {  	_ = 	snop  }
0x90: {  	(tm) =	ssettm $0x1  }
0x91: {  	s17 =	sld [smem:$0x3FFB];
	_ =	sdelay $0x3  }
0x92: {  	_ =	strace s17  }
0x93: {  	s2 =	sld [smem:$0x3FFC];
	_ =	sdelay $0x3  }
0x94: {  	_ =	strace s2  }
0x95: {  	s2 =	sld [smem:$0x3FFD];
	_ =	sdelay $0x3  }
0x96: {  	_ =	strace s2  }
0x97: {  	_ =	strace $0x8FFFFFFF  }
0x98: {  	s18 =	sld [smem:$0x3FDB];
	_ =	sdelay $0x1  }
0x99: {  	s19 =	simm.s32 $_scs_section_size  }
0x9a: {  	s4 =	simm.s32 $_size__tile_overlayer_lowered;
	s5 =	simm.s32 $_tile_overlayer_lowered  }
0x9b: {  	s22 =	simm.s32 $0x1BFF;
	s21 =	sshll.u32 s5, $0x1;
	s2 =	sadd.s32 s19, s18  }
0x9c: {  	s6 =	simm.s32 $0x0;
	s20 =	sshll.u32 s4, $0x1;
	s4 =	sadd.s32 s21, s2  }
0x9d: {  	[timem:s6], [sflag:s22] =	dma.local [hbm:s4], s20  }
0x9e: {  	_ =	swait.ge [sflag:s22], s20  }
0x9f: {  	s3 =	ssub.s32 $0x0, s20;
	[sflag:s22] =	ssyncset.done $0x0  }
0xa0: {  	[sflag:s22] =	ssyncadd.s32 s3;
	_ =	sdelay $0x1  }
0xa1: {  	s23 =	simm.s32 $0x1B8B  }
0xa2: {  	_ =	swait.ge [sflag:s23], $0x1  }
0xa3: {  	[sflag:s23] =	ssyncset.done $0x0  }
0xa4: {  	s25 =	simm.s32 $0x1B8E;
	s24 =	sld [smem:$0x3FFE];
	[sflag:s23] =	ssyncadd.s32 $0xFFFFFFFF  }
0xa5: {  	s26 =	simm.s32 $execute0_lowered;
	[smem:$0x3FD2] =	sst s25  }
0xa6: {  	s4 =	sshll.u32 s26, $0x1;
	_ =	strace $0x80000049;
	[dreg:$0x1] =	wrdreg $0xFFFFFFFF  }
0xa7: {  	s28 =	simm.s32 $_size_execute0_lowered;
	s2 =	sadd.s32 s2, s4;
	[dreg:$0x0] =	wrdreg $0x0  }
0xa8: {  	s4 =	sshll.u32 s28, $0x1;
	[dreg:$0x2] =	wrdreg s2  }
0xa9: {  	[dreg:$0x3] =	wrdreg s4  }
0xaa: {  	[dreg:$0x4] =	wrdreg $0xC0  }
0xab: {  	_ =	task [dreg:s6], $0x5FFFF  }
0xac: {  	[dreg:$0x1] =	wrdreg $0xFFFFFFFF  }
0xad: {  	[dreg:$0x0] =	wrdreg $0x60  }
0xae: {  	[dreg:$0x2] =	wrdreg s24  }
0xaf: {  	[dreg:$0x3] =	wrdreg $0xA8000  }
0xb0: {  	[dreg:$0x4] =	wrdreg $0x148000  }
0xb1: {  	[dreg:$0x5] =	wrdreg $0x9  }
0xb2: {  	_ =	task.clear_ibuf [dreg:s6], $0x6FFFF;
	_ =	strace $0x90000049  }
0xb3: {  	s29 =	simm.s32 $0x9;
	_ =	strace $0x8000004B  }
0xb4: {  	_ =	swait.ge [sflag:s29], $0x1  }
0xb5: {  	[sflag:s29] =	ssyncadd.s32 $0xFFFFFFFF  }
0xb6: {  	_ =	strace $0x9000004B  }
0xb7: {  	_ =	sfence  }
0xb8: {  	s30 =	sld [smem:$0x0];
	_ =	sdelay $0x2  }
0xb9: {  	s31 =	sshll.u32 s1, $0xD;
	s1 =	sshrl.u32 s1, $0x2  }
0xba: {  	s3 =	sand.u32 $0x4000, s31;
	s1 =	sadd.s32 s1, s30  }
0xbb: {  	s0 =	sor.u32 s3, s0;
	s1 =	sshll.u32 s1, $0x11  }
0xbc: {  	s0 =	sor.u32 s1, s0  }
0xbd: {  	s0 =	sadd.s32 $0x8F2B, s0  }
0xbe: {  	[sflag:s0] =	ssyncadd.remote.s32 $0x1  }
0xbf: {  	_ =	sfence.sel $0xFFFF  }
0xc0: {  	[dreg:$0x0] =	wrdreg $0xFFFFFFFF;
	(pc) =	sbr.abs _section_cstart, $3  }
0xc1: {  	[dreg:$0x1] =	wrdreg $0xFFFFFFFF  }
0xc2: {  	_ =	task.clear_ibuf [dreg:s6], $0x2FFFF;
	_ =	strace $0x9FFFFFFF  }
0xc3: {  	(tm) =	ssettm $0x7FFFFFFF  }
tec
execute0_lowered:
.L_overlay_start_1:
0x0: {  	(tag) =	ssettag $0x1  }
0x1: {  	s0 =	rddreg [dreg:$0x0]  }
0x2: {  	s2 =	rddreg [dreg:$0x1]  }
0x3: {  	s13 =	stileid.u32;
	s1 =	srdreg.scid  }
0x4: {  	s3 =	rddreg [dreg:$0x2];
	s4 =	simm.s32 $0x0;
	s20 =	simm.s32 $0x2800  }
0x5: {  	s21 =	simm.s32 $0x2;
	s22 =	simm.s32 $0x1;
	s5 =	smul.u32 $0x14000, s13  }
0x6: {  	s28 =	simm.s32 $0x100;
	s29 =	simm.s32 $0x6800;
	s23 =	smul.u32 $0x28000, s13  }
0x7: {  	s1 =	sand.u32 $0x1, s1;
	[smem:$0x7FF] =	sst s4;
	s12 =	smul.u32 $0xA000, s13  }
0x8: {  	s11 =	sadd.s32 $0x17800, s0;
	s19 =	sadd.s32 $0x3800, s0;
	s14 =	smul.u32 $0x5000, s13  }
0x9: {  	s6 =	smul.u32 $0x140000, s1;
	_ =	strace $0x8000004A;
	s24 =	ssub.s32 $0x2, s1  }
0xa: {  	s1 =	ssub.s32 $0x0, s1;
	s7 =	sshrl.u32 s5, $0x3;
	s25 =	sshrl.u32 s24, $0x1  }
0xb: {  	s1 =	sand.u32 $0x2800, s1;
	s10 =	sadd.s32 s7, s0;
	s5 =	sadd.s32 s5, s6  }
0xc: {  	s6 =	sshrl.u32 s23, $0x2;
	s15 =	ssub.s32 s24, s25;
	s1 =	sadd.s32 s14, s1  }
0xd: {  	s23 =	simm.s32 $0x8;
	s24 =	simm.s32 $0x10;
	s25 =	simm.s32 $0x80  }
0xe: {  	s5 =	sshrl.u32 s5, $0x3;
	s9 =	sadd.s32 s6, s2;
	s26 =	sadd.s32 $0x21800, s10  }
0xf: {  	s10 =	sadd.s32 $0x21808, s10;
	s31 =	sshrl.u32 s1, $0x3;
	s1 =	sadd.s32 $0x1400, s1  }
0x10: {  	s15 =	smax.u32 s15, $0x1;
	s0 =	sadd.s32 s5, s0;
	s5 =	sadd.s32 s12, s2  }
0x11: {  	s6 =	sadd.s32 $0x2000, s9;
	s7 =	sadd.s32 $0x4000, s9;
	s8 =	sadd.s32 $0x6000, s9  }
0x12: {  	s9 =	sadd.s32 $0x8000, s9;
	s12 =	sadd.s32 s12, s3;
	[dreg:$0x5] =	wrdreg s26  }
0x13: {  	[dreg:$0x7] =	wrdreg s10;
	s16 =	sadd.s32 s11, s31;
	s1 =	sshrl.u32 s1, $0x3  }
0x14: {  	s17 =	sadd.s32 s19, s31;
	[dreg:$0x4] =	wrdreg s12;
	s30 =	sadd.s32 $0x49800, s0  }
0x15: {  	s26 =	simm.s32 $0x4800;
	s0 =	sadd.s32 $0x49808, s0;
	[dreg:$0x6] =	wrdreg s30  }
0x16: {  	v0 =	vimm.f32 $0.0e+00;
	s18 =	sadd.s32 s11, s1;
	s19 =	sadd.s32 s19, s1;
	[dreg:$0x8] =	wrdreg s0  }
.LBB2_1:
0x17: {  	s1 =	simm.s32 $0x100;
	s0 =	simm.s32 $0x0  }
.LBB2_2:
0x18: {  	p0 =	sne.s32 s1, $0x7F00;
	[tilespmem:s0+$0x2830] =	vst v0;
	s10 =	smov.u32 s1;
	s1 =	sadd.s32 $0x100, s1  }
.Ltmp0:
0x19: {  	[tilespmem:s0+$0x2820] =	vst v0;
	(pc) =	sbr.rel @p0 .LBB2_2-.Ltmp0, $3  }
0x1a: {  	[tilespmem:s0+$0x2800] =	vst v0  }
0x1b: {  	[tilespmem:s0+$0x2810] =	vst v0;
	_ =	sdelay $0x1  }
0x1c: {  	s0 =	sshra.s32 s10, $0x2  }
0x1d: {  	[tilespmem:s0+$0x2830] =	vst v0  }
0x1e: {  	[tilespmem:s0+$0x2820] =	vst v0  }
0x1f: {  	[tilespmem:s0+$0x2800] =	vst v0  }
0x20: {  	[tilespmem:s0+$0x2810] =	vst v0  }
0x21: {  	[spmem:s5] =	stream.linear.scatter [tilespmem:s20], [sflag:$0x2], $0x2000, $0x38;
	[tilespmem:$0x1E800] =	vst v63  }
0x22: {  	_ =	swait.ge [sflag:s21], $0x2000  }
0x23: {  	[sflag:s21] =	ssyncset.done $0x0  }
0x24: {  	[sflag:s21] =	ssyncadd.s32 $0xFFFFE000  }
0x25: {  	[spmem:s6] =	stream.linear.scatter [tilespmem:s20], [sflag:$0x2], $0x2000, $0x38;
	[tilespmem:$0x1E800] =	vst v63  }
0x26: {  	_ =	swait.ge [sflag:s21], $0x2000  }
0x27: {  	[sflag:s21] =	ssyncset.done $0x0  }
0x28: {  	[sflag:s21] =	ssyncadd.s32 $0xFFFFE000  }
0x29: {  	[spmem:s7] =	stream.linear.scatter [tilespmem:s20], [sflag:$0x2], $0x2000, $0x38;
	[tilespmem:$0x1E800] =	vst v63  }
0x2a: {  	_ =	swait.ge [sflag:s21], $0x2000  }
0x2b: {  	[sflag:s21] =	ssyncset.done $0x0  }
0x2c: {  	[sflag:s21] =	ssyncadd.s32 $0xFFFFE000  }
0x2d: {  	[spmem:s8] =	stream.linear.scatter [tilespmem:s20], [sflag:$0x2], $0x2000, $0x38;
	[tilespmem:$0x1E800] =	vst v63  }
0x2e: {  	_ =	swait.ge [sflag:s21], $0x2000  }
0x2f: {  	[sflag:s21] =	ssyncset.done $0x0  }
0x30: {  	s10 =	stileid.u32;
	[sflag:s21] =	ssyncadd.s32 $0xFFFFE000  }
0x31: {  	[spmem:s9] =	stream.linear.scatter [tilespmem:s20], [sflag:$0x2], $0x2000, $0x38;
	[tilespmem:$0x1E800] =	vst v63  }
0x32: {  	s0 =	sshll.u32 s10, $0x6;
	_ =	swait.ge [sflag:s21], $0x2000  }
0x33: {  	s30 =	sor.u32 $0x1C02, s0;
	[sflag:s21] =	ssyncset.done $0x0;
	s11 =	rddreg [dreg:$0x4]  }
0x34: {  	s12 =	rddreg [dreg:$0x5];
	[sflag:s21] =	ssyncadd.s32 $0xFFFFE000;
	s31 =	sshrl.u32 s11, $0x3  }
0x35: {  	[spmem:s31@s23], [sflag:s30] =	dma.strided [hbm:s12@s24], $0x1400, s22, $0x8   }
0x36: {  	_ =	swait.ge [sflag:s21], $0x1400  }
0x37: {  	[sflag:s21] =	ssyncset.done $0x0  }
0x38: {  	[sflag:s21] =	ssyncadd.s32 $0xFFFFEC00  }
0x39: {  	s1 =	simm.s32 $0x0;
	[bflag:$0x0] =	sbarrier.arrive $0xFFFF  }
0x3a: {  	[tilespmem:s1], [sflag:$0x2] =	stream.linear.gather [hbm4b:s16+s1], $0x1400, $0x38;
	[tilespmem:$0x1E800] =	vst v63  }
0x3b: {  	_ =	swait.ge [sflag:s21], $0x1400  }
0x3c: {  	[sflag:s21] =	ssyncset.done $0x0  }
0x3d: {  	s13 =	simm.s32 $0x1400;
	[sflag:s21] =	ssyncadd.s32 $0xFFFFEC00  }
0x3e: {  	[tilespmem:s13], [sflag:$0x2] =	stream.linear.gather [hbm4b:s17+s1], $0x1400, $0x38;
	[tilespmem:$0x1E800] =	vst v63  }
0x3f: {  	_ =	swait.ge [sflag:s21], $0x1400  }
0x40: {  	[sflag:s21] =	ssyncset.done $0x0  }
0x41: {  	[sflag:s21] =	ssyncadd.s32 $0xFFFFEC00  }
0x42: {  	[tilespmem:s20], [sflag:$0x1] =	stream.indirect.gather [spmem:s3], $0x40, s1, s25, $0xb8;
	[tilespmem:$0x1E800] =	vst v63  }
0x43: {  	p0 =	por $0x0, $0x0;
	s10 =	simm.s32 $0x18000  }
0x44: {  	[tilespmem:s26], [sflag:$0x1] =	stream.indirect.gather [spmem:s3], $0x40, s25, s25, $0xb8;
	[tilespmem:$0x1E800] =	vst v63  }
0x45: {  	s10 =	sand.u32 @!p0 $0x18000, s10  }
0x46: {  	[tilespmem:s29], [sflag:$0x1] =	stream.indirect.gather [spmem:s3], $0x40, s28, s25, $0xb8;
	[tilespmem:$0x1E800] =	vst v63  }
0x47: {  	s10 =	sshrl.u32 @!p0 s10, $0x2;
	_ =	swait.ge [sflag:s22], $0x2000  }
0x48: {  	s14 =	simm.s32 $0x0;
	s10 =	sadd.s32 @!p0 $0x2800, s10;
	[sflag:s22] =	ssyncset.done $0x0  }
0x49: {  	s11 =	simm.s32 $0x180;
	s12 =	simm.s32 @!p0 $0x80;
	[sflag:s22] =	ssyncadd.s32 $0xFFFFE000  }
0x4a: {  	[tilespmem:s10], [sflag:$0x1] =	stream.indirect.gather @!p0 [spmem:s3], $0x40, s11, s12, $0xb8;
	[tilespmem:$0x1E800] =	vst v63  }
0x4b: {  	s10 =	sand.u32 $0x18000, s14  }
0x4c: {  	s10 =	sshrl.u32 s10, $0x2  }
0x4d: {  	s0 =	simm.s32 $0x20000;
	s10 =	sadd.s32 $0x2800, s10  }
0x4e: {  	[spmem:s2] =	stream.indirect.scatter.add.f32 [tilespmem:s10], [sflag:$0x2], $0x40, s13, s25, $0xb8;
	[tilespmem:$0x1E800] =	vst v63  }
0x4f: {  	s11 =	simm.s32 $0x1480;
	s10 =	simm.s32 $0x200;
	_ =	swait.ge [sflag:s21], $0x2000  }
.LBB2_4:
0x50: {  	[sflag:s21] =	ssyncset.done $0x0  }
0x51: {  	s1 =	sadd.s32 $0x1, s1;
	s12 =	smov.u32 s0;
	s0 =	sadd.s32 $0x8000, s0  }
0x52: {  	p1 =	sgt.u32 s1, $0x24;
	p0 =	sne.s32 s0, $0x158000;
	[sflag:s21] =	ssyncadd.s32 $0xFFFFE000  }
0x53: {  	_ =	swait.ge [sflag:s22], $0x2000;
	s13 =	sand.u32 @!p1 $0x18000, s12;
	s14 =	simm.s32 @!p1 $0x80  }
0x54: {  	s12 =	sadd.s32 $0xFFFE8000, s12;
	[sflag:s22] =	ssyncset.done $0x0;
	s13 =	sshrl.u32 @!p1 s13, $0x2  }
0x55: {  	s12 =	sand.u32 $0x18000, s12;
	[sflag:s22] =	ssyncadd.s32 $0xFFFFE000;
	s13 =	sadd.s32 @!p1 $0x2800, s13  }
0x56: {  	[tilespmem:s13], [sflag:$0x1] =	stream.indirect.gather @!p1 [spmem:s3], $0x40, s10, s14, $0xb8;
	[tilespmem:$0x1E800] =	vst v63  }
.Ltmp1:
0x57: {  	_ = 	snop;
	(pc) =	sbr.rel @p0 .LBB2_4-.Ltmp1, $4  }
0x58: {  	s12 =	sshrl.u32 s12, $0x2  }
0x59: {  	s12 =	sadd.s32 $0x2800, s12  }
0x5a: {  	[spmem:s2] =	stream.indirect.scatter.add.f32 [tilespmem:s12], [sflag:$0x2], $0x40, s11, s25, $0xb8;
	[tilespmem:$0x1E800] =	vst v63  }
0x5b: {  	s10 =	sadd.s32 $0x80, s10;
	s11 =	sadd.s32 $0x80, s11;
	_ =	swait.ge [sflag:s21], $0x2000  }
0x5c: {  	[sflag:s21] =	ssyncset.done $0x0  }
0x5d: {  	s1 =	simm.s32 $0x0;
	[sflag:s21] =	ssyncadd.s32 $0xFFFFE000  }
0x5e: {  	[tilespmem:s1], [sflag:$0x2] =	stream.linear.gather [hbm4b:s18+s1], $0x1400, $0x38;
	[tilespmem:$0x1E800] =	vst v63  }
0x5f: {  	_ =	swait.ge [sflag:s21], $0x1400  }
0x60: {  	[sflag:s21] =	ssyncset.done $0x0  }
0x61: {  	s0 =	simm.s32 $0x1400;
	[sflag:s21] =	ssyncadd.s32 $0xFFFFEC00  }
0x62: {  	[tilespmem:s0], [sflag:$0x2] =	stream.linear.gather [hbm4b:s19+s1], $0x1400, $0x38;
	[tilespmem:$0x1E800] =	vst v63  }
0x63: {  	_ =	swait.ge [sflag:s21], $0x1400  }
0x64: {  	[sflag:s21] =	ssyncset.done $0x0  }
0x65: {  	[sflag:s21] =	ssyncadd.s32 $0xFFFFEC00  }
0x66: {  	[tilespmem:s20], [sflag:$0x1] =	stream.indirect.gather [spmem:s3], $0x40, s1, s25, $0xb8;
	[tilespmem:$0x1E800] =	vst v63  }
0x67: {  	s10 =	simm.s32 $0x180  }
0x68: {  	[tilespmem:s26], [sflag:$0x1] =	stream.indirect.gather [spmem:s3], $0x40, s25, s25, $0xb8;
	[tilespmem:$0x1E800] =	vst v63  }
0x69: {  	s11 =	simm.s32 $0x18000;
	p0 =	por $0x0, $0x0;
	s13 =	simm.s32 $0x0  }
0x6a: {  	[tilespmem:s29], [sflag:$0x1] =	stream.indirect.gather [spmem:s3], $0x40, s28, s25, $0xb8;
	[tilespmem:$0x1E800] =	vst v63  }
0x6b: {  	s11 =	sand.u32 @!p0 $0x18000, s11;
	s12 =	simm.s32 @!p0 $0x80;
	_ =	swait.ge [sflag:s22], $0x2000  }
0x6c: {  	s13 =	sand.u32 $0x18000, s13;
	s11 =	sshrl.u32 @!p0 s11, $0x2;
	[sflag:s22] =	ssyncset.done $0x0  }
0x6d: {  	s14 =	sshrl.u32 s13, $0x2;
	s11 =	sadd.s32 @!p0 $0x2800, s11;
	[sflag:s22] =	ssyncadd.s32 $0xFFFFE000  }
0x6e: {  	[tilespmem:s11], [sflag:$0x1] =	stream.indirect.gather @!p0 [spmem:s3], $0x40, s10, s12, $0xb8;
	[tilespmem:$0x1E800] =	vst v63  }
0x6f: {  	s10 =	sadd.s32 $0x2800, s14;
	s11 =	simm.s32 $0x1480  }
0x70: {  	[spmem:s2] =	stream.indirect.scatter.add.f32 [tilespmem:s10], [sflag:$0x2], $0x40, s0, s25, $0xb8;
	[tilespmem:$0x1E800] =	vst v63  }
0x71: {  	s0 =	simm.s32 $0x20000;
	s10 =	simm.s32 $0x200;
	_ =	swait.ge [sflag:s21], $0x2000  }
.LBB2_6:
0x72: {  	[sflag:s21] =	ssyncset.done $0x0  }
0x73: {  	s1 =	sadd.s32 $0x1, s1;
	s12 =	smov.u32 s0;
	s0 =	sadd.s32 $0x8000, s0  }
0x74: {  	p1 =	sgt.u32 s1, $0x24;
	p0 =	sne.s32 s0, $0x158000;
	[sflag:s21] =	ssyncadd.s32 $0xFFFFE000  }
0x75: {  	_ =	swait.ge [sflag:s22], $0x2000;
	s13 =	sand.u32 @!p1 $0x18000, s12;
	s14 =	simm.s32 @!p1 $0x80  }
0x76: {  	s12 =	sadd.s32 $0xFFFE8000, s12;
	[sflag:s22] =	ssyncset.done $0x0;
	s13 =	sshrl.u32 @!p1 s13, $0x2  }
0x77: {  	s12 =	sand.u32 $0x18000, s12;
	[sflag:s22] =	ssyncadd.s32 $0xFFFFE000;
	s13 =	sadd.s32 @!p1 $0x2800, s13  }
0x78: {  	[tilespmem:s13], [sflag:$0x1] =	stream.indirect.gather @!p1 [spmem:s3], $0x40, s10, s14, $0xb8;
	[tilespmem:$0x1E800] =	vst v63  }
.Ltmp2:
0x79: {  	_ = 	snop;
	(pc) =	sbr.rel @p0 .LBB2_6-.Ltmp2, $4  }
0x7a: {  	s12 =	sshrl.u32 s12, $0x2  }
0x7b: {  	s12 =	sadd.s32 $0x2800, s12  }
0x7c: {  	[spmem:s2] =	stream.indirect.scatter.add.f32 [tilespmem:s12], [sflag:$0x2], $0x40, s11, s25, $0xb8;
	[tilespmem:$0x1E800] =	vst v63  }
0x7d: {  	s10 =	sadd.s32 $0x80, s10;
	s11 =	sadd.s32 $0x80, s11;
	_ =	swait.ge [sflag:s21], $0x2000  }
0x7e: {  	[sflag:s21] =	ssyncset.done $0x0  }
0x7f: {  	[sflag:s21] =	ssyncadd.s32 $0xFFFFE000  }
0x80: {  	[bflag:$0x0] =	sbarrier.arrive $0xFFFF  }
0x81: {  	s1 =	sshrl.u32 s5, $0x3;
	s0 =	rddreg [dreg:$0x6]  }
0x82: {  	[hbm:s0@s24], [sflag:s30] =	dma.strided [spmem:s1@s23], $0x1400, s22, $0x8   }
0x83: {  	_ =	swait.ge [sflag:s21], $0x1400  }
0x84: {  	[sflag:s21] =	ssyncset.done $0x0  }
0x85: {  	s10 =	simm.s32 $0x100;
	s0 =	simm.s32 $0x0;
	[sflag:s21] =	ssyncadd.s32 $0xFFFFEC00  }
.LBB2_8:
0x86: {  	p0 =	sne.s32 s10, $0x7F00;
	[tilespmem:s0+$0x2830] =	vst v0;
	s11 =	smov.u32 s10;
	s10 =	sadd.s32 $0x100, s10  }
.Ltmp3:
0x87: {  	[tilespmem:s0+$0x2820] =	vst v0;
	(pc) =	sbr.rel @p0 .LBB2_8-.Ltmp3, $3  }
0x88: {  	[tilespmem:s0+$0x2800] =	vst v0  }
0x89: {  	[tilespmem:s0+$0x2810] =	vst v0;
	_ =	sdelay $0x1  }
0x8a: {  	s0 =	sshra.s32 s11, $0x2  }
0x8b: {  	[tilespmem:s0+$0x2830] =	vst v0  }
0x8c: {  	[tilespmem:s0+$0x2820] =	vst v0  }
0x8d: {  	[tilespmem:s0+$0x2800] =	vst v0  }
0x8e: {  	[tilespmem:s0+$0x2810] =	vst v0  }
0x8f: {  	[spmem:s5] =	stream.linear.scatter [tilespmem:s20], [sflag:$0x2], $0x2000, $0x38;
	[tilespmem:$0x1E800] =	vst v63  }
0x90: {  	_ =	swait.ge [sflag:s21], $0x2000  }
0x91: {  	[sflag:s21] =	ssyncset.done $0x0  }
0x92: {  	[sflag:s21] =	ssyncadd.s32 $0xFFFFE000  }
0x93: {  	[spmem:s6] =	stream.linear.scatter [tilespmem:s20], [sflag:$0x2], $0x2000, $0x38;
	[tilespmem:$0x1E800] =	vst v63  }
0x94: {  	_ =	swait.ge [sflag:s21], $0x2000  }
0x95: {  	[sflag:s21] =	ssyncset.done $0x0  }
0x96: {  	[sflag:s21] =	ssyncadd.s32 $0xFFFFE000  }
0x97: {  	[spmem:s7] =	stream.linear.scatter [tilespmem:s20], [sflag:$0x2], $0x2000, $0x38;
	[tilespmem:$0x1E800] =	vst v63  }
0x98: {  	_ =	swait.ge [sflag:s21], $0x2000  }
0x99: {  	[sflag:s21] =	ssyncset.done $0x0  }
0x9a: {  	[sflag:s21] =	ssyncadd.s32 $0xFFFFE000  }
0x9b: {  	[spmem:s8] =	stream.linear.scatter [tilespmem:s20], [sflag:$0x2], $0x2000, $0x38;
	[tilespmem:$0x1E800] =	vst v63  }
0x9c: {  	_ =	swait.ge [sflag:s21], $0x2000  }
0x9d: {  	[sflag:s21] =	ssyncset.done $0x0  }
0x9e: {  	[sflag:s21] =	ssyncadd.s32 $0xFFFFE000  }
0x9f: {  	[spmem:s9] =	stream.linear.scatter [tilespmem:s20], [sflag:$0x2], $0x2000, $0x38;
	[tilespmem:$0x1E800] =	vst v63  }
0xa0: {  	_ =	swait.ge [sflag:s21], $0x2000  }
0xa1: {  	[sflag:s21] =	ssyncset.done $0x0  }
0xa2: {  	s12 =	rddreg [dreg:$0x7];
	[sflag:s21] =	ssyncadd.s32 $0xFFFFE000  }
0xa3: {  	[spmem:s31@s23], [sflag:s30] =	dma.strided [hbm:s12@s24], $0x1400, s22, $0x8   }
0xa4: {  	_ =	swait.ge [sflag:s21], $0x1400  }
0xa5: {  	[sflag:s21] =	ssyncset.done $0x0  }
0xa6: {  	[sflag:s21] =	ssyncadd.s32 $0xFFFFEC00  }
0xa7: {  	s31 =	simm.s32 $0x0;
	[bflag:$0x0] =	sbarrier.arrive $0xFFFF  }
0xa8: {  	[tilespmem:s31], [sflag:$0x2] =	stream.linear.gather [hbm4b:s16+s31], $0x1400, $0x38;
	[tilespmem:$0x1E800] =	vst v63  }
0xa9: {  	_ =	swait.ge [sflag:s21], $0x1400  }
0xaa: {  	[sflag:s21] =	ssyncset.done $0x0  }
0xab: {  	s13 =	simm.s32 $0x1400;
	[sflag:s21] =	ssyncadd.s32 $0xFFFFEC00  }
0xac: {  	[tilespmem:s13], [sflag:$0x2] =	stream.linear.gather [hbm4b:s17+s31], $0x1400, $0x38;
	[tilespmem:$0x1E800] =	vst v63  }
0xad: {  	_ =	swait.ge [sflag:s21], $0x1400  }
0xae: {  	[sflag:s21] =	ssyncset.done $0x0  }
0xaf: {  	[sflag:s21] =	ssyncadd.s32 $0xFFFFEC00  }
0xb0: {  	[tilespmem:s20], [sflag:$0x1] =	stream.indirect.gather [spmem:s3], $0x40, s31, s25, $0xb8;
	[tilespmem:$0x1E800] =	vst v63  }
0xb1: {  	_ = 	snop  }
0xb2: {  	[tilespmem:s26], [sflag:$0x1] =	stream.indirect.gather [spmem:s3], $0x40, s25, s25, $0xb8;
	[tilespmem:$0x1E800] =	vst v63  }
0xb3: {  	s10 =	simm.s32 $0x18000;
	p0 =	por $0x0, $0x0  }
0xb4: {  	[tilespmem:s29], [sflag:$0x1] =	stream.indirect.gather [spmem:s3], $0x40, s28, s25, $0xb8;
	[tilespmem:$0x1E800] =	vst v63  }
0xb5: {  	s11 =	simm.s32 $0x180;
	s10 =	sand.u32 @!p0 $0x18000, s10;
	_ =	swait.ge [sflag:s22], $0x2000  }
0xb6: {  	s14 =	simm.s32 $0x0;
	s10 =	sshrl.u32 @!p0 s10, $0x2;
	[sflag:s22] =	ssyncset.done $0x0  }
0xb7: {  	s10 =	sadd.s32 @!p0 $0x2800, s10;
	s12 =	simm.s32 @!p0 $0x80;
	[sflag:s22] =	ssyncadd.s32 $0xFFFFE000  }
0xb8: {  	[tilespmem:s10], [sflag:$0x1] =	stream.indirect.gather @!p0 [spmem:s3], $0x40, s11, s12, $0xb8;
	[tilespmem:$0x1E800] =	vst v63  }
0xb9: {  	s10 =	sand.u32 $0x18000, s14  }
0xba: {  	s10 =	sshrl.u32 s10, $0x2  }
0xbb: {  	s0 =	simm.s32 $0x20000;
	s10 =	sadd.s32 $0x2800, s10  }
0xbc: {  	[spmem:s2] =	stream.indirect.scatter.add.f32 [tilespmem:s10], [sflag:$0x2], $0x40, s13, s25, $0xb8;
	[tilespmem:$0x1E800] =	vst v63  }
0xbd: {  	s11 =	simm.s32 $0x1480;
	s10 =	simm.s32 $0x200;
	_ =	swait.ge [sflag:s21], $0x2000  }
.LBB2_10:
0xbe: {  	[sflag:s21] =	ssyncset.done $0x0  }
0xbf: {  	s31 =	sadd.s32 $0x1, s31;
	s12 =	smov.u32 s0;
	s0 =	sadd.s32 $0x8000, s0  }
0xc0: {  	p1 =	sgt.u32 s31, $0x24;
	p0 =	sne.s32 s0, $0x158000;
	[sflag:s21] =	ssyncadd.s32 $0xFFFFE000  }
0xc1: {  	_ =	swait.ge [sflag:s22], $0x2000;
	s13 =	sand.u32 @!p1 $0x18000, s12;
	s14 =	simm.s32 @!p1 $0x80  }
0xc2: {  	s12 =	sadd.s32 $0xFFFE8000, s12;
	[sflag:s22] =	ssyncset.done $0x0;
	s13 =	sshrl.u32 @!p1 s13, $0x2  }
0xc3: {  	s12 =	sand.u32 $0x18000, s12;
	[sflag:s22] =	ssyncadd.s32 $0xFFFFE000;
	s13 =	sadd.s32 @!p1 $0x2800, s13  }
0xc4: {  	[tilespmem:s13], [sflag:$0x1] =	stream.indirect.gather @!p1 [spmem:s3], $0x40, s10, s14, $0xb8;
	[tilespmem:$0x1E800] =	vst v63  }
.Ltmp4:
0xc5: {  	_ = 	snop;
	(pc) =	sbr.rel @p0 .LBB2_10-.Ltmp4, $4  }
0xc6: {  	s12 =	sshrl.u32 s12, $0x2  }
0xc7: {  	s12 =	sadd.s32 $0x2800, s12  }
0xc8: {  	[spmem:s2] =	stream.indirect.scatter.add.f32 [tilespmem:s12], [sflag:$0x2], $0x40, s11, s25, $0xb8;
	[tilespmem:$0x1E800] =	vst v63  }
0xc9: {  	s10 =	sadd.s32 $0x80, s10;
	s11 =	sadd.s32 $0x80, s11;
	_ =	swait.ge [sflag:s21], $0x2000  }
0xca: {  	[sflag:s21] =	ssyncset.done $0x0  }
0xcb: {  	s31 =	simm.s32 $0x0;
	[sflag:s21] =	ssyncadd.s32 $0xFFFFE000  }
0xcc: {  	[tilespmem:s31], [sflag:$0x2] =	stream.linear.gather [hbm4b:s18+s31], $0x1400, $0x38;
	[tilespmem:$0x1E800] =	vst v63  }
0xcd: {  	_ =	swait.ge [sflag:s21], $0x1400  }
0xce: {  	[sflag:s21] =	ssyncset.done $0x0  }
0xcf: {  	s0 =	simm.s32 $0x1400;
	[sflag:s21] =	ssyncadd.s32 $0xFFFFEC00  }
0xd0: {  	[tilespmem:s0], [sflag:$0x2] =	stream.linear.gather [hbm4b:s19+s31], $0x1400, $0x38;
	[tilespmem:$0x1E800] =	vst v63  }
0xd1: {  	_ =	swait.ge [sflag:s21], $0x1400  }
0xd2: {  	[sflag:s21] =	ssyncset.done $0x0  }
0xd3: {  	[sflag:s21] =	ssyncadd.s32 $0xFFFFEC00  }
0xd4: {  	[tilespmem:s20], [sflag:$0x1] =	stream.indirect.gather [spmem:s3], $0x40, s31, s25, $0xb8;
	[tilespmem:$0x1E800] =	vst v63  }
0xd5: {  	s10 =	simm.s32 $0x180  }
0xd6: {  	[tilespmem:s26], [sflag:$0x1] =	stream.indirect.gather [spmem:s3], $0x40, s25, s25, $0xb8;
	[tilespmem:$0x1E800] =	vst v63  }
0xd7: {  	s11 =	simm.s32 $0x18000;
	p0 =	por $0x0, $0x0;
	s13 =	simm.s32 $0x0  }
0xd8: {  	[tilespmem:s29], [sflag:$0x1] =	stream.indirect.gather [spmem:s3], $0x40, s28, s25, $0xb8;
	[tilespmem:$0x1E800] =	vst v63  }
0xd9: {  	s11 =	sand.u32 @!p0 $0x18000, s11;
	s12 =	simm.s32 @!p0 $0x80;
	_ =	swait.ge [sflag:s22], $0x2000  }
0xda: {  	s13 =	sand.u32 $0x18000, s13;
	s11 =	sshrl.u32 @!p0 s11, $0x2;
	[sflag:s22] =	ssyncset.done $0x0  }
0xdb: {  	s14 =	sshrl.u32 s13, $0x2;
	s11 =	sadd.s32 @!p0 $0x2800, s11;
	[sflag:s22] =	ssyncadd.s32 $0xFFFFE000  }
0xdc: {  	[tilespmem:s11], [sflag:$0x1] =	stream.indirect.gather @!p0 [spmem:s3], $0x40, s10, s12, $0xb8;
	[tilespmem:$0x1E800] =	vst v63  }
0xdd: {  	s10 =	sadd.s32 $0x2800, s14;
	s11 =	simm.s32 $0x1480  }
0xde: {  	[spmem:s2] =	stream.indirect.scatter.add.f32 [tilespmem:s10], [sflag:$0x2], $0x40, s0, s25, $0xb8;
	[tilespmem:$0x1E800] =	vst v63  }
0xdf: {  	s0 =	simm.s32 $0x20000;
	s10 =	simm.s32 $0x200;
	_ =	swait.ge [sflag:s21], $0x2000  }
.LBB2_12:
0xe0: {  	[sflag:s21] =	ssyncset.done $0x0  }
0xe1: {  	s31 =	sadd.s32 $0x1, s31;
	s12 =	smov.u32 s0;
	s0 =	sadd.s32 $0x8000, s0  }
0xe2: {  	p1 =	sgt.u32 s31, $0x24;
	p0 =	sne.s32 s0, $0x158000;
	[sflag:s21] =	ssyncadd.s32 $0xFFFFE000  }
0xe3: {  	_ =	swait.ge [sflag:s22], $0x2000;
	s13 =	sand.u32 @!p1 $0x18000, s12;
	s14 =	simm.s32 @!p1 $0x80  }
0xe4: {  	s12 =	sadd.s32 $0xFFFE8000, s12;
	[sflag:s22] =	ssyncset.done $0x0;
	s13 =	sshrl.u32 @!p1 s13, $0x2  }
0xe5: {  	s12 =	sand.u32 $0x18000, s12;
	[sflag:s22] =	ssyncadd.s32 $0xFFFFE000;
	s13 =	sadd.s32 @!p1 $0x2800, s13  }
0xe6: {  	[tilespmem:s13], [sflag:$0x1] =	stream.indirect.gather @!p1 [spmem:s3], $0x40, s10, s14, $0xb8;
	[tilespmem:$0x1E800] =	vst v63  }
.Ltmp5:
0xe7: {  	_ = 	snop;
	(pc) =	sbr.rel @p0 .LBB2_12-.Ltmp5, $4  }
0xe8: {  	s12 =	sshrl.u32 s12, $0x2  }
0xe9: {  	s12 =	sadd.s32 $0x2800, s12  }
0xea: {  	[spmem:s2] =	stream.indirect.scatter.add.f32 [tilespmem:s12], [sflag:$0x2], $0x40, s11, s25, $0xb8;
	[tilespmem:$0x1E800] =	vst v63  }
0xeb: {  	s10 =	sadd.s32 $0x80, s10;
	s11 =	sadd.s32 $0x80, s11;
	_ =	swait.ge [sflag:s21], $0x2000  }
0xec: {  	[sflag:s21] =	ssyncset.done $0x0  }
0xed: {  	s4 =	sadd.s32 $0x1, s4;
	[sflag:s21] =	ssyncadd.s32 $0xFFFFE000  }
0xee: {  	p0 =	sne.s32 s4, s15;
	[bflag:$0x0] =	sbarrier.arrive $0xFFFF  }
.Ltmp6:
0xef: {  	s0 =	rddreg [dreg:$0x8];
	(pc) =	sbr.rel @p0 .LBB2_1-.Ltmp6, $4  }
0xf0: {  	[hbm:s0@s24], [sflag:s30] =	dma.strided [spmem:s1@s23], $0x1400, s22, $0x8   }
0xf1: {  	_ =	swait.ge [sflag:s21], $0x1400  }
0xf2: {  	[sflag:s21] =	ssyncset.done $0x0  }
0xf3: {  	[sflag:s21] =	ssyncadd.s32 $0xFFFFEC00  }
0xf4: {  	_ =	sfence.sel $0x180000  }
0xf5: {  	[bflag:$0x0] =	sbarrier.arrive $0xFFFF  }
0xf6: {  	_ =	strace $0x9000004A  }
0xf7: {  	s0 =	stileid.u32;
	[bflag:$0x2] =	sbarrier.arrive $0xFFFF  }
0xf8: {  	p0 =	sne.s32 s0, $0x0;
	s0 =	rddreg [dreg:$0x3]  }
0xf9: {  	s0 =	sadd.s32 @!p0 $0x100000, s0  }
0xfa: {  	[sflag:s0] =	ssyncadd.tile.s32 @!p0 $0x1;
	_ =	shalt  }
.Lfunc_end2:
_tile_overlayer_lowered:
.L_overlay_start_2:
0xfb: {  	(tag) =	ssettag $0x2  }
0xfc: {  	s0 =	rddreg [dreg:$0x0];
	s2 =	stileid.u32  }
0xfd: {  	s1 =	rddreg [dreg:$0x1];
	p0 =	sne.s32 s2, $0x0  }
0xfe: {  	s3 =	rddreg [dreg:$0x2];
	[bflag:$0x3] =	sbarrier.arrive $0xFFFF;
	s2 =	simm.s32 @!p0 $0x1C02  }
0xff: {  	[timem:s3], [sflag:s2] =	dma.local @!p0 [hbm:s0], s1  }
0x100: {  	s0 =	simm.s32 @!p0 $0x2  }
0x101: {  	_ =	swait.ge @!p0 [sflag:s0], s1  }
0x102: {  	s1 =	ssub.s32 @!p0 $0x0, s1;
	[sflag:s0] =	ssyncset.done @!p0 $0x0  }
0x103: {  	[sflag:s0] =	ssyncadd.s32 @!p0 s1  }
0x104: {  	[bflag:$0x3] =	sbarrier.arrive $0xFFFF  }
0x105: {  	_ =	shalt  }

// kernel: kernel.15.cloned.1.call-start
scs
__scs_entry_jumppad:
0x0: {  	(pc) =	sbr.rel $0x88, $3  }
0x1: {  	(tag) =	ssettag $0x0;
	lr =	simm.s32 $0x1  }
0x2: {  	[smem:$0x3F96] =	sst lr;
	_ =	strace $0xD0000000  }
0x3: {  	_ = 	snop  }
0x4: {  	_ = 	snop  }
0x5: {  	_ = 	snop  }
0x6: {  	_ = 	snop  }
0x7: {  	_ = 	snop  }
__scs_overlays_trampoline_lowered:
0x8: {  	[smem:$0x3FA5] =	sst s0  }
0x9: {  	[smem:$0x3FA6] =	sst s1  }
0xa: {  	[smem:$0x3FA7] =	sst s2  }
0xb: {  	[smem:$0x3FA8] =	sst s3  }
0xc: {  	[smem:$0x3FA9] =	sst s4  }
0xd: {  	[smem:$0x3FAA] =	sst s5  }
0xe: {  	[smem:$0x3FAB] =	sst s6  }
0xf: {  	[smem:$0x3FAC] =	sst s7  }
0x10: {  	[smem:$0x3FAD] =	sst s8  }
0x11: {  	[smem:$0x3FAE] =	sst s9;
	s0 =	simm.s32 @!p0 $0x0  }
0x12: {  	s1 =	sld [smem:$0x3F94];
	s0 =	simm.s32 @p0 $0x1  }
0x13: {  	[smem:$0x3FAF] =	sst s0;
	s0 =	simm.s32 @!p1 $0x0  }
0x14: {  	s2 =	sld [smem:$0x3F93];
	s0 =	simm.s32 @p1 $0x1  }
0x15: {  	[smem:$0x3FB0] =	sst s0;
	s0 =	simm.s32 @!p2 $0x0  }
0x16: {  	s3 =	sld [smem:$0x3FDB];
	s0 =	simm.s32 @p2 $0x1  }
0x17: {  	s4 =	simm.s32 $0x1BF5;
	[smem:$0x3FB2] =	sst s0  }
0x18: {  	s0 =	sld [smem:$0x3F95];
	_ =	swait.ge [sflag:s4], $0x0  }
0x19: {  	s7 =	sld [smem:$0x3F96]  }
0x1a: {  	s8 =	sadd.s32 $0xFFFFE003, lr  }
0x1b: {  	s9 =	sadd.s32 $0xFFFFFEF7, lr;
	s5 =	simm.s32 $0xFFFFFFFF;
	p2 =	slt.u32 s8, $0xFFFFF086  }
0x1c: {  	p1 =	slt.u32 s9, $0xF7A;
	s5 =	simm.s32 @!p2 $0x0  }
0x1d: {  	s5 =	simm.s32 @p1 $0x1;
	p0 =	seq.s32 s7, s2  }
0x1e: {  	s7 =	smul.u32 @!p0 $0xF7A, s2;
	p2 =	seq.s32 @!p0 s5, $0x0  }
0x1f: {  	s9 =	smul.u32 $0xF7A, s1;
	s8 =	simm.s32 @!p0 $0x1BF5;
	p2 =	por !p2, p0  }
0x20: {  	[sflag:s8] =	ssyncset.s32 @!p0 $0xFFFFF086;
	s6 =	sadd.s32 @!p0 s3, s7;
	s7 =	simm.s32 @!p0 $0x108  }
0x21: {  	s3 =	sadd.s32 s3, s9;
	s6 =	sadd.s32 @!p0 $0x88, s6;
	s7 =	simm.s32 @p2 $0x1082  }
0x22: {  	[simem:s7], [sflag:s8] =	dma.local @!p0 [hbm:s6], $0xF7A  }
0x23: {  	s9 =	sor.u32 $0xD0000000, s2;
	s6 =	simm.s32 $0x108;
	_ =	swait.ge @!p0 [sflag:s8], $0x0  }
0x24: {  	s3 =	sadd.s32 $0x88, s3;
	s6 =	simm.s32 @!p1 $0x1082;
	[sflag:s4] =	ssyncset.s32 $0xFFFFF086  }
0x25: {  	[simem:s6], [sflag:s4] =	dma.local [hbm:s3], $0xF7A  }
0x26: {  	[smem:$0x3F96] =	sst s1;
	(tag) =	ssettag s2;
	_ =	strace s9  }
0x27: {  	s1 =	sld [smem:$0x3FA6]  }
0x28: {  	s2 =	sld [smem:$0x3FA7]  }
0x29: {  	s4 =	sld [smem:$0x3FA9]  }
0x2a: {  	p0 =	seq.s32 s5, $0x0;
	s5 =	sld [smem:$0x3FAA]  }
0x2b: {  	s6 =	sld [smem:$0x3FAB]  }
0x2c: {  	s7 =	sld [smem:$0x3FAC]  }
0x2d: {  	s3 =	simm.s32 $0x108;
	s8 =	sld [smem:$0x3FAD]  }
0x2e: {  	s3 =	simm.s32 @!p0 $0x1082;
	s9 =	sld [smem:$0x3FAE]  }
0x2f: {  	lr =	sadd.s32 s0, s3;
	s0 =	sld [smem:$0x3FA5]  }
0x30: {  	s3 =	sld [smem:$0x3FA8]  }
0x31: {  	[smem:$0x3FB1] =	sst s10  }
0x32: {  	s10 =	sld [smem:$0x3FAF];
	_ =	sdelay $0x3  }
0x33: {  	p0 =	seq.s32 s10, $0x1;
	s10 =	sld [smem:$0x3FB1];
	_ =	sdelay $0x3  }
0x34: {  	[smem:$0x3FB1] =	sst s10  }
0x35: {  	s10 =	sld [smem:$0x3FB0];
	_ =	sdelay $0x3  }
0x36: {  	p1 =	seq.s32 s10, $0x1;
	s10 =	sld [smem:$0x3FB1];
	_ =	sdelay $0x3  }
0x37: {  	[smem:$0x3FB1] =	sst s10  }
0x38: {  	s10 =	sld [smem:$0x3FB2]  }
0x39: {  	_ = 	snop;
	(pc) =	sbr.ind lr, $3  }
0x3a: {  	_ = 	snop  }
0x3b: {  	_ = 	snop  }
0x3c: {  	p2 =	seq.s32 s10, $0x1;
	s10 =	sld [smem:$0x3FB1]  }
0x3d: {  	_ =	shalt  }
0x3e: {  	_ =	shalt  }
0x3f: {  	_ =	shalt  }
0x40: {  	_ =	shalt  }
0x41: {  	_ =	shalt  }
0x42: {  	_ =	shalt  }
0x43: {  	_ =	shalt  }
0x44: {  	_ =	shalt  }
0x45: {  	_ =	shalt  }
0x46: {  	_ =	shalt  }
0x47: {  	_ =	shalt  }
0x48: {  	_ =	shalt  }
0x49: {  	_ =	shalt  }
0x4a: {  	_ =	shalt  }
0x4b: {  	_ =	shalt  }
0x4c: {  	_ =	shalt  }
0x4d: {  	_ =	shalt  }
0x4e: {  	_ =	shalt  }
0x4f: {  	_ =	shalt  }
0x50: {  	_ =	shalt  }
0x51: {  	_ =	shalt  }
0x52: {  	_ =	shalt  }
0x53: {  	_ =	shalt  }
0x54: {  	_ =	shalt  }
0x55: {  	_ =	shalt  }
0x56: {  	_ =	shalt  }
0x57: {  	_ =	shalt  }
0x58: {  	_ =	shalt  }
0x59: {  	_ =	shalt  }
0x5a: {  	_ =	shalt  }
0x5b: {  	_ =	shalt  }
0x5c: {  	_ =	shalt  }
0x5d: {  	_ =	shalt  }
0x5e: {  	_ =	shalt  }
0x5f: {  	_ =	shalt  }
0x60: {  	_ =	shalt  }
0x61: {  	_ =	shalt  }
0x62: {  	_ =	shalt  }
0x63: {  	_ =	shalt  }
0x64: {  	_ =	shalt  }
0x65: {  	_ =	shalt  }
0x66: {  	_ =	shalt  }
0x67: {  	_ =	shalt  }
0x68: {  	_ =	shalt  }
0x69: {  	_ =	shalt  }
0x6a: {  	_ =	shalt  }
0x6b: {  	_ =	shalt  }
0x6c: {  	_ =	shalt  }
0x6d: {  	_ =	shalt  }
0x6e: {  	_ =	shalt  }
0x6f: {  	_ =	shalt  }
0x70: {  	_ =	shalt  }
0x71: {  	_ =	shalt  }
0x72: {  	_ =	shalt  }
0x73: {  	_ =	shalt  }
0x74: {  	_ =	shalt  }
0x75: {  	_ =	shalt  }
0x76: {  	_ =	shalt  }
0x77: {  	_ =	shalt  }
0x78: {  	_ =	shalt  }
0x79: {  	_ =	shalt  }
0x7a: {  	_ =	shalt  }
0x7b: {  	_ =	shalt  }
0x7c: {  	_ =	shalt  }
0x7d: {  	_ =	shalt  }
0x7e: {  	_ =	shalt  }
0x7f: {  	_ =	shalt  }
0x80: {  	_ =	shalt  }
0x81: {  	_ =	shalt  }
0x82: {  	_ =	shalt  }
0x83: {  	_ =	shalt  }
0x84: {  	_ =	shalt  }
0x85: {  	_ =	shalt  }
0x86: {  	_ =	shalt  }
0x87: {  	_ =	shalt  }
.Lfunc_end0:
.L_simem_size_0:
called_computation.2_lowered:
.L_overlay_start_0:
0x88: {  	s2 =	sld [smem:$0x3FD9]  }
0x89: {  	s3 =	sld [smem:$0x3FFE];
	_ =	sdelay $0x1  }
0x8a: {  	s1 =	srdreg.scid  }
0x8b: {  	s0 =	sand.u32 $0x1, s1  }
0x8c: {  	s16 =	sshll.u32 s0, $0xA;
	s2 =	sadd.s32 s3, s2  }
0x8d: {  	s2 =	sadd.s32 s2, s16  }
0x8e: {  	[smem:$0x3FBD] =	sst s2  }
0x8f: {  	_ = 	snop  }
0x90: {  	(tm) =	ssettm $0x1  }
0x91: {  	s17 =	sld [smem:$0x3FFB];
	_ =	sdelay $0x3  }
0x92: {  	_ =	strace s17  }
0x93: {  	s2 =	sld [smem:$0x3FFC];
	_ =	sdelay $0x3  }
0x94: {  	_ =	strace s2  }
0x95: {  	s2 =	sld [smem:$0x3FFD];
	_ =	sdelay $0x3  }
0x96: {  	_ =	strace s2  }
0x97: {  	_ =	strace $0x8FFFFFFF  }
0x98: {  	s18 =	sld [smem:$0x3FDB];
	_ =	sdelay $0x1  }
0x99: {  	s19 =	simm.s32 $_scs_section_size  }
0x9a: {  	s4 =	simm.s32 $_size__tile_overlayer_lowered;
	s5 =	simm.s32 $_tile_overlayer_lowered  }
0x9b: {  	s22 =	simm.s32 $0x1BFF;
	s21 =	sshll.u32 s5, $0x1;
	s2 =	sadd.s32 s19, s18  }
0x9c: {  	s6 =	simm.s32 $0x0;
	s20 =	sshll.u32 s4, $0x1;
	s4 =	sadd.s32 s21, s2  }
0x9d: {  	[timem:s6], [sflag:s22] =	dma.local [hbm:s4], s20  }
0x9e: {  	_ =	swait.ge [sflag:s22], s20  }
0x9f: {  	s3 =	ssub.s32 $0x0, s20;
	[sflag:s22] =	ssyncset.done $0x0  }
0xa0: {  	[sflag:s22] =	ssyncadd.s32 s3;
	_ =	sdelay $0x1  }
0xa1: {  	s23 =	simm.s32 $0x1B8B  }
0xa2: {  	_ =	swait.ge [sflag:s23], $0x1  }
0xa3: {  	[sflag:s23] =	ssyncset.done $0x0  }
0xa4: {  	s25 =	simm.s32 $0x1B8E;
	s24 =	sld [smem:$0x3FFE];
	[sflag:s23] =	ssyncadd.s32 $0xFFFFFFFF  }
0xa5: {  	s26 =	simm.s32 $execute0_lowered;
	[smem:$0x3FD2] =	sst s25  }
0xa6: {  	s4 =	sshll.u32 s26, $0x1;
	_ =	strace $0x8000004C;
	[dreg:$0x1] =	wrdreg $0xFFFFFFFF  }
0xa7: {  	s28 =	simm.s32 $_size_execute0_lowered;
	s2 =	sadd.s32 s2, s4;
	[dreg:$0x0] =	wrdreg $0x0  }
0xa8: {  	s4 =	sshll.u32 s28, $0x1;
	[dreg:$0x2] =	wrdreg s2  }
0xa9: {  	[dreg:$0x3] =	wrdreg s4  }
0xaa: {  	[dreg:$0x4] =	wrdreg $0xC0  }
0xab: {  	_ =	task [dreg:s6], $0x5FFFF  }
0xac: {  	[dreg:$0x1] =	wrdreg $0xFFFFFFFF  }
0xad: {  	[dreg:$0x0] =	wrdreg $0x60  }
0xae: {  	[dreg:$0x2] =	wrdreg s24  }
0xaf: {  	[dreg:$0x3] =	wrdreg $0xA8000  }
0xb0: {  	[dreg:$0x4] =	wrdreg $0x148000  }
0xb1: {  	[dreg:$0x5] =	wrdreg $0x9  }
0xb2: {  	_ =	task.clear_ibuf [dreg:s6], $0x6FFFF;
	_ =	strace $0x9000004C  }
0xb3: {  	s29 =	simm.s32 $0x9;
	_ =	strace $0x8000004E  }
0xb4: {  	_ =	swait.ge [sflag:s29], $0x1  }
0xb5: {  	[sflag:s29] =	ssyncadd.s32 $0xFFFFFFFF  }
0xb6: {  	_ =	strace $0x9000004E  }
0xb7: {  	_ =	sfence  }
0xb8: {  	s30 =	sld [smem:$0x0];
	_ =	sdelay $0x2  }
0xb9: {  	s31 =	sshll.u32 s1, $0xD;
	s1 =	sshrl.u32 s1, $0x2  }
0xba: {  	s3 =	sand.u32 $0x4000, s31;
	s1 =	sadd.s32 s1, s30  }
0xbb: {  	s0 =	sor.u32 s3, s0;
	s1 =	sshll.u32 s1, $0x11  }
0xbc: {  	s0 =	sor.u32 s1, s0  }
0xbd: {  	s0 =	sadd.s32 $0x8F2B, s0  }
0xbe: {  	[sflag:s0] =	ssyncadd.remote.s32 $0x1  }
0xbf: {  	_ =	sfence.sel $0xFFFF  }
0xc0: {  	[dreg:$0x0] =	wrdreg $0xFFFFFFFF;
	(pc) =	sbr.abs _section_cstart, $3  }
0xc1: {  	[dreg:$0x1] =	wrdreg $0xFFFFFFFF  }
0xc2: {  	_ =	task.clear_ibuf [dreg:s6], $0x2FFFF;
	_ =	strace $0x9FFFFFFF  }
0xc3: {  	(tm) =	ssettm $0x7FFFFFFF  }
tec
execute0_lowered:
.L_overlay_start_1:
0x0: {  	(tag) =	ssettag $0x1  }
0x1: {  	s1 =	rddreg [dreg:$0x0]  }
0x2: {  	s2 =	rddreg [dreg:$0x1]  }
0x3: {  	s3 =	rddreg [dreg:$0x2]  }
0x4: {  	s0 =	stileid.u32;
	s6 =	srdreg.scid;
	s4 =	simm.s32 $0x0  }
0x5: {  	s17 =	simm.s32 $0x2800;
	s18 =	simm.s32 $0x2;
	s5 =	smul.u32 $0x14000, s0  }
0x6: {  	s20 =	simm.s32 $0x1;
	s21 =	simm.s32 $0x8;
	s25 =	smul.u32 $0x28000, s0  }
0x7: {  	s22 =	simm.s32 $0x10;
	s23 =	simm.s32 $0x80;
	s11 =	smul.u32 $0xA000, s0  }
0x8: {  	s6 =	sand.u32 $0x1, s6;
	[smem:$0x7FF] =	sst s4;
	s14 =	smul.u32 $0x5000, s0  }
0x9: {  	s15 =	sadd.s32 $0x17800, s1;
	s16 =	sadd.s32 $0x3800, s1;
	s8 =	smul.u32 $0x140000, s6  }
0xa: {  	_ =	strace $0x8000004D;
	s24 =	ssub.s32 $0x2, s6;
	s6 =	ssub.s32 $0x0, s6  }
0xb: {  	s7 =	sshrl.u32 s5, $0x3;
	s26 =	sshrl.u32 s24, $0x1;
	s28 =	sshrl.u32 s25, $0x2  }
0xc: {  	s13 =	sand.u32 $0x2800, s6;
	s19 =	sadd.s32 s11, s3;
	s25 =	simm.s32 $0x100  }
0xd: {  	s10 =	sadd.s32 s7, s1;
	s5 =	sadd.s32 s5, s8;
	s12 =	ssub.s32 s24, s26  }
0xe: {  	s9 =	sadd.s32 s28, s2;
	s31 =	sadd.s32 s14, s13;
	s19 =	sshrl.u32 s19, $0x3  }
0xf: {  	s24 =	simm.s32 $0x4800;
	s26 =	simm.s32 $0x6800;
	s5 =	sshrl.u32 s5, $0x3  }
0x10: {  	s29 =	sadd.s32 $0x2000, s9;
	s30 =	sadd.s32 $0x4000, s9;
	s8 =	sadd.s32 $0x6000, s9  }
0x11: {  	s9 =	sadd.s32 $0x8000, s9;
	s10 =	sadd.s32 $0x21800, s10;
	s12 =	smax.u32 s12, $0x1  }
0x12: {  	s14 =	sshrl.u32 s31, $0x3;
	s1 =	sadd.s32 s5, s1;
	s5 =	sadd.s32 s11, s2  }
0x13: {  	[dreg:$0x4] =	wrdreg s29;
	s11 =	sadd.s32 $0x49800, s1;
	s1 =	sadd.s32 $0x1400, s31  }
0x14: {  	[dreg:$0x5] =	wrdreg s30;
	s13 =	sadd.s32 s15, s14;
	s1 =	sshrl.u32 s1, $0x3  }
0x15: {  	v0 =	vimm.f32 $0.0e+00;
	s14 =	sadd.s32 s16, s14;
	s15 =	sadd.s32 s15, s1;
	s16 =	sadd.s32 s16, s1  }
.LBB2_1:
0x16: {  	s28 =	simm.s32 $0x100;
	s1 =	simm.s32 $0x0  }
.LBB2_2:
0x17: {  	p0 =	sne.s32 s28, $0x7F00;
	[tilespmem:s1+$0x2830] =	vst v0;
	s29 =	smov.u32 s28;
	s28 =	sadd.s32 $0x100, s28  }
.Ltmp0:
0x18: {  	[tilespmem:s1+$0x2820] =	vst v0;
	(pc) =	sbr.rel @p0 .LBB2_2-.Ltmp0, $3  }
0x19: {  	[tilespmem:s1+$0x2800] =	vst v0  }
0x1a: {  	[tilespmem:s1+$0x2810] =	vst v0;
	_ =	sdelay $0x1  }
0x1b: {  	s1 =	sshra.s32 s29, $0x2  }
0x1c: {  	[tilespmem:s1+$0x2830] =	vst v0  }
0x1d: {  	[tilespmem:s1+$0x2820] =	vst v0  }
0x1e: {  	[tilespmem:s1+$0x2800] =	vst v0  }
0x1f: {  	[tilespmem:s1+$0x2810] =	vst v0  }
0x20: {  	[spmem:s5] =	stream.linear.scatter [tilespmem:s17], [sflag:$0x2], $0x2000, $0x38;
	[tilespmem:$0x1E800] =	vst v63  }
0x21: {  	_ =	swait.ge [sflag:s18], $0x2000  }
0x22: {  	[sflag:s18] =	ssyncset.done $0x0  }
0x23: {  	s0 =	rddreg [dreg:$0x4];
	[sflag:s18] =	ssyncadd.s32 $0xFFFFE000  }
0x24: {  	[spmem:s0] =	stream.linear.scatter [tilespmem:s17], [sflag:$0x2], $0x2000, $0x38;
	[tilespmem:$0x1E800] =	vst v63  }
0x25: {  	_ =	swait.ge [sflag:s18], $0x2000  }
0x26: {  	[sflag:s18] =	ssyncset.done $0x0  }
0x27: {  	s6 =	rddreg [dreg:$0x5];
	[sflag:s18] =	ssyncadd.s32 $0xFFFFE000  }
0x28: {  	[spmem:s6] =	stream.linear.scatter [tilespmem:s17], [sflag:$0x2], $0x2000, $0x38;
	[tilespmem:$0x1E800] =	vst v63  }
0x29: {  	_ =	swait.ge [sflag:s18], $0x2000  }
0x2a: {  	[sflag:s18] =	ssyncset.done $0x0  }
0x2b: {  	[sflag:s18] =	ssyncadd.s32 $0xFFFFE000  }
0x2c: {  	[spmem:s8] =	stream.linear.scatter [tilespmem:s17], [sflag:$0x2], $0x2000, $0x38;
	[tilespmem:$0x1E800] =	vst v63  }
0x2d: {  	_ =	swait.ge [sflag:s18], $0x2000  }
0x2e: {  	[sflag:s18] =	ssyncset.done $0x0  }
0x2f: {  	[sflag:s18] =	ssyncadd.s32 $0xFFFFE000  }
0x30: {  	[spmem:s9] =	stream.linear.scatter [tilespmem:s17], [sflag:$0x2], $0x2000, $0x38;
	[tilespmem:$0x1E800] =	vst v63  }
0x31: {  	s7 =	stileid.u32;
	_ =	swait.ge [sflag:s18], $0x2000  }
0x32: {  	s0 =	sshll.u32 s7, $0x6;
	[sflag:s18] =	ssyncset.done $0x0  }
0x33: {  	s28 =	sor.u32 $0x1C02, s0;
	[sflag:s18] =	ssyncadd.s32 $0xFFFFE000  }
0x34: {  	[spmem:s19@s21], [sflag:s28] =	dma.strided [hbm:s10@s22], $0x1400, s20, $0x8   }
0x35: {  	_ =	swait.ge [sflag:s18], $0x1400  }
0x36: {  	[sflag:s18] =	ssyncset.done $0x0  }
0x37: {  	[sflag:s18] =	ssyncadd.s32 $0xFFFFEC00  }
0x38: {  	s29 =	simm.s32 $0x0;
	[bflag:$0x0] =	sbarrier.arrive $0xFFFF  }
0x39: {  	[tilespmem:s29], [sflag:$0x2] =	stream.linear.gather [hbm4b:s13+s29], $0x1400, $0x38;
	[tilespmem:$0x1E800] =	vst v63  }
0x3a: {  	_ =	swait.ge [sflag:s18], $0x1400  }
0x3b: {  	[sflag:s18] =	ssyncset.done $0x0  }
0x3c: {  	s6 =	simm.s32 $0x1400;
	[sflag:s18] =	ssyncadd.s32 $0xFFFFEC00  }
0x3d: {  	[tilespmem:s6], [sflag:$0x2] =	stream.linear.gather [hbm4b:s14+s29], $0x1400, $0x38;
	[tilespmem:$0x1E800] =	vst v63  }
0x3e: {  	_ =	swait.ge [sflag:s18], $0x1400  }
0x3f: {  	[sflag:s18] =	ssyncset.done $0x0  }
0x40: {  	[sflag:s18] =	ssyncadd.s32 $0xFFFFEC00  }
0x41: {  	[tilespmem:s17], [sflag:$0x1] =	stream.indirect.gather [spmem:s3], $0x40, s29, s23, $0xb8;
	[tilespmem:$0x1E800] =	vst v63  }
0x42: {  	s30 =	simm.s32 $0x18000;
	p0 =	por $0x0, $0x0  }
0x43: {  	[tilespmem:s24], [sflag:$0x1] =	stream.indirect.gather [spmem:s3], $0x40, s23, s23, $0xb8;
	[tilespmem:$0x1E800] =	vst v63  }
0x44: {  	s30 =	sand.u32 @!p0 $0x18000, s30  }
0x45: {  	[tilespmem:s26], [sflag:$0x1] =	stream.indirect.gather [spmem:s3], $0x40, s25, s23, $0xb8;
	[tilespmem:$0x1E800] =	vst v63  }
0x46: {  	s30 =	sshrl.u32 @!p0 s30, $0x2;
	_ =	swait.ge [sflag:s20], $0x2000  }
0x47: {  	s31 =	simm.s32 $0x180;
	s30 =	sadd.s32 @!p0 $0x2800, s30;
	[sflag:s20] =	ssyncset.done $0x0  }
0x48: {  	s7 =	simm.s32 $0x0;
	s0 =	simm.s32 @!p0 $0x80;
	[sflag:s20] =	ssyncadd.s32 $0xFFFFE000  }
0x49: {  	[tilespmem:s30], [sflag:$0x1] =	stream.indirect.gather @!p0 [spmem:s3], $0x40, s31, s0, $0xb8;
	[tilespmem:$0x1E800] =	vst v63  }
0x4a: {  	s0 =	sand.u32 $0x18000, s7  }
0x4b: {  	s0 =	sshrl.u32 s0, $0x2  }
0x4c: {  	s1 =	simm.s32 $0x1480;
	s0 =	sadd.s32 $0x2800, s0  }
0x4d: {  	[spmem:s2] =	stream.indirect.scatter.add.f32 [tilespmem:s0], [sflag:$0x2], $0x40, s6, s23, $0xb8;
	[tilespmem:$0x1E800] =	vst v63  }
0x4e: {  	s30 =	simm.s32 $0x20000;
	s31 =	simm.s32 $0x200;
	_ =	swait.ge [sflag:s18], $0x2000  }
.LBB2_4:
0x4f: {  	[sflag:s18] =	ssyncset.done $0x0  }
0x50: {  	s29 =	sadd.s32 $0x1, s29;
	s0 =	smov.u32 s30;
	s30 =	sadd.s32 $0x8000, s30  }
0x51: {  	p1 =	sgt.u32 s29, $0x24;
	p0 =	sne.s32 s30, $0x158000;
	[sflag:s18] =	ssyncadd.s32 $0xFFFFE000  }
0x52: {  	_ =	swait.ge [sflag:s20], $0x2000;
	s6 =	sand.u32 @!p1 $0x18000, s0;
	s7 =	simm.s32 @!p1 $0x80  }
0x53: {  	s0 =	sadd.s32 $0xFFFE8000, s0;
	[sflag:s20] =	ssyncset.done $0x0;
	s6 =	sshrl.u32 @!p1 s6, $0x2  }
0x54: {  	s0 =	sand.u32 $0x18000, s0;
	[sflag:s20] =	ssyncadd.s32 $0xFFFFE000;
	s6 =	sadd.s32 @!p1 $0x2800, s6  }
0x55: {  	[tilespmem:s6], [sflag:$0x1] =	stream.indirect.gather @!p1 [spmem:s3], $0x40, s31, s7, $0xb8;
	[tilespmem:$0x1E800] =	vst v63  }
.Ltmp1:
0x56: {  	_ = 	snop;
	(pc) =	sbr.rel @p0 .LBB2_4-.Ltmp1, $4  }
0x57: {  	s0 =	sshrl.u32 s0, $0x2  }
0x58: {  	s0 =	sadd.s32 $0x2800, s0  }
0x59: {  	[spmem:s2] =	stream.indirect.scatter.add.f32 [tilespmem:s0], [sflag:$0x2], $0x40, s1, s23, $0xb8;
	[tilespmem:$0x1E800] =	vst v63  }
0x5a: {  	s31 =	sadd.s32 $0x80, s31;
	s1 =	sadd.s32 $0x80, s1;
	_ =	swait.ge [sflag:s18], $0x2000  }
0x5b: {  	[sflag:s18] =	ssyncset.done $0x0  }
0x5c: {  	s29 =	simm.s32 $0x0;
	[sflag:s18] =	ssyncadd.s32 $0xFFFFE000  }
0x5d: {  	[tilespmem:s29], [sflag:$0x2] =	stream.linear.gather [hbm4b:s15+s29], $0x1400, $0x38;
	[tilespmem:$0x1E800] =	vst v63  }
0x5e: {  	_ =	swait.ge [sflag:s18], $0x1400  }
0x5f: {  	[sflag:s18] =	ssyncset.done $0x0  }
0x60: {  	s0 =	simm.s32 $0x1400;
	[sflag:s18] =	ssyncadd.s32 $0xFFFFEC00  }
0x61: {  	[tilespmem:s0], [sflag:$0x2] =	stream.linear.gather [hbm4b:s16+s29], $0x1400, $0x38;
	[tilespmem:$0x1E800] =	vst v63  }
0x62: {  	_ =	swait.ge [sflag:s18], $0x1400  }
0x63: {  	[sflag:s18] =	ssyncset.done $0x0  }
0x64: {  	[sflag:s18] =	ssyncadd.s32 $0xFFFFEC00  }
0x65: {  	[tilespmem:s17], [sflag:$0x1] =	stream.indirect.gather [spmem:s3], $0x40, s29, s23, $0xb8;
	[tilespmem:$0x1E800] =	vst v63  }
0x66: {  	_ = 	snop  }
0x67: {  	[tilespmem:s24], [sflag:$0x1] =	stream.indirect.gather [spmem:s3], $0x40, s23, s23, $0xb8;
	[tilespmem:$0x1E800] =	vst v63  }
0x68: {  	s1 =	simm.s32 $0x180;
	s6 =	simm.s32 $0x18000;
	p0 =	por $0x0, $0x0  }
0x69: {  	[tilespmem:s26], [sflag:$0x1] =	stream.indirect.gather [spmem:s3], $0x40, s25, s23, $0xb8;
	[tilespmem:$0x1E800] =	vst v63  }
0x6a: {  	s30 =	simm.s32 $0x0;
	s6 =	sand.u32 @!p0 $0x18000, s6;
	_ =	swait.ge [sflag:s20], $0x2000  }
0x6b: {  	s7 =	simm.s32 @!p0 $0x80;
	s6 =	sshrl.u32 @!p0 s6, $0x2;
	[sflag:s20] =	ssyncset.done $0x0  }
0x6c: {  	s30 =	sand.u32 $0x18000, s30;
	s6 =	sadd.s32 @!p0 $0x2800, s6;
	[sflag:s20] =	ssyncadd.s32 $0xFFFFE000  }
0x6d: {  	[tilespmem:s6], [sflag:$0x1] =	stream.indirect.gather @!p0 [spmem:s3], $0x40, s1, s7, $0xb8;
	[tilespmem:$0x1E800] =	vst v63  }
0x6e: {  	s7 =	sshrl.u32 s30, $0x2  }
0x6f: {  	s31 =	simm.s32 $0x200;
	s1 =	sadd.s32 $0x2800, s7  }
0x70: {  	[spmem:s2] =	stream.indirect.scatter.add.f32 [tilespmem:s1], [sflag:$0x2], $0x40, s0, s23, $0xb8;
	[tilespmem:$0x1E800] =	vst v63  }
0x71: {  	s30 =	simm.s32 $0x20000;
	s1 =	simm.s32 $0x1480;
	_ =	swait.ge [sflag:s18], $0x2000  }
.LBB2_6:
0x72: {  	[sflag:s18] =	ssyncset.done $0x0  }
0x73: {  	s29 =	sadd.s32 $0x1, s29;
	s0 =	smov.u32 s30;
	s30 =	sadd.s32 $0x8000, s30  }
0x74: {  	p1 =	sgt.u32 s29, $0x24;
	p0 =	sne.s32 s30, $0x158000;
	[sflag:s18] =	ssyncadd.s32 $0xFFFFE000  }
0x75: {  	_ =	swait.ge [sflag:s20], $0x2000;
	s6 =	sand.u32 @!p1 $0x18000, s0;
	s7 =	simm.s32 @!p1 $0x80  }
0x76: {  	s0 =	sadd.s32 $0xFFFE8000, s0;
	[sflag:s20] =	ssyncset.done $0x0;
	s6 =	sshrl.u32 @!p1 s6, $0x2  }
0x77: {  	s0 =	sand.u32 $0x18000, s0;
	[sflag:s20] =	ssyncadd.s32 $0xFFFFE000;
	s6 =	sadd.s32 @!p1 $0x2800, s6  }
0x78: {  	[tilespmem:s6], [sflag:$0x1] =	stream.indirect.gather @!p1 [spmem:s3], $0x40, s31, s7, $0xb8;
	[tilespmem:$0x1E800] =	vst v63  }
.Ltmp2:
0x79: {  	_ = 	snop;
	(pc) =	sbr.rel @p0 .LBB2_6-.Ltmp2, $4  }
0x7a: {  	s0 =	sshrl.u32 s0, $0x2  }
0x7b: {  	s0 =	sadd.s32 $0x2800, s0  }
0x7c: {  	[spmem:s2] =	stream.indirect.scatter.add.f32 [tilespmem:s0], [sflag:$0x2], $0x40, s1, s23, $0xb8;
	[tilespmem:$0x1E800] =	vst v63  }
0x7d: {  	s31 =	sadd.s32 $0x80, s31;
	s1 =	sadd.s32 $0x80, s1;
	_ =	swait.ge [sflag:s18], $0x2000  }
0x7e: {  	[sflag:s18] =	ssyncset.done $0x0;
	s4 =	sadd.s32 $0x1, s4  }
0x7f: {  	[sflag:s18] =	ssyncadd.s32 $0xFFFFE000;
	p0 =	sne.s32 s4, s12  }
.Ltmp3:
0x80: {  	s0 =	sshrl.u32 s5, $0x3;
	[bflag:$0x0] =	sbarrier.arrive $0xFFFF;
	(pc) =	sbr.rel @p0 .LBB2_1-.Ltmp3, $4  }
0x81: {  	[hbm:s11@s22], [sflag:s28] =	dma.strided [spmem:s0@s21], $0x1400, s20, $0x8   }
0x82: {  	_ =	swait.ge [sflag:s18], $0x1400  }
0x83: {  	[sflag:s18] =	ssyncset.done $0x0  }
0x84: {  	[sflag:s18] =	ssyncadd.s32 $0xFFFFEC00  }
0x85: {  	_ =	sfence.sel $0x180000  }
0x86: {  	[bflag:$0x0] =	sbarrier.arrive $0xFFFF  }
0x87: {  	_ =	strace $0x9000004D  }
0x88: {  	s0 =	stileid.u32;
	[bflag:$0x2] =	sbarrier.arrive $0xFFFF  }
0x89: {  	p0 =	sne.s32 s0, $0x0;
	s0 =	rddreg [dreg:$0x3]  }
0x8a: {  	s0 =	sadd.s32 @!p0 $0x100000, s0  }
0x8b: {  	[sflag:s0] =	ssyncadd.tile.s32 @!p0 $0x1;
	_ =	shalt  }
.Lfunc_end2:
_tile_overlayer_lowered:
.L_overlay_start_2:
0x8c: {  	(tag) =	ssettag $0x2  }
0x8d: {  	s0 =	rddreg [dreg:$0x0];
	s2 =	stileid.u32  }
0x8e: {  	s1 =	rddreg [dreg:$0x1];
	p0 =	sne.s32 s2, $0x0  }
0x8f: {  	s3 =	rddreg [dreg:$0x2];
	[bflag:$0x3] =	sbarrier.arrive $0xFFFF;
	s2 =	simm.s32 @!p0 $0x1C02  }
0x90: {  	[timem:s3], [sflag:s2] =	dma.local @!p0 [hbm:s0], s1  }
0x91: {  	s0 =	simm.s32 @!p0 $0x2  }
0x92: {  	_ =	swait.ge @!p0 [sflag:s0], s1  }
0x93: {  	s1 =	ssub.s32 @!p0 $0x0, s1;
	[sflag:s0] =	ssyncset.done @!p0 $0x0  }
0x94: {  	[sflag:s0] =	ssyncadd.s32 @!p0 s1  }
0x95: {  	[bflag:$0x3] =	sbarrier.arrive $0xFFFF  }
0x96: {  	_ =	shalt  }

// kernel: kernel.9.cloned.1.call-start
scs
__scs_entry_jumppad:
0x0: {  	(pc) =	sbr.rel $0x88, $3  }
0x1: {  	(tag) =	ssettag $0x0;
	lr =	simm.s32 $0x1  }
0x2: {  	[smem:$0x3F96] =	sst lr;
	_ =	strace $0xD0000000  }
0x3: {  	_ = 	snop  }
0x4: {  	_ = 	snop  }
0x5: {  	_ = 	snop  }
0x6: {  	_ = 	snop  }
0x7: {  	_ = 	snop  }
__scs_overlays_trampoline_lowered:
0x8: {  	[smem:$0x3FA5] =	sst s0  }
0x9: {  	[smem:$0x3FA6] =	sst s1  }
0xa: {  	[smem:$0x3FA7] =	sst s2  }
0xb: {  	[smem:$0x3FA8] =	sst s3  }
0xc: {  	[smem:$0x3FA9] =	sst s4  }
0xd: {  	[smem:$0x3FAA] =	sst s5  }
0xe: {  	[smem:$0x3FAB] =	sst s6  }
0xf: {  	[smem:$0x3FAC] =	sst s7  }
0x10: {  	[smem:$0x3FAD] =	sst s8  }
0x11: {  	[smem:$0x3FAE] =	sst s9;
	s0 =	simm.s32 @!p0 $0x0  }
0x12: {  	s1 =	sld [smem:$0x3F94];
	s0 =	simm.s32 @p0 $0x1  }
0x13: {  	[smem:$0x3FAF] =	sst s0;
	s0 =	simm.s32 @!p1 $0x0  }
0x14: {  	s2 =	sld [smem:$0x3F93];
	s0 =	simm.s32 @p1 $0x1  }
0x15: {  	[smem:$0x3FB0] =	sst s0;
	s0 =	simm.s32 @!p2 $0x0  }
0x16: {  	s3 =	sld [smem:$0x3FDB];
	s0 =	simm.s32 @p2 $0x1  }
0x17: {  	s4 =	simm.s32 $0x1BF5;
	[smem:$0x3FB2] =	sst s0  }
0x18: {  	s0 =	sld [smem:$0x3F95];
	_ =	swait.ge [sflag:s4], $0x0  }
0x19: {  	s7 =	sld [smem:$0x3F96]  }
0x1a: {  	s8 =	sadd.s32 $0xFFFFE003, lr  }
0x1b: {  	s9 =	sadd.s32 $0xFFFFFEF7, lr;
	s5 =	simm.s32 $0xFFFFFFFF;
	p2 =	slt.u32 s8, $0xFFFFF086  }
0x1c: {  	p1 =	slt.u32 s9, $0xF7A;
	s5 =	simm.s32 @!p2 $0x0  }
0x1d: {  	s5 =	simm.s32 @p1 $0x1;
	p0 =	seq.s32 s7, s2  }
0x1e: {  	s7 =	smul.u32 @!p0 $0xF7A, s2;
	p2 =	seq.s32 @!p0 s5, $0x0  }
0x1f: {  	s9 =	smul.u32 $0xF7A, s1;
	s8 =	simm.s32 @!p0 $0x1BF5;
	p2 =	por !p2, p0  }
0x20: {  	[sflag:s8] =	ssyncset.s32 @!p0 $0xFFFFF086;
	s6 =	sadd.s32 @!p0 s3, s7;
	s7 =	simm.s32 @!p0 $0x108  }
0x21: {  	s3 =	sadd.s32 s3, s9;
	s6 =	sadd.s32 @!p0 $0x88, s6;
	s7 =	simm.s32 @p2 $0x1082  }
0x22: {  	[simem:s7], [sflag:s8] =	dma.local @!p0 [hbm:s6], $0xF7A  }
0x23: {  	s9 =	sor.u32 $0xD0000000, s2;
	s6 =	simm.s32 $0x108;
	_ =	swait.ge @!p0 [sflag:s8], $0x0  }
0x24: {  	s3 =	sadd.s32 $0x88, s3;
	s6 =	simm.s32 @!p1 $0x1082;
	[sflag:s4] =	ssyncset.s32 $0xFFFFF086  }
0x25: {  	[simem:s6], [sflag:s4] =	dma.local [hbm:s3], $0xF7A  }
0x26: {  	[smem:$0x3F96] =	sst s1;
	(tag) =	ssettag s2;
	_ =	strace s9  }
0x27: {  	s1 =	sld [smem:$0x3FA6]  }
0x28: {  	s2 =	sld [smem:$0x3FA7]  }
0x29: {  	s4 =	sld [smem:$0x3FA9]  }
0x2a: {  	p0 =	seq.s32 s5, $0x0;
	s5 =	sld [smem:$0x3FAA]  }
0x2b: {  	s6 =	sld [smem:$0x3FAB]  }
0x2c: {  	s7 =	sld [smem:$0x3FAC]  }
0x2d: {  	s3 =	simm.s32 $0x108;
	s8 =	sld [smem:$0x3FAD]  }
0x2e: {  	s3 =	simm.s32 @!p0 $0x1082;
	s9 =	sld [smem:$0x3FAE]  }
0x2f: {  	lr =	sadd.s32 s0, s3;
	s0 =	sld [smem:$0x3FA5]  }
0x30: {  	s3 =	sld [smem:$0x3FA8]  }
0x31: {  	[smem:$0x3FB1] =	sst s10  }
0x32: {  	s10 =	sld [smem:$0x3FAF];
	_ =	sdelay $0x3  }
0x33: {  	p0 =	seq.s32 s10, $0x1;
	s10 =	sld [smem:$0x3FB1];
	_ =	sdelay $0x3  }
0x34: {  	[smem:$0x3FB1] =	sst s10  }
0x35: {  	s10 =	sld [smem:$0x3FB0];
	_ =	sdelay $0x3  }
0x36: {  	p1 =	seq.s32 s10, $0x1;
	s10 =	sld [smem:$0x3FB1];
	_ =	sdelay $0x3  }
0x37: {  	[smem:$0x3FB1] =	sst s10  }
0x38: {  	s10 =	sld [smem:$0x3FB2]  }
0x39: {  	_ = 	snop;
	(pc) =	sbr.ind lr, $3  }
0x3a: {  	_ = 	snop  }
0x3b: {  	_ = 	snop  }
0x3c: {  	p2 =	seq.s32 s10, $0x1;
	s10 =	sld [smem:$0x3FB1]  }
0x3d: {  	_ =	shalt  }
0x3e: {  	_ =	shalt  }
0x3f: {  	_ =	shalt  }
0x40: {  	_ =	shalt  }
0x41: {  	_ =	shalt  }
0x42: {  	_ =	shalt  }
0x43: {  	_ =	shalt  }
0x44: {  	_ =	shalt  }
0x45: {  	_ =	shalt  }
0x46: {  	_ =	shalt  }
0x47: {  	_ =	shalt  }
0x48: {  	_ =	shalt  }
0x49: {  	_ =	shalt  }
0x4a: {  	_ =	shalt  }
0x4b: {  	_ =	shalt  }
0x4c: {  	_ =	shalt  }
0x4d: {  	_ =	shalt  }
0x4e: {  	_ =	shalt  }
0x4f: {  	_ =	shalt  }
0x50: {  	_ =	shalt  }
0x51: {  	_ =	shalt  }
0x52: {  	_ =	shalt  }
0x53: {  	_ =	shalt  }
0x54: {  	_ =	shalt  }
0x55: {  	_ =	shalt  }
0x56: {  	_ =	shalt  }
0x57: {  	_ =	shalt  }
0x58: {  	_ =	shalt  }
0x59: {  	_ =	shalt  }
0x5a: {  	_ =	shalt  }
0x5b: {  	_ =	shalt  }
0x5c: {  	_ =	shalt  }
0x5d: {  	_ =	shalt  }
0x5e: {  	_ =	shalt  }
0x5f: {  	_ =	shalt  }
0x60: {  	_ =	shalt  }
0x61: {  	_ =	shalt  }
0x62: {  	_ =	shalt  }
0x63: {  	_ =	shalt  }
0x64: {  	_ =	shalt  }
0x65: {  	_ =	shalt  }
0x66: {  	_ =	shalt  }
0x67: {  	_ =	shalt  }
0x68: {  	_ =	shalt  }
0x69: {  	_ =	shalt  }
0x6a: {  	_ =	shalt  }
0x6b: {  	_ =	shalt  }
0x6c: {  	_ =	shalt  }
0x6d: {  	_ =	shalt  }
0x6e: {  	_ =	shalt  }
0x6f: {  	_ =	shalt  }
0x70: {  	_ =	shalt  }
0x71: {  	_ =	shalt  }
0x72: {  	_ =	shalt  }
0x73: {  	_ =	shalt  }
0x74: {  	_ =	shalt  }
0x75: {  	_ =	shalt  }
0x76: {  	_ =	shalt  }
0x77: {  	_ =	shalt  }
0x78: {  	_ =	shalt  }
0x79: {  	_ =	shalt  }
0x7a: {  	_ =	shalt  }
0x7b: {  	_ =	shalt  }
0x7c: {  	_ =	shalt  }
0x7d: {  	_ =	shalt  }
0x7e: {  	_ =	shalt  }
0x7f: {  	_ =	shalt  }
0x80: {  	_ =	shalt  }
0x81: {  	_ =	shalt  }
0x82: {  	_ =	shalt  }
0x83: {  	_ =	shalt  }
0x84: {  	_ =	shalt  }
0x85: {  	_ =	shalt  }
0x86: {  	_ =	shalt  }
0x87: {  	_ =	shalt  }
.Lfunc_end0:
.L_simem_size_0:
called_computation_lowered:
.L_overlay_start_0:
0x88: {  	s2 =	sld [smem:$0x3FD9]  }
0x89: {  	s3 =	sld [smem:$0x3FFE];
	_ =	sdelay $0x1  }
0x8a: {  	s1 =	srdreg.scid  }
0x8b: {  	s0 =	sand.u32 $0x1, s1  }
0x8c: {  	s16 =	sshll.u32 s0, $0xA;
	s2 =	sadd.s32 s3, s2  }
0x8d: {  	s2 =	sadd.s32 s2, s16  }
0x8e: {  	[smem:$0x3FBD] =	sst s2  }
0x8f: {  	_ = 	snop  }
0x90: {  	(tm) =	ssettm $0x1  }
0x91: {  	s17 =	sld [smem:$0x3FFB];
	_ =	sdelay $0x3  }
0x92: {  	_ =	strace s17  }
0x93: {  	s2 =	sld [smem:$0x3FFC];
	_ =	sdelay $0x3  }
0x94: {  	_ =	strace s2  }
0x95: {  	s2 =	sld [smem:$0x3FFD];
	_ =	sdelay $0x3  }
0x96: {  	_ =	strace s2  }
0x97: {  	_ =	strace $0x8FFFFFFF  }
0x98: {  	s18 =	sld [smem:$0x3FDB];
	_ =	sdelay $0x1  }
0x99: {  	s19 =	simm.s32 $_scs_section_size  }
0x9a: {  	s4 =	simm.s32 $_size__tile_overlayer_lowered;
	s5 =	simm.s32 $_tile_overlayer_lowered  }
0x9b: {  	s22 =	simm.s32 $0x1BFF;
	s21 =	sshll.u32 s5, $0x1;
	s2 =	sadd.s32 s19, s18  }
0x9c: {  	s6 =	simm.s32 $0x0;
	s20 =	sshll.u32 s4, $0x1;
	s4 =	sadd.s32 s21, s2  }
0x9d: {  	[timem:s6], [sflag:s22] =	dma.local [hbm:s4], s20  }
0x9e: {  	_ =	swait.ge [sflag:s22], s20  }
0x9f: {  	s3 =	ssub.s32 $0x0, s20;
	[sflag:s22] =	ssyncset.done $0x0  }
0xa0: {  	[sflag:s22] =	ssyncadd.s32 s3;
	_ =	sdelay $0x1  }
0xa1: {  	s23 =	simm.s32 $0x1B8B  }
0xa2: {  	_ =	swait.ge [sflag:s23], $0x1  }
0xa3: {  	[sflag:s23] =	ssyncset.done $0x0  }
0xa4: {  	s25 =	simm.s32 $0x1B8E;
	s24 =	sld [smem:$0x3FFE];
	[sflag:s23] =	ssyncadd.s32 $0xFFFFFFFF  }
0xa5: {  	s26 =	simm.s32 $execute0_lowered;
	[smem:$0x3FD2] =	sst s25  }
0xa6: {  	s4 =	sshll.u32 s26, $0x1;
	_ =	strace $0x80000046;
	[dreg:$0x1] =	wrdreg $0xFFFFFFFF  }
0xa7: {  	s28 =	simm.s32 $_size_execute0_lowered;
	s2 =	sadd.s32 s2, s4;
	[dreg:$0x0] =	wrdreg $0x0  }
0xa8: {  	s4 =	sshll.u32 s28, $0x1;
	[dreg:$0x2] =	wrdreg s2  }
0xa9: {  	[dreg:$0x3] =	wrdreg s4  }
0xaa: {  	[dreg:$0x4] =	wrdreg $0xC0  }
0xab: {  	_ =	task [dreg:s6], $0x5FFFF  }
0xac: {  	[dreg:$0x1] =	wrdreg $0xFFFFFFFF  }
0xad: {  	[dreg:$0x0] =	wrdreg $0x60  }
0xae: {  	[dreg:$0x2] =	wrdreg s24  }
0xaf: {  	[dreg:$0x3] =	wrdreg $0x30000  }
0xb0: {  	[dreg:$0x4] =	wrdreg $0x9  }
0xb1: {  	_ =	task.clear_ibuf [dreg:s6], $0x5FFFF;
	_ =	strace $0x90000046  }
0xb2: {  	s29 =	simm.s32 $0x9;
	_ =	strace $0x80000048  }
0xb3: {  	_ =	swait.ge [sflag:s29], $0x1  }
0xb4: {  	[sflag:s29] =	ssyncadd.s32 $0xFFFFFFFF  }
0xb5: {  	_ =	strace $0x90000048  }
0xb6: {  	_ =	sfence  }
0xb7: {  	s30 =	sld [smem:$0x0];
	_ =	sdelay $0x2  }
0xb8: {  	s31 =	sshll.u32 s1, $0xD;
	s1 =	sshrl.u32 s1, $0x2  }
0xb9: {  	s3 =	sand.u32 $0x4000, s31;
	s1 =	sadd.s32 s1, s30  }
0xba: {  	s0 =	sor.u32 s3, s0;
	s1 =	sshll.u32 s1, $0x11  }
0xbb: {  	s0 =	sor.u32 s1, s0  }
0xbc: {  	s0 =	sadd.s32 $0x8F2B, s0  }
0xbd: {  	[sflag:s0] =	ssyncadd.remote.s32 $0x1  }
0xbe: {  	_ =	sfence.sel $0xFFFF  }
0xbf: {  	[dreg:$0x0] =	wrdreg $0xFFFFFFFF;
	(pc) =	sbr.abs _section_cstart, $3  }
0xc0: {  	[dreg:$0x1] =	wrdreg $0xFFFFFFFF  }
0xc1: {  	_ =	task.clear_ibuf [dreg:s6], $0x2FFFF;
	_ =	strace $0x9FFFFFFF  }
0xc2: {  	(tm) =	ssettm $0x7FFFFFFF  }
0xc3: {  	_ =	shalt  }
tec
execute0_lowered:
.L_overlay_start_1:
0x0: {  	(tag) =	ssettag $0x1  }
0x1: {  	s5 =	rddreg [dreg:$0x0]  }
0x2: {  	s0 =	srdreg.scid;
	s2 =	rddreg [dreg:$0x1]  }
0x3: {  	s3 =	simm.s32 $0x0;
	s4 =	sand.u32 $0x1, s0;
	s0 =	stileid.u32  }
0x4: {  	s13 =	simm.s32 $0x2800;
	s14 =	simm.s32 $0x80;
	s7 =	smul.u32 $0x2800, s0  }
0x5: {  	s17 =	simm.s32 $0x0;
	[smem:$0x7FF] =	sst s3;
	s8 =	smul.u32 $0x28000, s4  }
0x6: {  	s1 =	sshll.u32 s4, $0x4;
	s9 =	smul.u32 $0xA000, s0;
	s4 =	ssub.s32 $0x2, s4  }
0x7: {  	s15 =	sshll.u32 s0, $0x6;
	s1 =	sor.u32 s0, s1;
	s10 =	sshrl.u32 s4, $0x1  }
0x8: {  	s15 =	sor.u32 $0x1C01, s15;
	s6 =	smul.u32 $0x500, s1;
	s1 =	rddreg [dreg:$0x2]  }
0x9: {  	_ =	strace $0x80000047;
	s8 =	sadd.s32 s7, s8;
	s9 =	sshrl.u32 s9, $0x2  }
0xa: {  	s12 =	ssub.s32 s4, s10;
	s8 =	sshrl.u32 s8, $0x3;
	s9 =	sadd.s32 s9, s2  }
0xb: {  	s6 =	sadd.s32 s6, s5;
	s11 =	sadd.s32 s8, s5;
	s5 =	sadd.s32 s7, s2  }
0xc: {  	s7 =	sadd.s32 $0x1000, s9;
	s8 =	sadd.s32 $0x1800, s9;
	s4 =	sadd.s32 $0x3800, s6  }
0xd: {  	s6 =	sadd.s32 $0x800, s9;
	s9 =	sadd.s32 $0x2000, s9;
	s10 =	sadd.s32 $0xD800, s11  }
0xe: {  	v0 =	vimm.f32 $0.0e+00;
	v1 =	vimm.f32 $1.000000000e+00;
	s11 =	smax.u32 s12, $0x1;
	s12 =	simm.s32 $0x1;
	s16 =	sshrl.u32 s5, $0x3  }
.LBB2_1:
0xf: {  	[tilespmem:s3], [sflag:$0x1] =	stream.linear.gather [hbm4b:s4+s3], $0x2800, $0x38;
	[tilespmem:$0x5800] =	vst v63  }
0x10: {  	_ =	swait.ge [sflag:s12], $0x2800  }
0x11: {  	[sflag:s12] =	ssyncset.done $0x0  }
0x12: {  	s18 =	simm.s32 $0x40;
	s19 =	simm.s32 $0x0;
	[sflag:s12] =	ssyncadd.s32 $0xFFFFD800  }
.LBB2_2:
0x13: {  	p0 =	sne.s32 s18, $0x1FC0;
	[tilespmem:s19+$0x2800] =	vst v0;
	s19 =	smov.u32 s18;
	s18 =	sadd.s32 $0x40, s18  }
.Ltmp0:
0x14: {  	(pc) =	sbr.rel @p0 .LBB2_2-.Ltmp0, $2  }
0x15: {  	_ =	sdelay $0x2  }
0x16: {  	s19 =	sshra.s32 s19, $0x2  }
0x17: {  	[tilespmem:s19+$0x2800] =	vst v0  }
0x18: {  	[spmem:s5] =	stream.linear.scatter [tilespmem:s13], [sflag:$0x1], $0x800, $0x38;
	[tilespmem:$0x5800] =	vst v63  }
0x19: {  	_ =	swait.ge [sflag:s12], $0x800  }
0x1a: {  	[sflag:s12] =	ssyncset.done $0x0  }
0x1b: {  	[sflag:s12] =	ssyncadd.s32 $0xFFFFF800  }
0x1c: {  	[spmem:s6] =	stream.linear.scatter [tilespmem:s13], [sflag:$0x1], $0x800, $0x38;
	[tilespmem:$0x5800] =	vst v63  }
0x1d: {  	_ =	swait.ge [sflag:s12], $0x800  }
0x1e: {  	[sflag:s12] =	ssyncset.done $0x0  }
0x1f: {  	[sflag:s12] =	ssyncadd.s32 $0xFFFFF800  }
0x20: {  	[spmem:s7] =	stream.linear.scatter [tilespmem:s13], [sflag:$0x1], $0x800, $0x38;
	[tilespmem:$0x5800] =	vst v63  }
0x21: {  	_ =	swait.ge [sflag:s12], $0x800  }
0x22: {  	[sflag:s12] =	ssyncset.done $0x0  }
0x23: {  	[sflag:s12] =	ssyncadd.s32 $0xFFFFF800  }
0x24: {  	[spmem:s8] =	stream.linear.scatter [tilespmem:s13], [sflag:$0x1], $0x800, $0x38;
	[tilespmem:$0x5800] =	vst v63  }
0x25: {  	_ =	swait.ge [sflag:s12], $0x800  }
0x26: {  	[sflag:s12] =	ssyncset.done $0x0  }
0x27: {  	[sflag:s12] =	ssyncadd.s32 $0xFFFFF800  }
0x28: {  	[spmem:s9] =	stream.linear.scatter [tilespmem:s13], [sflag:$0x1], $0x800, $0x38;
	[tilespmem:$0x5800] =	vst v63  }
0x29: {  	_ =	swait.ge [sflag:s12], $0x800  }
0x2a: {  	[sflag:s12] =	ssyncset.done $0x0  }
0x2b: {  	s18 =	simm.s32 $0x40;
	s19 =	simm.s32 $0x0;
	[sflag:s12] =	ssyncadd.s32 $0xFFFFF800  }
.LBB2_4:
0x2c: {  	p0 =	sne.s32 s18, $0x1FC0;
	[tilespmem:s19+$0x2800] =	vst v1;
	s19 =	smov.u32 s18;
	s18 =	sadd.s32 $0x40, s18  }
.Ltmp1:
0x2d: {  	(pc) =	sbr.rel @p0 .LBB2_4-.Ltmp1, $2  }
0x2e: {  	_ =	sdelay $0x2  }
0x2f: {  	s19 =	sshra.s32 s19, $0x2  }
0x30: {  	[tilespmem:s19+$0x2800] =	vst v1  }
0x31: {  	s18 =	simm.s32 $0x0;
	[bflag:$0x0] =	sbarrier.arrive $0xFFFF  }
0x32: {  	[spmem:s2] =	stream.indirect.scatter.add.f32 [tilespmem:s13], [sflag:$0x1], $0x10, s18, s14, $0xb8;
	[tilespmem:$0x5800] =	vst v63  }
0x33: {  	_ =	swait.ge [sflag:s12], $0x800  }
0x34: {  	s18 =	simm.s32 $0x200;
	[sflag:s12] =	ssyncset.done $0x0  }
.LBB2_6:
0x35: {  	s19 =	sshra.s32 s18, $0x2;
	[sflag:s12] =	ssyncadd.s32 $0xFFFFF800;
	p0 =	sne.s32 s18, $0x9E00  }
0x36: {  	[spmem:s2] =	stream.indirect.scatter.add.f32 [tilespmem:s13], [sflag:$0x1], $0x10, s19, s14, $0xb8;
	[tilespmem:$0x5800] =	vst v63  }
.Ltmp2:
0x37: {  	_ = 	snop;
	(pc) =	sbr.rel @p0 .LBB2_6-.Ltmp2, $4  }
0x38: {  	_ = 	snop  }
0x39: {  	s18 =	sadd.s32 $0x200, s18  }
0x3a: {  	_ =	swait.ge [sflag:s12], $0x800  }
0x3b: {  	[sflag:s12] =	ssyncset.done $0x0  }
0x3c: {  	s17 =	sadd.s32 $0x1, s17  }
0x3d: {  	[sflag:s12] =	ssyncadd.s32 $0xFFFFF800;
	p0 =	sne.s32 s17, s11  }
.Ltmp3:
0x3e: {  	[bflag:$0x0] =	sbarrier.arrive $0xFFFF;
	(pc) =	sbr.rel @p0 .LBB2_1-.Ltmp3, $4  }
0x3f: {  	[hbm:s10], [sflag:s15] =	dma.local [spmem:s16], $0x500  }
0x40: {  	_ =	swait.ge [sflag:s12], $0x500  }
0x41: {  	[sflag:s12] =	ssyncset.done $0x0  }
0x42: {  	[sflag:s12] =	ssyncadd.s32 $0xFFFFFB00  }
0x43: {  	_ =	sfence.sel $0x180000  }
0x44: {  	[bflag:$0x0] =	sbarrier.arrive $0xFFFF  }
0x45: {  	p0 =	sne.s32 s0, $0x0;
	_ =	strace $0x90000047  }
0x46: {  	s0 =	sadd.s32 @!p0 $0x100000, s1;
	[bflag:$0x2] =	sbarrier.arrive $0xFFFF  }
0x47: {  	[sflag:s0] =	ssyncadd.tile.s32 @!p0 $0x1;
	_ =	shalt  }
.Lfunc_end2:
_tile_overlayer_lowered:
.L_overlay_start_2:
0x48: {  	(tag) =	ssettag $0x2  }
0x49: {  	s0 =	rddreg [dreg:$0x0];
	s2 =	stileid.u32  }
0x4a: {  	s1 =	rddreg [dreg:$0x1];
	p0 =	sne.s32 s2, $0x0  }
0x4b: {  	s3 =	rddreg [dreg:$0x2];
	[bflag:$0x3] =	sbarrier.arrive $0xFFFF;
	s2 =	simm.s32 @!p0 $0x1C01  }
0x4c: {  	[timem:s3], [sflag:s2] =	dma.local @!p0 [hbm:s0], s1  }
0x4d: {  	s0 =	simm.s32 @!p0 $0x1  }
0x4e: {  	_ =	swait.ge @!p0 [sflag:s0], s1  }
0x4f: {  	s1 =	ssub.s32 @!p0 $0x0, s1;
	[sflag:s0] =	ssyncset.done @!p0 $0x0  }
0x50: {  	[sflag:s0] =	ssyncadd.s32 @!p0 s1  }
0x51: {  	[bflag:$0x3] =	sbarrier.arrive $0xFFFF  }
0x52: {  	_ =	shalt  }

</sc_bundles>
